<compile_context>
chip_gen: v7x
topology: tpu7x:2x2x1
jax: 0.10.2.dev20260603
libtpu: 0.0.44.dev20260713+nightly
codegen_flags: <defaults>
</compile_context>

<pallas_src>
import functools

import jax
import jax.numpy as jnp
from jax import lax
from jax.experimental import pallas as pl
from jax.experimental.pallas import tpu as pltpu
from jax.experimental.pallas import tpu_sc as plsc

N = 10000
E = 320000
H = 128

NC = 2
NS = 16
NW = NC * NS

G_PER_W = E // NW
G_CK = 80
G_CH = G_PER_W // G_CK

S_PER_W = E // NW
S_CK = 80
S_CH = S_PER_W // S_CK
NW8 = N * 8


def _precompute_body(h_ref, w1_ref, a_ref, b_ref):
    hb = h_ref[...]
    w1 = w1_ref[...]
    a_ref[...] = lax.dot_general(hb, w1[:, :H], (((1,), (1,)), ((), ())),
                                 preferred_element_type=jnp.float32)
    b_ref[...] = lax.dot_general(hb, w1[:, H:2 * H], (((1,), (1,)), ((), ())),
                                 preferred_element_type=jnp.float32)


def _precompute_ab(h, W1):
    nb = 2000
    grid = N // nb
    return pl.pallas_call(
        _precompute_body,
        grid=(grid,),
        in_specs=[
            pl.BlockSpec((nb, H), lambda i: (i, 0)),
            pl.BlockSpec((H, 2 * H + 1), lambda i: (0, 0)),
        ],
        out_specs=[
            pl.BlockSpec((nb, H), lambda i: (i, 0)),
            pl.BlockSpec((nb, H), lambda i: (i, 0)),
        ],
        out_shape=[
            jax.ShapeDtypeStruct((N, H), jnp.float32),
            jax.ShapeDtypeStruct((N, H), jnp.float32),
        ],
    )(h, W1)


def _gather_body(g_ch, a_hbm, b_hbm, rowg_hbm, colg_hbm, x1a_hbm, x1b_hbm,
                 idxr_v, idxc_v, bufa_v, bufb_v, semg, semw):
    c = lax.axis_index("c")
    s = lax.axis_index("s")
    wid = c * NS + s
    pltpu.sync_copy(rowg_hbm.at[wid], idxr_v)
    pltpu.sync_copy(colg_hbm.at[wid], idxc_v)

    def obase(j):
        return (wid * g_ch + j) * G_CK

    def start_gather(j, slot):
        pltpu.async_copy(a_hbm.at[idxr_v.at[j]], bufa_v.at[slot], semg.at[slot])
        pltpu.async_copy(b_hbm.at[idxc_v.at[j]], bufb_v.at[slot], semg.at[slot])

    def wait_gather(j, slot):
        pltpu.make_async_copy(a_hbm.at[idxr_v.at[j]], bufa_v.at[slot],
                              semg.at[slot]).wait()
        pltpu.make_async_copy(b_hbm.at[idxc_v.at[j]], bufb_v.at[slot],
                              semg.at[slot]).wait()

    def start_wb(j, slot):
        b = obase(j)
        pltpu.async_copy(bufa_v.at[slot], x1a_hbm.at[pl.ds(b, G_CK)],
                         semw.at[slot])
        pltpu.async_copy(bufb_v.at[slot], x1b_hbm.at[pl.ds(b, G_CK)],
                         semw.at[slot])

    def wait_wb(j, slot):
        b = obase(j)
        pltpu.make_async_copy(bufa_v.at[slot], x1a_hbm.at[pl.ds(b, G_CK)],
                              semw.at[slot]).wait()
        pltpu.make_async_copy(bufb_v.at[slot], x1b_hbm.at[pl.ds(b, G_CK)],
                              semw.at[slot]).wait()

    start_gather(0, 0)

    def chunk(j, _):
        p = lax.rem(j, 2)
        q = 1 - p

        @pl.when(j + 1 < g_ch)
        def _():
            @pl.when(j >= 1)
            def _():
                wait_wb(j - 1, q)

            start_gather(j + 1, q)

        wait_gather(j, p)
        start_wb(j, p)
        return ()

    lax.fori_loop(0, g_ch, chunk, ())
    wait_wb(g_ch - 2, (g_ch - 2) % 2)
    wait_wb(g_ch - 1, (g_ch - 1) % 2)


def _gather_ab(a_tab, b_tab, row_g, col_g, e_sz):
    g_ch = e_sz // NW // G_CK
    mesh = plsc.VectorSubcoreMesh(core_axis_name="c", subcore_axis_name="s")
    fn = pl.kernel(
        functools.partial(_gather_body, g_ch),
        out_type=[
            jax.ShapeDtypeStruct((e_sz, H), jnp.float32),
            jax.ShapeDtypeStruct((e_sz, H), jnp.float32),
        ],
        mesh=mesh,
        scratch_types=[
            pltpu.VMEM((g_ch, G_CK), jnp.int32),
            pltpu.VMEM((g_ch, G_CK), jnp.int32),
            pltpu.VMEM((2, G_CK, H), jnp.float32),
            pltpu.VMEM((2, G_CK, H), jnp.float32),
            pltpu.SemaphoreType.DMA((2,)),
            pltpu.SemaphoreType.DMA((2,)),
        ],
    )
    return fn(a_tab, b_tab, row_g, col_g)


def _mlp_body(x1a_ref, x1b_ref, ea_ref, cd_ref, w1c_ref, b1_ref, g1_ref,
              bt1_ref, w2_ref, b2_ref, g2_ref, bt2_ref, w3_ref, out_ref):
    x = (x1a_ref[...] + x1b_ref[...]
         + ea_ref[...] * w1c_ref[...] + b1_ref[...])
    mu = jnp.mean(x, axis=1, keepdims=True)
    xc = x - mu
    var = jnp.mean(xc * xc, axis=1, keepdims=True)
    x = xc * lax.rsqrt(var + 1e-5) * g1_ref[...] + bt1_ref[...]
    x = x * jax.nn.sigmoid(x)
    x = lax.dot_general(x, w2_ref[...], (((1,), (1,)), ((), ())),
                        preferred_element_type=jnp.float32) + b2_ref[...]
    mu = jnp.mean(x, axis=1, keepdims=True)
    xc = x - mu
    var = jnp.mean(xc * xc, axis=1, keepdims=True)
    x = xc * lax.rsqrt(var + 1e-5) * g2_ref[...] + bt2_ref[...]
    x = x * jax.nn.sigmoid(x)
    phi = lax.dot_general(w3_ref[...], x, (((1,), (1,)), ((), ())),
                          preferred_element_type=jnp.float32) * 0.01
    out_ref[...] = phi * cd_ref[...]


def _edge_mlp(x1a, x1b, ea, cdT, w1c, b1, g1, bt1, W2, b2, g2, bt2, w3):
    e_sz = x1a.shape[0]
    eb = 2560
    grid = e_sz // eb
    row_spec = pl.BlockSpec((eb, H), lambda i: (i, 0))
    vec_spec = pl.BlockSpec((1, H), lambda i: (0, 0))
    return pl.pallas_call(
        _mlp_body,
        grid=(grid,),
        in_specs=[
            row_spec,
            row_spec,
            pl.BlockSpec((eb, 1), lambda i: (i, 0)),
            pl.BlockSpec((3, eb), lambda i: (0, i)),
            vec_spec,
            vec_spec,
            vec_spec,
            vec_spec,
            pl.BlockSpec((H, H), lambda i: (0, 0)),
            vec_spec,
            vec_spec,
            vec_spec,
            vec_spec,
        ],
        out_specs=pl.BlockSpec((3, eb), lambda i: (0, i)),
        out_shape=jax.ShapeDtypeStruct((3, e_sz), jnp.float32),
    )(x1a, x1b, ea, cdT, w1c, b1, g1, bt1, W2, b2, g2, bt2, w3)


def _scatter_body(chs, coordpad_hbm, zeros_hbm, rows1_hbm, rows2_hbm,
                  trans1_hbm, trans2_hbm, partial_hbm,
                  idx1_v, idx2_v, tbuf1_v, tbuf2_v, acc_v):
    c = lax.axis_index("c")
    s = lax.axis_index("s")
    wid = c * NS + s

    @pl.when(wid == 0)
    def _():
        pltpu.sync_copy(coordpad_hbm, acc_v)

    @pl.when(wid != 0)
    def _():
        pltpu.sync_copy(zeros_hbm, acc_v)

    for rows_hbm, trans_hbm, idx_v, tbuf_v, ch in (
            (rows1_hbm, trans1_hbm, idx1_v, tbuf1_v, chs[0]),
            (rows2_hbm, trans2_hbm, idx2_v, tbuf2_v, chs[1])):
        pltpu.sync_copy(rows_hbm.at[wid], idx_v)
        pltpu.sync_copy(trans_hbm.at[:, wid], tbuf_v)

        def chunk(j, _, idx_v=idx_v, tbuf_v=tbuf_v):
            for g in range(S_CK // 16):
                rowv = idx_v[j, pl.ds(g * 16, 16)]
                flat = rowv * 8
                for comp in range(3):
                    vals = tbuf_v[comp, j, pl.ds(g * 16, 16)]
                    plsc.addupdate_scatter(acc_v, [flat + comp], vals)
            return ()

        lax.fori_loop(0, ch, chunk, ())

    pltpu.sync_copy(acc_v, partial_hbm.at[wid])


def _scatter(coordpad_flat, zeros_flat, rows1, rows2, trans1r, trans2r):
    ch1 = rows1.shape[1]
    ch2 = rows2.shape[1]
    mesh = plsc.VectorSubcoreMesh(core_axis_name="c", subcore_axis_name="s")
    fn = pl.kernel(
        functools.partial(_scatter_body, (ch1, ch2)),
        out_type=jax.ShapeDtypeStruct((NW, NW8), jnp.float32),
        mesh=mesh,
        compiler_params=pltpu.CompilerParams(use_tc_tiling_on_sc=False,
                                             needs_layout_passes=False),
        scratch_types=[
            pltpu.VMEM((ch1, S_CK), jnp.int32),
            pltpu.VMEM((ch2, S_CK), jnp.int32),
            pltpu.VMEM((3, ch1, S_CK), jnp.float32),
            pltpu.VMEM((3, ch2, S_CK), jnp.float32),
            pltpu.VMEM((NW8,), jnp.float32),
        ],
    )
    return fn(coordpad_flat, zeros_flat, rows1, rows2, trans1r, trans2r)


def _reduce_body(p_ref, o_ref):
    o_ref[...] = jnp.sum(p_ref[...], axis=0)


def _reduce_partials(partial):
    r = NW8 // 128
    return pl.pallas_call(
        _reduce_body,
        grid=(1,),
        in_specs=[pl.BlockSpec((NW, r, 128), lambda i: (0, 0, 0))],
        out_specs=pl.BlockSpec((r, 128), lambda i: (0, 0)),
        out_shape=jax.ShapeDtypeStruct((r, 128), jnp.float32),
    )(partial.reshape(NW, r, 128))


E1 = 64 * 2560
E2 = E - E1


def kernel(h, coord, edge_index, coord_diff, edge_attr,
           W1, b1, g1, bt1, W2, b2, g2, bt2, W3):
    ei = edge_index.astype(jnp.int32)
    row = ei[0]
    col = ei[1]

    a_tab, b_tab = _precompute_ab(h, W1)

    w1c = W1[:, 2 * H].reshape(1, H)
    vecs = (w1c, b1.reshape(1, H), g1.reshape(1, H), bt1.reshape(1, H),
            W2, b2.reshape(1, H), g2.reshape(1, H), bt2.reshape(1, H),
            W3.reshape(1, H))

    gathered = []
    rows_r = []
    for lo, sz in ((0, E1), (E1, E2)):
        ch = sz // NW // G_CK
        r = lax.dynamic_slice_in_dim(row, lo, sz)
        cc = lax.dynamic_slice_in_dim(col, lo, sz)
        gathered.append(_gather_ab(a_tab, b_tab,
                                   r.reshape(NW, ch, G_CK),
                                   cc.reshape(NW, ch, G_CK), sz))
        rows_r.append(r.reshape(NW, ch, G_CK))

    trans = []
    for (lo, sz), (x1a, x1b) in zip(((0, E1), (E1, E2)), gathered):
        ch = sz // NW // G_CK
        cdT = lax.dynamic_slice_in_dim(coord_diff, lo, sz).reshape(sz, 3).T
        ea = lax.dynamic_slice_in_dim(edge_attr, lo, sz)
        t = _edge_mlp(x1a, x1b, ea, cdT, *vecs)
        trans.append(t.reshape(3, NW, ch, G_CK))

    coordpad = jnp.concatenate(
        [coord.reshape(N, 3), jnp.zeros((N, 5), jnp.float32)], axis=1)
    partial = _scatter(coordpad.reshape(NW8), jnp.zeros((NW8,), jnp.float32),
                       rows_r[0], rows_r[1], trans[0], trans[1])
    outpad = _reduce_partials(partial).reshape(N, 8)
    return outpad[:, :3].reshape(N, 1, 3)

# --- scband reference (transcript-rebuilt; emitter-appended) ---
"""Pipeline reference for scband-equivariant-update-987842478183 (READ-ONLY COPY).

The authoritative reference and input builder live on the scoring server;
editing this copy changes nothing except your own understanding.
"""

import jax, jax.numpy as jnp
import numpy as np

N = 10000
E = 320000
H = 128
EIN = 1
NC = 1
NORM_FACTOR = 100.0


def _layernorm(x, g, b, eps=1e-5):
    mu = jnp.mean(x, axis=-1, keepdims=True)
    var = jnp.var(x, axis=-1, keepdims=True)
    return (x - mu) / jnp.sqrt(var + eps) * g + b


def setup_inputs(seed: int = 0) -> dict:
    key = jax.random.key(seed)
    ks = jax.random.split(key, 12)
    h = jax.random.normal(ks[0], (N, H), dtype=jnp.float32)
    coord = jax.random.normal(ks[1], (N, NC, 3), dtype=jnp.float32)
    edge_index = jax.random.randint(ks[2], (3, E), 0, N).astype(jnp.int64)
    coord_diff = jax.random.normal(ks[3], (E, NC, 3), dtype=jnp.float32)
    edge_attr = jax.random.normal(ks[4], (E, EIN), dtype=jnp.float32)
    in_e = 2 * H + EIN
    W1 = jax.random.normal(ks[5], (H, in_e), dtype=jnp.float32) * (1.0 / np.sqrt(in_e))
    b1 = jnp.zeros((H,), dtype=jnp.float32)
    g1 = jnp.ones((H,), dtype=jnp.float32)
    bt1 = jnp.zeros((H,), dtype=jnp.float32)
    W2 = jax.random.normal(ks[6], (H, H), dtype=jnp.float32) * (1.0 / np.sqrt(H))
    b2 = jnp.zeros((H,), dtype=jnp.float32)
    g2 = jnp.ones((H,), dtype=jnp.float32)
    bt2 = jnp.zeros((H,), dtype=jnp.float32)
    W3 = jax.random.normal(ks[7], (NC * NC, H), dtype=jnp.float32) * 0.01  # xavier gain=0.01, no bias
    return {"h": h, "coord": coord, "edge_index": edge_index, "coord_diff": coord_diff,
            "edge_attr": edge_attr, "W1": W1, "b1": b1, "g1": g1, "bt1": bt1,
            "W2": W2, "b2": b2, "g2": g2, "bt2": bt2, "W3": W3}


def reference(h, coord, edge_index, coord_diff, edge_attr, W1, b1, g1, bt1, W2, b2, g2, bt2, W3):
    row = edge_index[0]
    col = edge_index[1]
    inp = jnp.concatenate([h[row], h[col], edge_attr], axis=1)  # [E, 2H+EIN]
    x = inp @ W1.T + b1
    x = _layernorm(x, g1, bt1)
    x = jax.nn.silu(x)
    x = x @ W2.T + b2
    x = _layernorm(x, g2, bt2)
    x = jax.nn.silu(x)
    phi = (x @ W3.T).reshape(-1, NC, NC)  # [E, NC, NC]
    trans = jnp.einsum('ijk,ijl->ilk', coord_diff, phi)  # [E, NC, 3]
    agg = jax.ops.segment_sum(trans, row, num_segments=N) / NORM_FACTOR  # aggregation_method='sum'
    return coord + agg

if __name__ == "__main__":
    import jax
    _d = setup_inputs()
    print(jax.jit(kernel)(*tuple(_d.values())))

</pallas_src>

<mosaic_0001>
#map = affine_map<(d0, d1) -> (0, 0)>
#map1 = affine_map<(d0, d1) -> (0, 0, 0)>
module attributes {stable_mosaic.version = 14 : i64} {
  func.func @_gather_body(%arg0: i32, %arg1: i32, %arg2: memref<10000x128xf32, #tpu.memory_space<hbm>>, %arg3: memref<10000x128xf32, #tpu.memory_space<hbm>>, %arg4: memref<32x64x80xi32, #tpu.memory_space<hbm>>, %arg5: memref<32x64x80xi32, #tpu.memory_space<hbm>>, %arg6: memref<163840x128xf32, #tpu.memory_space<hbm>>, %arg7: memref<163840x128xf32, #tpu.memory_space<hbm>>, %arg8: memref<64x80xi32, #tpu.memory_space<vmem>>, %arg9: memref<64x80xi32, #tpu.memory_space<vmem>>, %arg10: memref<2x80x128xf32, #tpu.memory_space<vmem>>, %arg11: memref<2x80x128xf32, #tpu.memory_space<vmem>>, %arg12: memref<2x!tpu.dma_semaphore, #tpu.memory_space<semaphore_mem>>, %arg13: memref<2x!tpu.dma_semaphore, #tpu.memory_space<semaphore_mem>>) attributes {dimension_semantics = [#tpu.dimension_semantics<core_parallel>, #tpu.dimension_semantics<subcore_parallel>], iteration_bounds = array<i64: 2, 16>, scalar_prefetch = 0 : i64, scratch_operands = 6 : i64, tpu.core_type = #tpu.core_type<sc_vector_subcore>, window_params = [{transform_indices = #map}, {transform_indices = #map}, {transform_indices = #map1}, {transform_indices = #map1}, {transform_indices = #map}, {transform_indices = #map}]} {
    %mul3A = arith.constant 16 : i32
    %mul3A_0 = arith.muli %arg0, %mul3A : i32
    %add3A = arith.addi %mul3A_0, %arg1 : i32
    "tpu.region"() ({
      %run_scoped3A = tpu.sem_alloc : memref<!tpu.dma_semaphore, #tpu.memory_space<semaphore_mem>>
      %dma_start3A_109 = arith.constant 0 : i32
      %dma_start3A_110 = arith.constant 0 : i32
      %dma_start3A_111 = tpu.memref_slice %arg4[%add3A, %dma_start3A_109, %dma_start3A_110] : memref<32x64x80xi32, #tpu.memory_space<hbm>> -> memref<1x64x80xi32, #tpu.memory_space<hbm>>
      %dma_start3A_112 = tpu.memref_squeeze %dma_start3A_111 : memref<1x64x80xi32, #tpu.memory_space<hbm>> -> memref<64x80xi32, #tpu.memory_space<hbm>>
      %dma_start3A_113 = arith.constant 0 : i32
      %dma_start3A_114 = arith.constant 0 : i32
      %dma_start3A_115 = tpu.memref_slice %arg4[%add3A, %dma_start3A_113, %dma_start3A_114] : memref<32x64x80xi32, #tpu.memory_space<hbm>> -> memref<1x64x80xi32, #tpu.memory_space<hbm>>
      %dma_start3A_116 = tpu.memref_squeeze %dma_start3A_115 : memref<1x64x80xi32, #tpu.memory_space<hbm>> -> memref<64x80xi32, #tpu.memory_space<hbm>>
      tpu.enqueue_dma source(%dma_start3A_116 : memref<64x80xi32, #tpu.memory_space<hbm>>) target(%arg8 : memref<64x80xi32, #tpu.memory_space<vmem>>) target_semaphore(%run_scoped3A : memref<!tpu.dma_semaphore, #tpu.memory_space<semaphore_mem>>)
      %dma_wait3A_117 = arith.constant 0 : i32
      %dma_wait3A_118 = arith.constant 0 : i32
      %dma_wait3A_119 = tpu.memref_slice %arg4[%add3A, %dma_wait3A_117, %dma_wait3A_118] : memref<32x64x80xi32, #tpu.memory_space<hbm>> -> memref<1x64x80xi32, #tpu.memory_space<hbm>>
      %dma_wait3A_120 = tpu.memref_squeeze %dma_wait3A_119 : memref<1x64x80xi32, #tpu.memory_space<hbm>> -> memref<64x80xi32, #tpu.memory_space<hbm>>
      %dma_wait3A_121 = arith.constant 0 : i32
      %dma_wait3A_122 = arith.constant 0 : i32
      %dma_wait3A_123 = tpu.memref_slice %arg4[%add3A, %dma_wait3A_121, %dma_wait3A_122] : memref<32x64x80xi32, #tpu.memory_space<hbm>> -> memref<1x64x80xi32, #tpu.memory_space<hbm>>
      %dma_wait3A_124 = tpu.memref_squeeze %dma_wait3A_123 : memref<1x64x80xi32, #tpu.memory_space<hbm>> -> memref<64x80xi32, #tpu.memory_space<hbm>>
      tpu.wait_dma2 semaphore(%run_scoped3A : memref<!tpu.dma_semaphore, #tpu.memory_space<semaphore_mem>>) src(%dma_wait3A_124 : memref<64x80xi32, #tpu.memory_space<hbm>>) dst(%arg8 : memref<64x80xi32, #tpu.memory_space<vmem>>)
      tpu.yield
    }) : () -> ()
    "tpu.region"() ({
      %run_scoped3A = tpu.sem_alloc : memref<!tpu.dma_semaphore, #tpu.memory_space<semaphore_mem>>
      %dma_start3A_109 = arith.constant 0 : i32
      %dma_start3A_110 = arith.constant 0 : i32
      %dma_start3A_111 = tpu.memref_slice %arg5[%add3A, %dma_start3A_109, %dma_start3A_110] : memref<32x64x80xi32, #tpu.memory_space<hbm>> -> memref<1x64x80xi32, #tpu.memory_space<hbm>>
      %dma_start3A_112 = tpu.memref_squeeze %dma_start3A_111 : memref<1x64x80xi32, #tpu.memory_space<hbm>> -> memref<64x80xi32, #tpu.memory_space<hbm>>
      %dma_start3A_113 = arith.constant 0 : i32
      %dma_start3A_114 = arith.constant 0 : i32
      %dma_start3A_115 = tpu.memref_slice %arg5[%add3A, %dma_start3A_113, %dma_start3A_114] : memref<32x64x80xi32, #tpu.memory_space<hbm>> -> memref<1x64x80xi32, #tpu.memory_space<hbm>>
      %dma_start3A_116 = tpu.memref_squeeze %dma_start3A_115 : memref<1x64x80xi32, #tpu.memory_space<hbm>> -> memref<64x80xi32, #tpu.memory_space<hbm>>
      tpu.enqueue_dma source(%dma_start3A_116 : memref<64x80xi32, #tpu.memory_space<hbm>>) target(%arg9 : memref<64x80xi32, #tpu.memory_space<vmem>>) target_semaphore(%run_scoped3A : memref<!tpu.dma_semaphore, #tpu.memory_space<semaphore_mem>>)
      %dma_wait3A_117 = arith.constant 0 : i32
      %dma_wait3A_118 = arith.constant 0 : i32
      %dma_wait3A_119 = tpu.memref_slice %arg5[%add3A, %dma_wait3A_117, %dma_wait3A_118] : memref<32x64x80xi32, #tpu.memory_space<hbm>> -> memref<1x64x80xi32, #tpu.memory_space<hbm>>
      %dma_wait3A_120 = tpu.memref_squeeze %dma_wait3A_119 : memref<1x64x80xi32, #tpu.memory_space<hbm>> -> memref<64x80xi32, #tpu.memory_space<hbm>>
      %dma_wait3A_121 = arith.constant 0 : i32
      %dma_wait3A_122 = arith.constant 0 : i32
      %dma_wait3A_123 = tpu.memref_slice %arg5[%add3A, %dma_wait3A_121, %dma_wait3A_122] : memref<32x64x80xi32, #tpu.memory_space<hbm>> -> memref<1x64x80xi32, #tpu.memory_space<hbm>>
      %dma_wait3A_124 = tpu.memref_squeeze %dma_wait3A_123 : memref<1x64x80xi32, #tpu.memory_space<hbm>> -> memref<64x80xi32, #tpu.memory_space<hbm>>
      tpu.wait_dma2 semaphore(%run_scoped3A : memref<!tpu.dma_semaphore, #tpu.memory_space<semaphore_mem>>) src(%dma_wait3A_124 : memref<64x80xi32, #tpu.memory_space<hbm>>) dst(%arg9 : memref<64x80xi32, #tpu.memory_space<vmem>>)
      tpu.yield
    }) : () -> ()
    %dma_start3A = arith.constant 0 : i32
    %dma_start3A_1 = arith.constant 0 : i32
    %dma_start3A_2 = arith.constant 0 : i32
    %dma_start3A_3 = arith.constant 0 : i32
    %dma_start3A_4 = arith.constant 0 : i32
    %dma_start3A_5 = tpu.memref_slice %arg10[%dma_start3A_1, %dma_start3A_3, %dma_start3A_4] : memref<2x80x128xf32, #tpu.memory_space<vmem>> -> memref<1x80x128xf32, #tpu.memory_space<vmem>>
    %dma_start3A_6 = tpu.memref_squeeze %dma_start3A_5 : memref<1x80x128xf32, #tpu.memory_space<vmem>> -> memref<80x128xf32, #tpu.memory_space<vmem>>
    %dma_start3A_7 = arith.constant 0 : i32
    %dma_start3A_8 = tpu.memref_slice %arg8[%dma_start3A, %dma_start3A_7] : memref<64x80xi32, #tpu.memory_space<vmem>> -> memref<1x80xi32, #tpu.memory_space<vmem>>
    %dma_start3A_9 = tpu.memref_squeeze %dma_start3A_8 : memref<1x80xi32, #tpu.memory_space<vmem>> -> memref<80xi32, #tpu.memory_space<vmem>>
    %dma_start3A_10 = arith.constant 0 : i32
    %dma_start3A_11 = arith.constant 0 : i32
    %dma_start3A_12 = tpu.memref_slice %arg2[%dma_start3A_10, %dma_start3A_11] : memref<10000x128xf32, #tpu.memory_space<hbm>> -> memref<10000x128xf32, #tpu.memory_space<hbm>>
    %dma_start3A_13 = tpu.memref_slice %arg12[%dma_start3A_2] : memref<2x!tpu.dma_semaphore, #tpu.memory_space<semaphore_mem>> -> memref<1x!tpu.dma_semaphore, #tpu.memory_space<semaphore_mem>>
    %dma_start3A_14 = tpu.memref_squeeze %dma_start3A_13 : memref<1x!tpu.dma_semaphore, #tpu.memory_space<semaphore_mem>> -> memref<!tpu.dma_semaphore, #tpu.memory_space<semaphore_mem>>
    tpu.enqueue_indirect_dma source(%dma_start3A_12 : memref<10000x128xf32, #tpu.memory_space<hbm>>) target(%dma_start3A_6 : memref<80x128xf32, #tpu.memory_space<vmem>>) offsets(%dma_start3A_9 : memref<80xi32, #tpu.memory_space<vmem>>) semaphore(%dma_start3A_14 : memref<!tpu.dma_semaphore, #tpu.memory_space<semaphore_mem>>)
    %dma_start3A_15 = arith.constant 0 : i32
    %dma_start3A_16 = arith.constant 0 : i32
    %dma_start3A_17 = arith.constant 0 : i32
    %dma_start3A_18 = arith.constant 0 : i32
    %dma_start3A_19 = arith.constant 0 : i32
    %dma_start3A_20 = tpu.memref_slice %arg11[%dma_start3A_16, %dma_start3A_18, %dma_start3A_19] : memref<2x80x128xf32, #tpu.memory_space<vmem>> -> memref<1x80x128xf32, #tpu.memory_space<vmem>>
    %dma_start3A_21 = tpu.memref_squeeze %dma_start3A_20 : memref<1x80x128xf32, #tpu.memory_space<vmem>> -> memref<80x128xf32, #tpu.memory_space<vmem>>
    %dma_start3A_22 = arith.constant 0 : i32
    %dma_start3A_23 = tpu.memref_slice %arg9[%dma_start3A_15, %dma_start3A_22] : memref<64x80xi32, #tpu.memory_space<vmem>> -> memref<1x80xi32, #tpu.memory_space<vmem>>
    %dma_start3A_24 = tpu.memref_squeeze %dma_start3A_23 : memref<1x80xi32, #tpu.memory_space<vmem>> -> memref<80xi32, #tpu.memory_space<vmem>>
    %dma_start3A_25 = arith.constant 0 : i32
    %dma_start3A_26 = arith.constant 0 : i32
    %dma_start3A_27 = tpu.memref_slice %arg3[%dma_start3A_25, %dma_start3A_26] : memref<10000x128xf32, #tpu.memory_space<hbm>> -> memref<10000x128xf32, #tpu.memory_space<hbm>>
    %dma_start3A_28 = tpu.memref_slice %arg12[%dma_start3A_17] : memref<2x!tpu.dma_semaphore, #tpu.memory_space<semaphore_mem>> -> memref<1x!tpu.dma_semaphore, #tpu.memory_space<semaphore_mem>>
    %dma_start3A_29 = tpu.memref_squeeze %dma_start3A_28 : memref<1x!tpu.dma_semaphore, #tpu.memory_space<semaphore_mem>> -> memref<!tpu.dma_semaphore, #tpu.memory_space<semaphore_mem>>
    tpu.enqueue_indirect_dma source(%dma_start3A_27 : memref<10000x128xf32, #tpu.memory_space<hbm>>) target(%dma_start3A_21 : memref<80x128xf32, #tpu.memory_space<vmem>>) offsets(%dma_start3A_24 : memref<80xi32, #tpu.memory_space<vmem>>) semaphore(%dma_start3A_29 : memref<!tpu.dma_semaphore, #tpu.memory_space<semaphore_mem>>)
    %scan3A = arith.constant 0 : i32
    %scan3A_30 = arith.constant 64 : i32
    %scan3A_31 = arith.addi %scan3A, %scan3A_30 : i32
    %scan3A_32 = arith.constant 1 : i32
    scf.for %scan3A_109 = %scan3A to %scan3A_31 step %scan3A_32  : i32 {
      %rem3A = arith.constant 2 : i32
      %rem3A_110 = arith.remsi %scan3A_109, %rem3A : i32
      %sub3A = arith.constant 1 : i32
      %sub3A_111 = arith.subi %sub3A, %rem3A_110 : i32
      %add3A_112 = arith.constant 1 : i32
      %add3A_113 = arith.addi %scan3A_109, %add3A_112 : i32
      %lt3A = arith.constant 64 : i32
      %lt3A_114 = arith.cmpi slt, %add3A_113, %lt3A : i32
      %convert_element_type3A = arith.extui %lt3A_114 : i1 to i32
      %cond3A = arith.constant 0 : i32
      %cond3A_115 = arith.cmpi ne, %convert_element_type3A, %cond3A : i32
      scf.if %cond3A_115 {
        %ge3A = arith.constant 1 : i32
        %ge3A_173 = arith.cmpi sge, %scan3A_109, %ge3A : i32
        %convert_element_type3A_174 = arith.extui %ge3A_173 : i1 to i32
        %cond3A_175 = arith.constant 0 : i32
        %cond3A_176 = arith.cmpi ne, %convert_element_type3A_174, %cond3A_175 : i32
        scf.if %cond3A_176 {
          %sub3A_203 = arith.constant 1 : i32
          %sub3A_204 = arith.subi %scan3A_109, %sub3A_203 : i32
          %mul3A_205 = arith.constant 64 : i32
          %mul3A_206 = arith.muli %add3A, %mul3A_205 : i32
          %add3A_207 = arith.addi %mul3A_206, %sub3A_204 : i32
          %mul3A_208 = arith.constant 80 : i32
          %mul3A_209 = arith.muli %add3A_207, %mul3A_208 : i32
          %dma_wait3A_210 = arith.constant 0 : i32
          %dma_wait3A_211 = arith.constant 0 : i32
          %dma_wait3A_212 = tpu.memref_slice %arg10[%sub3A_111, %dma_wait3A_210, %dma_wait3A_211] : memref<2x80x128xf32, #tpu.memory_space<vmem>> -> memref<1x80x128xf32, #tpu.memory_space<vmem>>
          %dma_wait3A_213 = tpu.memref_squeeze %dma_wait3A_212 : memref<1x80x128xf32, #tpu.memory_space<vmem>> -> memref<80x128xf32, #tpu.memory_space<vmem>>
          %dma_wait3A_214 = arith.constant 0 : i32
          %dma_wait3A_215 = tpu.memref_slice %arg6[%mul3A_209, %dma_wait3A_214] : memref<163840x128xf32, #tpu.memory_space<hbm>> -> memref<80x128xf32, #tpu.memory_space<hbm>>
          %dma_wait3A_216 = tpu.memref_slice %arg13[%sub3A_111] : memref<2x!tpu.dma_semaphore, #tpu.memory_space<semaphore_mem>> -> memref<1x!tpu.dma_semaphore, #tpu.memory_space<semaphore_mem>>
          %dma_wait3A_217 = tpu.memref_squeeze %dma_wait3A_216 : memref<1x!tpu.dma_semaphore, #tpu.memory_space<semaphore_mem>> -> memref<!tpu.dma_semaphore, #tpu.memory_space<semaphore_mem>>
          %dma_wait3A_218 = arith.constant 0 : i32
          %dma_wait3A_219 = tpu.memref_slice %arg6[%mul3A_209, %dma_wait3A_218] : memref<163840x128xf32, #tpu.memory_space<hbm>> -> memref<80x128xf32, #tpu.memory_space<hbm>>
          %dma_wait3A_220 = arith.constant 0 : i32
          %dma_wait3A_221 = arith.constant 0 : i32
          %dma_wait3A_222 = tpu.memref_slice %arg10[%sub3A_111, %dma_wait3A_220, %dma_wait3A_221] : memref<2x80x128xf32, #tpu.memory_space<vmem>> -> memref<1x80x128xf32, #tpu.memory_space<vmem>>
          %dma_wait3A_223 = tpu.memref_squeeze %dma_wait3A_222 : memref<1x80x128xf32, #tpu.memory_space<vmem>> -> memref<80x128xf32, #tpu.memory_space<vmem>>
          tpu.wait_dma2 semaphore(%dma_wait3A_217 : memref<!tpu.dma_semaphore, #tpu.memory_space<semaphore_mem>>) src(%dma_wait3A_223 : memref<80x128xf32, #tpu.memory_space<vmem>>) dst(%dma_wait3A_219 : memref<80x128xf32, #tpu.memory_space<hbm>>)
          %dma_wait3A_224 = arith.constant 0 : i32
          %dma_wait3A_225 = arith.constant 0 : i32
          %dma_wait3A_226 = tpu.memref_slice %arg11[%sub3A_111, %dma_wait3A_224, %dma_wait3A_225] : memref<2x80x128xf32, #tpu.memory_space<vmem>> -> memref<1x80x128xf32, #tpu.memory_space<vmem>>
          %dma_wait3A_227 = tpu.memref_squeeze %dma_wait3A_226 : memref<1x80x128xf32, #tpu.memory_space<vmem>> -> memref<80x128xf32, #tpu.memory_space<vmem>>
          %dma_wait3A_228 = arith.constant 0 : i32
          %dma_wait3A_229 = tpu.memref_slice %arg7[%mul3A_209, %dma_wait3A_228] : memref<163840x128xf32, #tpu.memory_space<hbm>> -> memref<80x128xf32, #tpu.memory_space<hbm>>
          %dma_wait3A_230 = tpu.memref_slice %arg13[%sub3A_111] : memref<2x!tpu.dma_semaphore, #tpu.memory_space<semaphore_mem>> -> memref<1x!tpu.dma_semaphore, #tpu.memory_space<semaphore_mem>>
          %dma_wait3A_231 = tpu.memref_squeeze %dma_wait3A_230 : memref<1x!tpu.dma_semaphore, #tpu.memory_space<semaphore_mem>> -> memref<!tpu.dma_semaphore, #tpu.memory_space<semaphore_mem>>
          %dma_wait3A_232 = arith.constant 0 : i32
          %dma_wait3A_233 = tpu.memref_slice %arg7[%mul3A_209, %dma_wait3A_232] : memref<163840x128xf32, #tpu.memory_space<hbm>> -> memref<80x128xf32, #tpu.memory_space<hbm>>
          %dma_wait3A_234 = arith.constant 0 : i32
          %dma_wait3A_235 = arith.constant 0 : i32
          %dma_wait3A_236 = tpu.memref_slice %arg11[%sub3A_111, %dma_wait3A_234, %dma_wait3A_235] : memref<2x80x128xf32, #tpu.memory_space<vmem>> -> memref<1x80x128xf32, #tpu.memory_space<vmem>>
          %dma_wait3A_237 = tpu.memref_squeeze %dma_wait3A_236 : memref<1x80x128xf32, #tpu.memory_space<vmem>> -> memref<80x128xf32, #tpu.memory_space<vmem>>
          tpu.wait_dma2 semaphore(%dma_wait3A_231 : memref<!tpu.dma_semaphore, #tpu.memory_space<semaphore_mem>>) src(%dma_wait3A_237 : memref<80x128xf32, #tpu.memory_space<vmem>>) dst(%dma_wait3A_233 : memref<80x128xf32, #tpu.memory_space<hbm>>)
        } else {
        }
        %add3A_177 = arith.constant 1 : i32
        %add3A_178 = arith.addi %scan3A_109, %add3A_177 : i32
        %dma_start3A_179 = arith.constant 0 : i32
        %dma_start3A_180 = arith.constant 0 : i32
        %dma_start3A_181 = tpu.memref_slice %arg10[%sub3A_111, %dma_start3A_179, %dma_start3A_180] : memref<2x80x128xf32, #tpu.memory_space<vmem>> -> memref<1x80x128xf32, #tpu.memory_space<vmem>>
        %dma_start3A_182 = tpu.memref_squeeze %dma_start3A_181 : memref<1x80x128xf32, #tpu.memory_space<vmem>> -> memref<80x128xf32, #tpu.memory_space<vmem>>
        %dma_start3A_183 = arith.constant 0 : i32
        %dma_start3A_184 = tpu.memref_slice %arg8[%add3A_178, %dma_start3A_183] : memref<64x80xi32, #tpu.memory_space<vmem>> -> memref<1x80xi32, #tpu.memory_space<vmem>>
        %dma_start3A_185 = tpu.memref_squeeze %dma_start3A_184 : memref<1x80xi32, #tpu.memory_space<vmem>> -> memref<80xi32, #tpu.memory_space<vmem>>
        %dma_start3A_186 = arith.constant 0 : i32
        %dma_start3A_187 = arith.constant 0 : i32
        %dma_start3A_188 = tpu.memref_slice %arg2[%dma_start3A_186, %dma_start3A_187] : memref<10000x128xf32, #tpu.memory_space<hbm>> -> memref<10000x128xf32, #tpu.memory_space<hbm>>
        %dma_start3A_189 = tpu.memref_slice %arg12[%sub3A_111] : memref<2x!tpu.dma_semaphore, #tpu.memory_space<semaphore_mem>> -> memref<1x!tpu.dma_semaphore, #tpu.memory_space<semaphore_mem>>
        %dma_start3A_190 = tpu.memref_squeeze %dma_start3A_189 : memref<1x!tpu.dma_semaphore, #tpu.memory_space<semaphore_mem>> -> memref<!tpu.dma_semaphore, #tpu.memory_space<semaphore_mem>>
        tpu.enqueue_indirect_dma source(%dma_start3A_188 : memref<10000x128xf32, #tpu.memory_space<hbm>>) target(%dma_start3A_182 : memref<80x128xf32, #tpu.memory_space<vmem>>) offsets(%dma_start3A_185 : memref<80xi32, #tpu.memory_space<vmem>>) semaphore(%dma_start3A_190 : memref<!tpu.dma_semaphore, #tpu.memory_space<semaphore_mem>>)
        %dma_start3A_191 = arith.constant 0 : i32
        %dma_start3A_192 = arith.constant 0 : i32
        %dma_start3A_193 = tpu.memref_slice %arg11[%sub3A_111, %dma_start3A_191, %dma_start3A_192] : memref<2x80x128xf32, #tpu.memory_space<vmem>> -> memref<1x80x128xf32, #tpu.memory_space<vmem>>
        %dma_start3A_194 = tpu.memref_squeeze %dma_start3A_193 : memref<1x80x128xf32, #tpu.memory_space<vmem>> -> memref<80x128xf32, #tpu.memory_space<vmem>>
        %dma_start3A_195 = arith.constant 0 : i32
        %dma_start3A_196 = tpu.memref_slice %arg9[%add3A_178, %dma_start3A_195] : memref<64x80xi32, #tpu.memory_space<vmem>> -> memref<1x80xi32, #tpu.memory_space<vmem>>
        %dma_start3A_197 = tpu.memref_squeeze %dma_start3A_196 : memref<1x80xi32, #tpu.memory_space<vmem>> -> memref<80xi32, #tpu.memory_space<vmem>>
        %dma_start3A_198 = arith.constant 0 : i32
        %dma_start3A_199 = arith.constant 0 : i32
        %dma_start3A_200 = tpu.memref_slice %arg3[%dma_start3A_198, %dma_start3A_199] : memref<10000x128xf32, #tpu.memory_space<hbm>> -> memref<10000x128xf32, #tpu.memory_space<hbm>>
        %dma_start3A_201 = tpu.memref_slice %arg12[%sub3A_111] : memref<2x!tpu.dma_semaphore, #tpu.memory_space<semaphore_mem>> -> memref<1x!tpu.dma_semaphore, #tpu.memory_space<semaphore_mem>>
        %dma_start3A_202 = tpu.memref_squeeze %dma_start3A_201 : memref<1x!tpu.dma_semaphore, #tpu.memory_space<semaphore_mem>> -> memref<!tpu.dma_semaphore, #tpu.memory_space<semaphore_mem>>
        tpu.enqueue_indirect_dma source(%dma_start3A_200 : memref<10000x128xf32, #tpu.memory_space<hbm>>) target(%dma_start3A_194 : memref<80x128xf32, #tpu.memory_space<vmem>>) offsets(%dma_start3A_197 : memref<80xi32, #tpu.memory_space<vmem>>) semaphore(%dma_start3A_202 : memref<!tpu.dma_semaphore, #tpu.memory_space<semaphore_mem>>)
      } else {
      }
      %dma_wait3A_116 = arith.constant 0 : i32
      %dma_wait3A_117 = arith.constant 0 : i32
      %dma_wait3A_118 = tpu.memref_slice %arg10[%rem3A_110, %dma_wait3A_116, %dma_wait3A_117] : memref<2x80x128xf32, #tpu.memory_space<vmem>> -> memref<1x80x128xf32, #tpu.memory_space<vmem>>
      %dma_wait3A_119 = tpu.memref_squeeze %dma_wait3A_118 : memref<1x80x128xf32, #tpu.memory_space<vmem>> -> memref<80x128xf32, #tpu.memory_space<vmem>>
      %dma_wait3A_120 = arith.constant 0 : i32
      %dma_wait3A_121 = tpu.memref_slice %arg8[%scan3A_109, %dma_wait3A_120] : memref<64x80xi32, #tpu.memory_space<vmem>> -> memref<1x80xi32, #tpu.memory_space<vmem>>
      %dma_wait3A_122 = tpu.memref_squeeze %dma_wait3A_121 : memref<1x80xi32, #tpu.memory_space<vmem>> -> memref<80xi32, #tpu.memory_space<vmem>>
      %dma_wait3A_123 = arith.constant 0 : i32
      %dma_wait3A_124 = arith.constant 0 : i32
      %dma_wait3A_125 = tpu.memref_slice %arg2[%dma_wait3A_123, %dma_wait3A_124] : memref<10000x128xf32, #tpu.memory_space<hbm>> -> memref<10000x128xf32, #tpu.memory_space<hbm>>
      %dma_wait3A_126 = tpu.memref_slice %arg12[%rem3A_110] : memref<2x!tpu.dma_semaphore, #tpu.memory_space<semaphore_mem>> -> memref<1x!tpu.dma_semaphore, #tpu.memory_space<semaphore_mem>>
      %dma_wait3A_127 = tpu.memref_squeeze %dma_wait3A_126 : memref<1x!tpu.dma_semaphore, #tpu.memory_space<semaphore_mem>> -> memref<!tpu.dma_semaphore, #tpu.memory_space<semaphore_mem>>
      tpu.wait_indirect_dma semaphore(%dma_wait3A_127 : memref<!tpu.dma_semaphore, #tpu.memory_space<semaphore_mem>>) src(%dma_wait3A_125 : memref<10000x128xf32, #tpu.memory_space<hbm>>) dst(%dma_wait3A_119 : memref<80x128xf32, #tpu.memory_space<vmem>>)
      %dma_wait3A_128 = arith.constant 0 : i32
      %dma_wait3A_129 = arith.constant 0 : i32
      %dma_wait3A_130 = tpu.memref_slice %arg11[%rem3A_110, %dma_wait3A_128, %dma_wait3A_129] : memref<2x80x128xf32, #tpu.memory_space<vmem>> -> memref<1x80x128xf32, #tpu.memory_space<vmem>>
      %dma_wait3A_131 = tpu.memref_squeeze %dma_wait3A_130 : memref<1x80x128xf32, #tpu.memory_space<vmem>> -> memref<80x128xf32, #tpu.memory_space<vmem>>
      %dma_wait3A_132 = arith.constant 0 : i32
      %dma_wait3A_133 = tpu.memref_slice %arg9[%scan3A_109, %dma_wait3A_132] : memref<64x80xi32, #tpu.memory_space<vmem>> -> memref<1x80xi32, #tpu.memory_space<vmem>>
      %dma_wait3A_134 = tpu.memref_squeeze %dma_wait3A_133 : memref<1x80xi32, #tpu.memory_space<vmem>> -> memref<80xi32, #tpu.memory_space<vmem>>
      %dma_wait3A_135 = arith.constant 0 : i32
      %dma_wait3A_136 = arith.constant 0 : i32
      %dma_wait3A_137 = tpu.memref_slice %arg3[%dma_wait3A_135, %dma_wait3A_136] : memref<10000x128xf32, #tpu.memory_space<hbm>> -> memref<10000x128xf32, #tpu.memory_space<hbm>>
      %dma_wait3A_138 = tpu.memref_slice %arg12[%rem3A_110] : memref<2x!tpu.dma_semaphore, #tpu.memory_space<semaphore_mem>> -> memref<1x!tpu.dma_semaphore, #tpu.memory_space<semaphore_mem>>
      %dma_wait3A_139 = tpu.memref_squeeze %dma_wait3A_138 : memref<1x!tpu.dma_semaphore, #tpu.memory_space<semaphore_mem>> -> memref<!tpu.dma_semaphore, #tpu.memory_space<semaphore_mem>>
      tpu.wait_indirect_dma semaphore(%dma_wait3A_139 : memref<!tpu.dma_semaphore, #tpu.memory_space<semaphore_mem>>) src(%dma_wait3A_137 : memref<10000x128xf32, #tpu.memory_space<hbm>>) dst(%dma_wait3A_131 : memref<80x128xf32, #tpu.memory_space<vmem>>)
      %mul3A_140 = arith.constant 64 : i32
      %mul3A_141 = arith.muli %add3A, %mul3A_140 : i32
      %add3A_142 = arith.addi %mul3A_141, %scan3A_109 : i32
      %mul3A_143 = arith.constant 80 : i32
      %mul3A_144 = arith.muli %add3A_142, %mul3A_143 : i32
      %dma_start3A_145 = arith.constant 0 : i32
      %dma_start3A_146 = arith.constant 0 : i32
      %dma_start3A_147 = tpu.memref_slice %arg10[%rem3A_110, %dma_start3A_145, %dma_start3A_146] : memref<2x80x128xf32, #tpu.memory_space<vmem>> -> memref<1x80x128xf32, #tpu.memory_space<vmem>>
      %dma_start3A_148 = tpu.memref_squeeze %dma_start3A_147 : memref<1x80x128xf32, #tpu.memory_space<vmem>> -> memref<80x128xf32, #tpu.memory_space<vmem>>
      %dma_start3A_149 = arith.constant 0 : i32
      %dma_start3A_150 = tpu.memref_slice %arg6[%mul3A_144, %dma_start3A_149] : memref<163840x128xf32, #tpu.memory_space<hbm>> -> memref<80x128xf32, #tpu.memory_space<hbm>>
      %dma_start3A_151 = tpu.memref_slice %arg13[%rem3A_110] : memref<2x!tpu.dma_semaphore, #tpu.memory_space<semaphore_mem>> -> memref<1x!tpu.dma_semaphore, #tpu.memory_space<semaphore_mem>>
      %dma_start3A_152 = tpu.memref_squeeze %dma_start3A_151 : memref<1x!tpu.dma_semaphore, #tpu.memory_space<semaphore_mem>> -> memref<!tpu.dma_semaphore, #tpu.memory_space<semaphore_mem>>
      %dma_start3A_153 = arith.constant 0 : i32
      %dma_start3A_154 = tpu.memref_slice %arg6[%mul3A_144, %dma_start3A_153] : memref<163840x128xf32, #tpu.memory_space<hbm>> -> memref<80x128xf32, #tpu.memory_space<hbm>>
      %dma_start3A_155 = arith.constant 0 : i32
      %dma_start3A_156 = arith.constant 0 : i32
      %dma_start3A_157 = tpu.memref_slice %arg10[%rem3A_110, %dma_start3A_155, %dma_start3A_156] : memref<2x80x128xf32, #tpu.memory_space<vmem>> -> memref<1x80x128xf32, #tpu.memory_space<vmem>>
      %dma_start3A_158 = tpu.memref_squeeze %dma_start3A_157 : memref<1x80x128xf32, #tpu.memory_space<vmem>> -> memref<80x128xf32, #tpu.memory_space<vmem>>
      tpu.enqueue_dma source(%dma_start3A_158 : memref<80x128xf32, #tpu.memory_space<vmem>>) target(%dma_start3A_154 : memref<80x128xf32, #tpu.memory_space<hbm>>) target_semaphore(%dma_start3A_152 : memref<!tpu.dma_semaphore, #tpu.memory_space<semaphore_mem>>)
      %dma_start3A_159 = arith.constant 0 : i32
      %dma_start3A_160 = arith.constant 0 : i32
      %dma_start3A_161 = tpu.memref_slice %arg11[%rem3A_110, %dma_start3A_159, %dma_start3A_160] : memref<2x80x128xf32, #tpu.memory_space<vmem>> -> memref<1x80x128xf32, #tpu.memory_space<vmem>>
      %dma_start3A_162 = tpu.memref_squeeze %dma_start3A_161 : memref<1x80x128xf32, #tpu.memory_space<vmem>> -> memref<80x128xf32, #tpu.memory_space<vmem>>
      %dma_start3A_163 = arith.constant 0 : i32
      %dma_start3A_164 = tpu.memref_slice %arg7[%mul3A_144, %dma_start3A_163] : memref<163840x128xf32, #tpu.memory_space<hbm>> -> memref<80x128xf32, #tpu.memory_space<hbm>>
      %dma_start3A_165 = tpu.memref_slice %arg13[%rem3A_110] : memref<2x!tpu.dma_semaphore, #tpu.memory_space<semaphore_mem>> -> memref<1x!tpu.dma_semaphore, #tpu.memory_space<semaphore_mem>>
      %dma_start3A_166 = tpu.memref_squeeze %dma_start3A_165 : memref<1x!tpu.dma_semaphore, #tpu.memory_space<semaphore_mem>> -> memref<!tpu.dma_semaphore, #tpu.memory_space<semaphore_mem>>
      %dma_start3A_167 = arith.constant 0 : i32
      %dma_start3A_168 = tpu.memref_slice %arg7[%mul3A_144, %dma_start3A_167] : memref<163840x128xf32, #tpu.memory_space<hbm>> -> memref<80x128xf32, #tpu.memory_space<hbm>>
      %dma_start3A_169 = arith.constant 0 : i32
      %dma_start3A_170 = arith.constant 0 : i32
      %dma_start3A_171 = tpu.memref_slice %arg11[%rem3A_110, %dma_start3A_169, %dma_start3A_170] : memref<2x80x128xf32, #tpu.memory_space<vmem>> -> memref<1x80x128xf32, #tpu.memory_space<vmem>>
      %dma_start3A_172 = tpu.memref_squeeze %dma_start3A_171 : memref<1x80x128xf32, #tpu.memory_space<vmem>> -> memref<80x128xf32, #tpu.memory_space<vmem>>
      tpu.enqueue_dma source(%dma_start3A_172 : memref<80x128xf32, #tpu.memory_space<vmem>>) target(%dma_start3A_168 : memref<80x128xf32, #tpu.memory_space<hbm>>) target_semaphore(%dma_start3A_166 : memref<!tpu.dma_semaphore, #tpu.memory_space<semaphore_mem>>)
    }
    %scan3A_33 = arith.constant 64 : i32
    %mul3A_34 = arith.constant 64 : i32
    %mul3A_35 = arith.muli %add3A, %mul3A_34 : i32
    %add3A_36 = arith.constant 62 : i32
    %add3A_37 = arith.addi %mul3A_35, %add3A_36 : i32
    %mul3A_38 = arith.constant 80 : i32
    %mul3A_39 = arith.muli %add3A_37, %mul3A_38 : i32
    %dma_wait3A = arith.constant 0 : i32
    %dma_wait3A_40 = arith.constant 0 : i32
    %dma_wait3A_41 = arith.constant 0 : i32
    %dma_wait3A_42 = arith.constant 0 : i32
    %dma_wait3A_43 = tpu.memref_slice %arg10[%dma_wait3A, %dma_wait3A_41, %dma_wait3A_42] : memref<2x80x128xf32, #tpu.memory_space<vmem>> -> memref<1x80x128xf32, #tpu.memory_space<vmem>>
    %dma_wait3A_44 = tpu.memref_squeeze %dma_wait3A_43 : memref<1x80x128xf32, #tpu.memory_space<vmem>> -> memref<80x128xf32, #tpu.memory_space<vmem>>
    %dma_wait3A_45 = arith.constant 0 : i32
    %dma_wait3A_46 = tpu.memref_slice %arg6[%mul3A_39, %dma_wait3A_45] : memref<163840x128xf32, #tpu.memory_space<hbm>> -> memref<80x128xf32, #tpu.memory_space<hbm>>
    %dma_wait3A_47 = tpu.memref_slice %arg13[%dma_wait3A_40] : memref<2x!tpu.dma_semaphore, #tpu.memory_space<semaphore_mem>> -> memref<1x!tpu.dma_semaphore, #tpu.memory_space<semaphore_mem>>
    %dma_wait3A_48 = tpu.memref_squeeze %dma_wait3A_47 : memref<1x!tpu.dma_semaphore, #tpu.memory_space<semaphore_mem>> -> memref<!tpu.dma_semaphore, #tpu.memory_space<semaphore_mem>>
    %dma_wait3A_49 = arith.constant 0 : i32
    %dma_wait3A_50 = tpu.memref_slice %arg6[%mul3A_39, %dma_wait3A_49] : memref<163840x128xf32, #tpu.memory_space<hbm>> -> memref<80x128xf32, #tpu.memory_space<hbm>>
    %dma_wait3A_51 = arith.constant 0 : i32
    %dma_wait3A_52 = arith.constant 0 : i32
    %dma_wait3A_53 = tpu.memref_slice %arg10[%dma_wait3A, %dma_wait3A_51, %dma_wait3A_52] : memref<2x80x128xf32, #tpu.memory_space<vmem>> -> memref<1x80x128xf32, #tpu.memory_space<vmem>>
    %dma_wait3A_54 = tpu.memref_squeeze %dma_wait3A_53 : memref<1x80x128xf32, #tpu.memory_space<vmem>> -> memref<80x128xf32, #tpu.memory_space<vmem>>
    tpu.wait_dma2 semaphore(%dma_wait3A_48 : memref<!tpu.dma_semaphore, #tpu.memory_space<semaphore_mem>>) src(%dma_wait3A_54 : memref<80x128xf32, #tpu.memory_space<vmem>>) dst(%dma_wait3A_50 : memref<80x128xf32, #tpu.memory_space<hbm>>)
    %dma_wait3A_55 = arith.constant 0 : i32
    %dma_wait3A_56 = arith.constant 0 : i32
    %dma_wait3A_57 = arith.constant 0 : i32
    %dma_wait3A_58 = arith.constant 0 : i32
    %dma_wait3A_59 = tpu.memref_slice %arg11[%dma_wait3A_55, %dma_wait3A_57, %dma_wait3A_58] : memref<2x80x128xf32, #tpu.memory_space<vmem>> -> memref<1x80x128xf32, #tpu.memory_space<vmem>>
    %dma_wait3A_60 = tpu.memref_squeeze %dma_wait3A_59 : memref<1x80x128xf32, #tpu.memory_space<vmem>> -> memref<80x128xf32, #tpu.memory_space<vmem>>
    %dma_wait3A_61 = arith.constant 0 : i32
    %dma_wait3A_62 = tpu.memref_slice %arg7[%mul3A_39, %dma_wait3A_61] : memref<163840x128xf32, #tpu.memory_space<hbm>> -> memref<80x128xf32, #tpu.memory_space<hbm>>
    %dma_wait3A_63 = tpu.memref_slice %arg13[%dma_wait3A_56] : memref<2x!tpu.dma_semaphore, #tpu.memory_space<semaphore_mem>> -> memref<1x!tpu.dma_semaphore, #tpu.memory_space<semaphore_mem>>
    %dma_wait3A_64 = tpu.memref_squeeze %dma_wait3A_63 : memref<1x!tpu.dma_semaphore, #tpu.memory_space<semaphore_mem>> -> memref<!tpu.dma_semaphore, #tpu.memory_space<semaphore_mem>>
    %dma_wait3A_65 = arith.constant 0 : i32
    %dma_wait3A_66 = tpu.memref_slice %arg7[%mul3A_39, %dma_wait3A_65] : memref<163840x128xf32, #tpu.memory_space<hbm>> -> memref<80x128xf32, #tpu.memory_space<hbm>>
    %dma_wait3A_67 = arith.constant 0 : i32
    %dma_wait3A_68 = arith.constant 0 : i32
    %dma_wait3A_69 = tpu.memref_slice %arg11[%dma_wait3A_55, %dma_wait3A_67, %dma_wait3A_68] : memref<2x80x128xf32, #tpu.memory_space<vmem>> -> memref<1x80x128xf32, #tpu.memory_space<vmem>>
    %dma_wait3A_70 = tpu.memref_squeeze %dma_wait3A_69 : memref<1x80x128xf32, #tpu.memory_space<vmem>> -> memref<80x128xf32, #tpu.memory_space<vmem>>
    tpu.wait_dma2 semaphore(%dma_wait3A_64 : memref<!tpu.dma_semaphore, #tpu.memory_space<semaphore_mem>>) src(%dma_wait3A_70 : memref<80x128xf32, #tpu.memory_space<vmem>>) dst(%dma_wait3A_66 : memref<80x128xf32, #tpu.memory_space<hbm>>)
    %mul3A_71 = arith.constant 64 : i32
    %mul3A_72 = arith.muli %add3A, %mul3A_71 : i32
    %add3A_73 = arith.constant 63 : i32
    %add3A_74 = arith.addi %mul3A_72, %add3A_73 : i32
    %mul3A_75 = arith.constant 80 : i32
    %mul3A_76 = arith.muli %add3A_74, %mul3A_75 : i32
    %dma_wait3A_77 = arith.constant 1 : i32
    %dma_wait3A_78 = arith.constant 1 : i32
    %dma_wait3A_79 = arith.constant 0 : i32
    %dma_wait3A_80 = arith.constant 0 : i32
    %dma_wait3A_81 = tpu.memref_slice %arg10[%dma_wait3A_77, %dma_wait3A_79, %dma_wait3A_80] : memref<2x80x128xf32, #tpu.memory_space<vmem>> -> memref<1x80x128xf32, #tpu.memory_space<vmem>>
    %dma_wait3A_82 = tpu.memref_squeeze %dma_wait3A_81 : memref<1x80x128xf32, #tpu.memory_space<vmem>> -> memref<80x128xf32, #tpu.memory_space<vmem>>
    %dma_wait3A_83 = arith.constant 0 : i32
    %dma_wait3A_84 = tpu.memref_slice %arg6[%mul3A_76, %dma_wait3A_83] : memref<163840x128xf32, #tpu.memory_space<hbm>> -> memref<80x128xf32, #tpu.memory_space<hbm>>
    %dma_wait3A_85 = tpu.memref_slice %arg13[%dma_wait3A_78] : memref<2x!tpu.dma_semaphore, #tpu.memory_space<semaphore_mem>> -> memref<1x!tpu.dma_semaphore, #tpu.memory_space<semaphore_mem>>
    %dma_wait3A_86 = tpu.memref_squeeze %dma_wait3A_85 : memref<1x!tpu.dma_semaphore, #tpu.memory_space<semaphore_mem>> -> memref<!tpu.dma_semaphore, #tpu.memory_space<semaphore_mem>>
    %dma_wait3A_87 = arith.constant 0 : i32
    %dma_wait3A_88 = tpu.memref_slice %arg6[%mul3A_76, %dma_wait3A_87] : memref<163840x128xf32, #tpu.memory_space<hbm>> -> memref<80x128xf32, #tpu.memory_space<hbm>>
    %dma_wait3A_89 = arith.constant 0 : i32
    %dma_wait3A_90 = arith.constant 0 : i32
    %dma_wait3A_91 = tpu.memref_slice %arg10[%dma_wait3A_77, %dma_wait3A_89, %dma_wait3A_90] : memref<2x80x128xf32, #tpu.memory_space<vmem>> -> memref<1x80x128xf32, #tpu.memory_space<vmem>>
    %dma_wait3A_92 = tpu.memref_squeeze %dma_wait3A_91 : memref<1x80x128xf32, #tpu.memory_space<vmem>> -> memref<80x128xf32, #tpu.memory_space<vmem>>
    tpu.wait_dma2 semaphore(%dma_wait3A_86 : memref<!tpu.dma_semaphore, #tpu.memory_space<semaphore_mem>>) src(%dma_wait3A_92 : memref<80x128xf32, #tpu.memory_space<vmem>>) dst(%dma_wait3A_88 : memref<80x128xf32, #tpu.memory_space<hbm>>)
    %dma_wait3A_93 = arith.constant 1 : i32
    %dma_wait3A_94 = arith.constant 1 : i32
    %dma_wait3A_95 = arith.constant 0 : i32
    %dma_wait3A_96 = arith.constant 0 : i32
    %dma_wait3A_97 = tpu.memref_slice %arg11[%dma_wait3A_93, %dma_wait3A_95, %dma_wait3A_96] : memref<2x80x128xf32, #tpu.memory_space<vmem>> -> memref<1x80x128xf32, #tpu.memory_space<vmem>>
    %dma_wait3A_98 = tpu.memref_squeeze %dma_wait3A_97 : memref<1x80x128xf32, #tpu.memory_space<vmem>> -> memref<80x128xf32, #tpu.memory_space<vmem>>
    %dma_wait3A_99 = arith.constant 0 : i32
    %dma_wait3A_100 = tpu.memref_slice %arg7[%mul3A_76, %dma_wait3A_99] : memref<163840x128xf32, #tpu.memory_space<hbm>> -> memref<80x128xf32, #tpu.memory_space<hbm>>
    %dma_wait3A_101 = tpu.memref_slice %arg13[%dma_wait3A_94] : memref<2x!tpu.dma_semaphore, #tpu.memory_space<semaphore_mem>> -> memref<1x!tpu.dma_semaphore, #tpu.memory_space<semaphore_mem>>
    %dma_wait3A_102 = tpu.memref_squeeze %dma_wait3A_101 : memref<1x!tpu.dma_semaphore, #tpu.memory_space<semaphore_mem>> -> memref<!tpu.dma_semaphore, #tpu.memory_space<semaphore_mem>>
    %dma_wait3A_103 = arith.constant 0 : i32
    %dma_wait3A_104 = tpu.memref_slice %arg7[%mul3A_76, %dma_wait3A_103] : memref<163840x128xf32, #tpu.memory_space<hbm>> -> memref<80x128xf32, #tpu.memory_space<hbm>>
    %dma_wait3A_105 = arith.constant 0 : i32
    %dma_wait3A_106 = arith.constant 0 : i32
    %dma_wait3A_107 = tpu.memref_slice %arg11[%dma_wait3A_93, %dma_wait3A_105, %dma_wait3A_106] : memref<2x80x128xf32, #tpu.memory_space<vmem>> -> memref<1x80x128xf32, #tpu.memory_space<vmem>>
    %dma_wait3A_108 = tpu.memref_squeeze %dma_wait3A_107 : memref<1x80x128xf32, #tpu.memory_space<vmem>> -> memref<80x128xf32, #tpu.memory_space<vmem>>
    tpu.wait_dma2 semaphore(%dma_wait3A_102 : memref<!tpu.dma_semaphore, #tpu.memory_space<semaphore_mem>>) src(%dma_wait3A_108 : memref<80x128xf32, #tpu.memory_space<vmem>>) dst(%dma_wait3A_104 : memref<80x128xf32, #tpu.memory_space<hbm>>)
    return
  }
}

#map = affine_map<(d0, d1) -> (0, 0)>
#map1 = affine_map<(d0, d1) -> (0, 0, 0)>
module attributes {stable_mosaic.version = 14 : i64} {
  func.func @_gather_body(%arg0: i32, %arg1: i32, %arg2: memref<10000x128xf32, #tpu.memory_space<hbm>>, %arg3: memref<10000x128xf32, #tpu.memory_space<hbm>>, %arg4: memref<32x61x80xi32, #tpu.memory_space<hbm>>, %arg5: memref<32x61x80xi32, #tpu.memory_space<hbm>>, %arg6: memref<156160x128xf32, #tpu.memory_space<hbm>>, %arg7: memref<156160x128xf32, #tpu.memory_space<hbm>>, %arg8: memref<61x80xi32, #tpu.memory_space<vmem>>, %arg9: memref<61x80xi32, #tpu.memory_space<vmem>>, %arg10: memref<2x80x128xf32, #tpu.memory_space<vmem>>, %arg11: memref<2x80x128xf32, #tpu.memory_space<vmem>>, %arg12: memref<2x!tpu.dma_semaphore, #tpu.memory_space<semaphore_mem>>, %arg13: memref<2x!tpu.dma_semaphore, #tpu.memory_space<semaphore_mem>>) attributes {dimension_semantics = [#tpu.dimension_semantics<core_parallel>, #tpu.dimension_semantics<subcore_parallel>], iteration_bounds = array<i64: 2, 16>, scalar_prefetch = 0 : i64, scratch_operands = 6 : i64, tpu.core_type = #tpu.core_type<sc_vector_subcore>, window_params = [{transform_indices = #map}, {transform_indices = #map}, {transform_indices = #map1}, {transform_indices = #map1}, {transform_indices = #map}, {transform_indices = #map}]} {
    %mul3A = arith.constant 16 : i32
    %mul3A_0 = arith.muli %arg0, %mul3A : i32
    %add3A = arith.addi %mul3A_0, %arg1 : i32
    "tpu.region"() ({
      %run_scoped3A = tpu.sem_alloc : memref<!tpu.dma_semaphore, #tpu.memory_space<semaphore_mem>>
      %dma_start3A_109 = arith.constant 0 : i32
      %dma_start3A_110 = arith.constant 0 : i32
      %dma_start3A_111 = tpu.memref_slice %arg4[%add3A, %dma_start3A_109, %dma_start3A_110] : memref<32x61x80xi32, #tpu.memory_space<hbm>> -> memref<1x61x80xi32, #tpu.memory_space<hbm>>
      %dma_start3A_112 = tpu.memref_squeeze %dma_start3A_111 : memref<1x61x80xi32, #tpu.memory_space<hbm>> -> memref<61x80xi32, #tpu.memory_space<hbm>>
      %dma_start3A_113 = arith.constant 0 : i32
      %dma_start3A_114 = arith.constant 0 : i32
      %dma_start3A_115 = tpu.memref_slice %arg4[%add3A, %dma_start3A_113, %dma_start3A_114] : memref<32x61x80xi32, #tpu.memory_space<hbm>> -> memref<1x61x80xi32, #tpu.memory_space<hbm>>
      %dma_start3A_116 = tpu.memref_squeeze %dma_start3A_115 : memref<1x61x80xi32, #tpu.memory_space<hbm>> -> memref<61x80xi32, #tpu.memory_space<hbm>>
      tpu.enqueue_dma source(%dma_start3A_116 : memref<61x80xi32, #tpu.memory_space<hbm>>) target(%arg8 : memref<61x80xi32, #tpu.memory_space<vmem>>) target_semaphore(%run_scoped3A : memref<!tpu.dma_semaphore, #tpu.memory_space<semaphore_mem>>)
      %dma_wait3A_117 = arith.constant 0 : i32
      %dma_wait3A_118 = arith.constant 0 : i32
      %dma_wait3A_119 = tpu.memref_slice %arg4[%add3A, %dma_wait3A_117, %dma_wait3A_118] : memref<32x61x80xi32, #tpu.memory_space<hbm>> -> memref<1x61x80xi32, #tpu.memory_space<hbm>>
      %dma_wait3A_120 = tpu.memref_squeeze %dma_wait3A_119 : memref<1x61x80xi32, #tpu.memory_space<hbm>> -> memref<61x80xi32, #tpu.memory_space<hbm>>
      %dma_wait3A_121 = arith.constant 0 : i32
      %dma_wait3A_122 = arith.constant 0 : i32
      %dma_wait3A_123 = tpu.memref_slice %arg4[%add3A, %dma_wait3A_121, %dma_wait3A_122] : memref<32x61x80xi32, #tpu.memory_space<hbm>> -> memref<1x61x80xi32, #tpu.memory_space<hbm>>
      %dma_wait3A_124 = tpu.memref_squeeze %dma_wait3A_123 : memref<1x61x80xi32, #tpu.memory_space<hbm>> -> memref<61x80xi32, #tpu.memory_space<hbm>>
      tpu.wait_dma2 semaphore(%run_scoped3A : memref<!tpu.dma_semaphore, #tpu.memory_space<semaphore_mem>>) src(%dma_wait3A_124 : memref<61x80xi32, #tpu.memory_space<hbm>>) dst(%arg8 : memref<61x80xi32, #tpu.memory_space<vmem>>)
      tpu.yield
    }) : () -> ()
    "tpu.region"() ({
      %run_scoped3A = tpu.sem_alloc : memref<!tpu.dma_semaphore, #tpu.memory_space<semaphore_mem>>
      %dma_start3A_109 = arith.constant 0 : i32
      %dma_start3A_110 = arith.constant 0 : i32
      %dma_start3A_111 = tpu.memref_slice %arg5[%add3A, %dma_start3A_109, %dma_start3A_110] : memref<32x61x80xi32, #tpu.memory_space<hbm>> -> memref<1x61x80xi32, #tpu.memory_space<hbm>>
      %dma_start3A_112 = tpu.memref_squeeze %dma_start3A_111 : memref<1x61x80xi32, #tpu.memory_space<hbm>> -> memref<61x80xi32, #tpu.memory_space<hbm>>
      %dma_start3A_113 = arith.constant 0 : i32
      %dma_start3A_114 = arith.constant 0 : i32
      %dma_start3A_115 = tpu.memref_slice %arg5[%add3A, %dma_start3A_113, %dma_start3A_114] : memref<32x61x80xi32, #tpu.memory_space<hbm>> -> memref<1x61x80xi32, #tpu.memory_space<hbm>>
      %dma_start3A_116 = tpu.memref_squeeze %dma_start3A_115 : memref<1x61x80xi32, #tpu.memory_space<hbm>> -> memref<61x80xi32, #tpu.memory_space<hbm>>
      tpu.enqueue_dma source(%dma_start3A_116 : memref<61x80xi32, #tpu.memory_space<hbm>>) target(%arg9 : memref<61x80xi32, #tpu.memory_space<vmem>>) target_semaphore(%run_scoped3A : memref<!tpu.dma_semaphore, #tpu.memory_space<semaphore_mem>>)
      %dma_wait3A_117 = arith.constant 0 : i32
      %dma_wait3A_118 = arith.constant 0 : i32
      %dma_wait3A_119 = tpu.memref_slice %arg5[%add3A, %dma_wait3A_117, %dma_wait3A_118] : memref<32x61x80xi32, #tpu.memory_space<hbm>> -> memref<1x61x80xi32, #tpu.memory_space<hbm>>
      %dma_wait3A_120 = tpu.memref_squeeze %dma_wait3A_119 : memref<1x61x80xi32, #tpu.memory_space<hbm>> -> memref<61x80xi32, #tpu.memory_space<hbm>>
      %dma_wait3A_121 = arith.constant 0 : i32
      %dma_wait3A_122 = arith.constant 0 : i32
      %dma_wait3A_123 = tpu.memref_slice %arg5[%add3A, %dma_wait3A_121, %dma_wait3A_122] : memref<32x61x80xi32, #tpu.memory_space<hbm>> -> memref<1x61x80xi32, #tpu.memory_space<hbm>>
      %dma_wait3A_124 = tpu.memref_squeeze %dma_wait3A_123 : memref<1x61x80xi32, #tpu.memory_space<hbm>> -> memref<61x80xi32, #tpu.memory_space<hbm>>
      tpu.wait_dma2 semaphore(%run_scoped3A : memref<!tpu.dma_semaphore, #tpu.memory_space<semaphore_mem>>) src(%dma_wait3A_124 : memref<61x80xi32, #tpu.memory_space<hbm>>) dst(%arg9 : memref<61x80xi32, #tpu.memory_space<vmem>>)
      tpu.yield
    }) : () -> ()
    %dma_start3A = arith.constant 0 : i32
    %dma_start3A_1 = arith.constant 0 : i32
    %dma_start3A_2 = arith.constant 0 : i32
    %dma_start3A_3 = arith.constant 0 : i32
    %dma_start3A_4 = arith.constant 0 : i32
    %dma_start3A_5 = tpu.memref_slice %arg10[%dma_start3A_1, %dma_start3A_3, %dma_start3A_4] : memref<2x80x128xf32, #tpu.memory_space<vmem>> -> memref<1x80x128xf32, #tpu.memory_space<vmem>>
    %dma_start3A_6 = tpu.memref_squeeze %dma_start3A_5 : memref<1x80x128xf32, #tpu.memory_space<vmem>> -> memref<80x128xf32, #tpu.memory_space<vmem>>
    %dma_start3A_7 = arith.constant 0 : i32
    %dma_start3A_8 = tpu.memref_slice %arg8[%dma_start3A, %dma_start3A_7] : memref<61x80xi32, #tpu.memory_space<vmem>> -> memref<1x80xi32, #tpu.memory_space<vmem>>
    %dma_start3A_9 = tpu.memref_squeeze %dma_start3A_8 : memref<1x80xi32, #tpu.memory_space<vmem>> -> memref<80xi32, #tpu.memory_space<vmem>>
    %dma_start3A_10 = arith.constant 0 : i32
    %dma_start3A_11 = arith.constant 0 : i32
    %dma_start3A_12 = tpu.memref_slice %arg2[%dma_start3A_10, %dma_start3A_11] : memref<10000x128xf32, #tpu.memory_space<hbm>> -> memref<10000x128xf32, #tpu.memory_space<hbm>>
    %dma_start3A_13 = tpu.memref_slice %arg12[%dma_start3A_2] : memref<2x!tpu.dma_semaphore, #tpu.memory_space<semaphore_mem>> -> memref<1x!tpu.dma_semaphore, #tpu.memory_space<semaphore_mem>>
    %dma_start3A_14 = tpu.memref_squeeze %dma_start3A_13 : memref<1x!tpu.dma_semaphore, #tpu.memory_space<semaphore_mem>> -> memref<!tpu.dma_semaphore, #tpu.memory_space<semaphore_mem>>
    tpu.enqueue_indirect_dma source(%dma_start3A_12 : memref<10000x128xf32, #tpu.memory_space<hbm>>) target(%dma_start3A_6 : memref<80x128xf32, #tpu.memory_space<vmem>>) offsets(%dma_start3A_9 : memref<80xi32, #tpu.memory_space<vmem>>) semaphore(%dma_start3A_14 : memref<!tpu.dma_semaphore, #tpu.memory_space<semaphore_mem>>)
    %dma_start3A_15 = arith.constant 0 : i32
    %dma_start3A_16 = arith.constant 0 : i32
    %dma_start3A_17 = arith.constant 0 : i32
    %dma_start3A_18 = arith.constant 0 : i32
    %dma_start3A_19 = arith.constant 0 : i32
    %dma_start3A_20 = tpu.memref_slice %arg11[%dma_start3A_16, %dma_start3A_18, %dma_start3A_19] : memref<2x80x128xf32, #tpu.memory_space<vmem>> -> memref<1x80x128xf32, #tpu.memory_space<vmem>>
    %dma_start3A_21 = tpu.memref_squeeze %dma_start3A_20 : memref<1x80x128xf32, #tpu.memory_space<vmem>> -> memref<80x128xf32, #tpu.memory_space<vmem>>
    %dma_start3A_22 = arith.constant 0 : i32
    %dma_start3A_23 = tpu.memref_slice %arg9[%dma_start3A_15, %dma_start3A_22] : memref<61x80xi32, #tpu.memory_space<vmem>> -> memref<1x80xi32, #tpu.memory_space<vmem>>
    %dma_start3A_24 = tpu.memref_squeeze %dma_start3A_23 : memref<1x80xi32, #tpu.memory_space<vmem>> -> memref<80xi32, #tpu.memory_space<vmem>>
    %dma_start3A_25 = arith.constant 0 : i32
    %dma_start3A_26 = arith.constant 0 : i32
    %dma_start3A_27 = tpu.memref_slice %arg3[%dma_start3A_25, %dma_start3A_26] : memref<10000x128xf32, #tpu.memory_space<hbm>> -> memref<10000x128xf32, #tpu.memory_space<hbm>>
    %dma_start3A_28 = tpu.memref_slice %arg12[%dma_start3A_17] : memref<2x!tpu.dma_semaphore, #tpu.memory_space<semaphore_mem>> -> memref<1x!tpu.dma_semaphore, #tpu.memory_space<semaphore_mem>>
    %dma_start3A_29 = tpu.memref_squeeze %dma_start3A_28 : memref<1x!tpu.dma_semaphore, #tpu.memory_space<semaphore_mem>> -> memref<!tpu.dma_semaphore, #tpu.memory_space<semaphore_mem>>
    tpu.enqueue_indirect_dma source(%dma_start3A_27 : memref<10000x128xf32, #tpu.memory_space<hbm>>) target(%dma_start3A_21 : memref<80x128xf32, #tpu.memory_space<vmem>>) offsets(%dma_start3A_24 : memref<80xi32, #tpu.memory_space<vmem>>) semaphore(%dma_start3A_29 : memref<!tpu.dma_semaphore, #tpu.memory_space<semaphore_mem>>)
    %scan3A = arith.constant 0 : i32
    %scan3A_30 = arith.constant 61 : i32
    %scan3A_31 = arith.addi %scan3A, %scan3A_30 : i32
    %scan3A_32 = arith.constant 1 : i32
    scf.for %scan3A_109 = %scan3A to %scan3A_31 step %scan3A_32  : i32 {
      %rem3A = arith.constant 2 : i32
      %rem3A_110 = arith.remsi %scan3A_109, %rem3A : i32
      %sub3A = arith.constant 1 : i32
      %sub3A_111 = arith.subi %sub3A, %rem3A_110 : i32
      %add3A_112 = arith.constant 1 : i32
      %add3A_113 = arith.addi %scan3A_109, %add3A_112 : i32
      %lt3A = arith.constant 61 : i32
      %lt3A_114 = arith.cmpi slt, %add3A_113, %lt3A : i32
      %convert_element_type3A = arith.extui %lt3A_114 : i1 to i32
      %cond3A = arith.constant 0 : i32
      %cond3A_115 = arith.cmpi ne, %convert_element_type3A, %cond3A : i32
      scf.if %cond3A_115 {
        %ge3A = arith.constant 1 : i32
        %ge3A_173 = arith.cmpi sge, %scan3A_109, %ge3A : i32
        %convert_element_type3A_174 = arith.extui %ge3A_173 : i1 to i32
        %cond3A_175 = arith.constant 0 : i32
        %cond3A_176 = arith.cmpi ne, %convert_element_type3A_174, %cond3A_175 : i32
        scf.if %cond3A_176 {
          %sub3A_203 = arith.constant 1 : i32
          %sub3A_204 = arith.subi %scan3A_109, %sub3A_203 : i32
          %mul3A_205 = arith.constant 61 : i32
          %mul3A_206 = arith.muli %add3A, %mul3A_205 : i32
          %add3A_207 = arith.addi %mul3A_206, %sub3A_204 : i32
          %mul3A_208 = arith.constant 80 : i32
          %mul3A_209 = arith.muli %add3A_207, %mul3A_208 : i32
          %dma_wait3A_210 = arith.constant 0 : i32
          %dma_wait3A_211 = arith.constant 0 : i32
          %dma_wait3A_212 = tpu.memref_slice %arg10[%sub3A_111, %dma_wait3A_210, %dma_wait3A_211] : memref<2x80x128xf32, #tpu.memory_space<vmem>> -> memref<1x80x128xf32, #tpu.memory_space<vmem>>
          %dma_wait3A_213 = tpu.memref_squeeze %dma_wait3A_212 : memref<1x80x128xf32, #tpu.memory_space<vmem>> -> memref<80x128xf32, #tpu.memory_space<vmem>>
          %dma_wait3A_214 = arith.constant 0 : i32
          %dma_wait3A_215 = tpu.memref_slice %arg6[%mul3A_209, %dma_wait3A_214] : memref<156160x128xf32, #tpu.memory_space<hbm>> -> memref<80x128xf32, #tpu.memory_space<hbm>>
          %dma_wait3A_216 = tpu.memref_slice %arg13[%sub3A_111] : memref<2x!tpu.dma_semaphore, #tpu.memory_space<semaphore_mem>> -> memref<1x!tpu.dma_semaphore, #tpu.memory_space<semaphore_mem>>
          %dma_wait3A_217 = tpu.memref_squeeze %dma_wait3A_216 : memref<1x!tpu.dma_semaphore, #tpu.memory_space<semaphore_mem>> -> memref<!tpu.dma_semaphore, #tpu.memory_space<semaphore_mem>>
          %dma_wait3A_218 = arith.constant 0 : i32
          %dma_wait3A_219 = tpu.memref_slice %arg6[%mul3A_209, %dma_wait3A_218] : memref<156160x128xf32, #tpu.memory_space<hbm>> -> memref<80x128xf32, #tpu.memory_space<hbm>>
          %dma_wait3A_220 = arith.constant 0 : i32
          %dma_wait3A_221 = arith.constant 0 : i32
          %dma_wait3A_222 = tpu.memref_slice %arg10[%sub3A_111, %dma_wait3A_220, %dma_wait3A_221] : memref<2x80x128xf32, #tpu.memory_space<vmem>> -> memref<1x80x128xf32, #tpu.memory_space<vmem>>
          %dma_wait3A_223 = tpu.memref_squeeze %dma_wait3A_222 : memref<1x80x128xf32, #tpu.memory_space<vmem>> -> memref<80x128xf32, #tpu.memory_space<vmem>>
          tpu.wait_dma2 semaphore(%dma_wait3A_217 : memref<!tpu.dma_semaphore, #tpu.memory_space<semaphore_mem>>) src(%dma_wait3A_223 : memref<80x128xf32, #tpu.memory_space<vmem>>) dst(%dma_wait3A_219 : memref<80x128xf32, #tpu.memory_space<hbm>>)
          %dma_wait3A_224 = arith.constant 0 : i32
          %dma_wait3A_225 = arith.constant 0 : i32
          %dma_wait3A_226 = tpu.memref_slice %arg11[%sub3A_111, %dma_wait3A_224, %dma_wait3A_225] : memref<2x80x128xf32, #tpu.memory_space<vmem>> -> memref<1x80x128xf32, #tpu.memory_space<vmem>>
          %dma_wait3A_227 = tpu.memref_squeeze %dma_wait3A_226 : memref<1x80x128xf32, #tpu.memory_space<vmem>> -> memref<80x128xf32, #tpu.memory_space<vmem>>
          %dma_wait3A_228 = arith.constant 0 : i32
          %dma_wait3A_229 = tpu.memref_slice %arg7[%mul3A_209, %dma_wait3A_228] : memref<156160x128xf32, #tpu.memory_space<hbm>> -> memref<80x128xf32, #tpu.memory_space<hbm>>
          %dma_wait3A_230 = tpu.memref_slice %arg13[%sub3A_111] : memref<2x!tpu.dma_semaphore, #tpu.memory_space<semaphore_mem>> -> memref<1x!tpu.dma_semaphore, #tpu.memory_space<semaphore_mem>>
          %dma_wait3A_231 = tpu.memref_squeeze %dma_wait3A_230 : memref<1x!tpu.dma_semaphore, #tpu.memory_space<semaphore_mem>> -> memref<!tpu.dma_semaphore, #tpu.memory_space<semaphore_mem>>
          %dma_wait3A_232 = arith.constant 0 : i32
          %dma_wait3A_233 = tpu.memref_slice %arg7[%mul3A_209, %dma_wait3A_232] : memref<156160x128xf32, #tpu.memory_space<hbm>> -> memref<80x128xf32, #tpu.memory_space<hbm>>
          %dma_wait3A_234 = arith.constant 0 : i32
          %dma_wait3A_235 = arith.constant 0 : i32
          %dma_wait3A_236 = tpu.memref_slice %arg11[%sub3A_111, %dma_wait3A_234, %dma_wait3A_235] : memref<2x80x128xf32, #tpu.memory_space<vmem>> -> memref<1x80x128xf32, #tpu.memory_space<vmem>>
          %dma_wait3A_237 = tpu.memref_squeeze %dma_wait3A_236 : memref<1x80x128xf32, #tpu.memory_space<vmem>> -> memref<80x128xf32, #tpu.memory_space<vmem>>
          tpu.wait_dma2 semaphore(%dma_wait3A_231 : memref<!tpu.dma_semaphore, #tpu.memory_space<semaphore_mem>>) src(%dma_wait3A_237 : memref<80x128xf32, #tpu.memory_space<vmem>>) dst(%dma_wait3A_233 : memref<80x128xf32, #tpu.memory_space<hbm>>)
        } else {
        }
        %add3A_177 = arith.constant 1 : i32
        %add3A_178 = arith.addi %scan3A_109, %add3A_177 : i32
        %dma_start3A_179 = arith.constant 0 : i32
        %dma_start3A_180 = arith.constant 0 : i32
        %dma_start3A_181 = tpu.memref_slice %arg10[%sub3A_111, %dma_start3A_179, %dma_start3A_180] : memref<2x80x128xf32, #tpu.memory_space<vmem>> -> memref<1x80x128xf32, #tpu.memory_space<vmem>>
        %dma_start3A_182 = tpu.memref_squeeze %dma_start3A_181 : memref<1x80x128xf32, #tpu.memory_space<vmem>> -> memref<80x128xf32, #tpu.memory_space<vmem>>
        %dma_start3A_183 = arith.constant 0 : i32
        %dma_start3A_184 = tpu.memref_slice %arg8[%add3A_178, %dma_start3A_183] : memref<61x80xi32, #tpu.memory_space<vmem>> -> memref<1x80xi32, #tpu.memory_space<vmem>>
        %dma_start3A_185 = tpu.memref_squeeze %dma_start3A_184 : memref<1x80xi32, #tpu.memory_space<vmem>> -> memref<80xi32, #tpu.memory_space<vmem>>
        %dma_start3A_186 = arith.constant 0 : i32
        %dma_start3A_187 = arith.constant 0 : i32
        %dma_start3A_188 = tpu.memref_slice %arg2[%dma_start3A_186, %dma_start3A_187] : memref<10000x128xf32, #tpu.memory_space<hbm>> -> memref<10000x128xf32, #tpu.memory_space<hbm>>
        %dma_start3A_189 = tpu.memref_slice %arg12[%sub3A_111] : memref<2x!tpu.dma_semaphore, #tpu.memory_space<semaphore_mem>> -> memref<1x!tpu.dma_semaphore, #tpu.memory_space<semaphore_mem>>
        %dma_start3A_190 = tpu.memref_squeeze %dma_start3A_189 : memref<1x!tpu.dma_semaphore, #tpu.memory_space<semaphore_mem>> -> memref<!tpu.dma_semaphore, #tpu.memory_space<semaphore_mem>>
        tpu.enqueue_indirect_dma source(%dma_start3A_188 : memref<10000x128xf32, #tpu.memory_space<hbm>>) target(%dma_start3A_182 : memref<80x128xf32, #tpu.memory_space<vmem>>) offsets(%dma_start3A_185 : memref<80xi32, #tpu.memory_space<vmem>>) semaphore(%dma_start3A_190 : memref<!tpu.dma_semaphore, #tpu.memory_space<semaphore_mem>>)
        %dma_start3A_191 = arith.constant 0 : i32
        %dma_start3A_192 = arith.constant 0 : i32
        %dma_start3A_193 = tpu.memref_slice %arg11[%sub3A_111, %dma_start3A_191, %dma_start3A_192] : memref<2x80x128xf32, #tpu.memory_space<vmem>> -> memref<1x80x128xf32, #tpu.memory_space<vmem>>
        %dma_start3A_194 = tpu.memref_squeeze %dma_start3A_193 : memref<1x80x128xf32, #tpu.memory_space<vmem>> -> memref<80x128xf32, #tpu.memory_space<vmem>>
        %dma_start3A_195 = arith.constant 0 : i32
        %dma_start3A_196 = tpu.memref_slice %arg9[%add3A_178, %dma_start3A_195] : memref<61x80xi32, #tpu.memory_space<vmem>> -> memref<1x80xi32, #tpu.memory_space<vmem>>
        %dma_start3A_197 = tpu.memref_squeeze %dma_start3A_196 : memref<1x80xi32, #tpu.memory_space<vmem>> -> memref<80xi32, #tpu.memory_space<vmem>>
        %dma_start3A_198 = arith.constant 0 : i32
        %dma_start3A_199 = arith.constant 0 : i32
        %dma_start3A_200 = tpu.memref_slice %arg3[%dma_start3A_198, %dma_start3A_199] : memref<10000x128xf32, #tpu.memory_space<hbm>> -> memref<10000x128xf32, #tpu.memory_space<hbm>>
        %dma_start3A_201 = tpu.memref_slice %arg12[%sub3A_111] : memref<2x!tpu.dma_semaphore, #tpu.memory_space<semaphore_mem>> -> memref<1x!tpu.dma_semaphore, #tpu.memory_space<semaphore_mem>>
        %dma_start3A_202 = tpu.memref_squeeze %dma_start3A_201 : memref<1x!tpu.dma_semaphore, #tpu.memory_space<semaphore_mem>> -> memref<!tpu.dma_semaphore, #tpu.memory_space<semaphore_mem>>
        tpu.enqueue_indirect_dma source(%dma_start3A_200 : memref<10000x128xf32, #tpu.memory_space<hbm>>) target(%dma_start3A_194 : memref<80x128xf32, #tpu.memory_space<vmem>>) offsets(%dma_start3A_197 : memref<80xi32, #tpu.memory_space<vmem>>) semaphore(%dma_start3A_202 : memref<!tpu.dma_semaphore, #tpu.memory_space<semaphore_mem>>)
      } else {
      }
      %dma_wait3A_116 = arith.constant 0 : i32
      %dma_wait3A_117 = arith.constant 0 : i32
      %dma_wait3A_118 = tpu.memref_slice %arg10[%rem3A_110, %dma_wait3A_116, %dma_wait3A_117] : memref<2x80x128xf32, #tpu.memory_space<vmem>> -> memref<1x80x128xf32, #tpu.memory_space<vmem>>
      %dma_wait3A_119 = tpu.memref_squeeze %dma_wait3A_118 : memref<1x80x128xf32, #tpu.memory_space<vmem>> -> memref<80x128xf32, #tpu.memory_space<vmem>>
      %dma_wait3A_120 = arith.constant 0 : i32
      %dma_wait3A_121 = tpu.memref_slice %arg8[%scan3A_109, %dma_wait3A_120] : memref<61x80xi32, #tpu.memory_space<vmem>> -> memref<1x80xi32, #tpu.memory_space<vmem>>
      %dma_wait3A_122 = tpu.memref_squeeze %dma_wait3A_121 : memref<1x80xi32, #tpu.memory_space<vmem>> -> memref<80xi32, #tpu.memory_space<vmem>>
      %dma_wait3A_123 = arith.constant 0 : i32
      %dma_wait3A_124 = arith.constant 0 : i32
      %dma_wait3A_125 = tpu.memref_slice %arg2[%dma_wait3A_123, %dma_wait3A_124] : memref<10000x128xf32, #tpu.memory_space<hbm>> -> memref<10000x128xf32, #tpu.memory_space<hbm>>
      %dma_wait3A_126 = tpu.memref_slice %arg12[%rem3A_110] : memref<2x!tpu.dma_semaphore, #tpu.memory_space<semaphore_mem>> -> memref<1x!tpu.dma_semaphore, #tpu.memory_space<semaphore_mem>>
      %dma_wait3A_127 = tpu.memref_squeeze %dma_wait3A_126 : memref<1x!tpu.dma_semaphore, #tpu.memory_space<semaphore_mem>> -> memref<!tpu.dma_semaphore, #tpu.memory_space<semaphore_mem>>
      tpu.wait_indirect_dma semaphore(%dma_wait3A_127 : memref<!tpu.dma_semaphore, #tpu.memory_space<semaphore_mem>>) src(%dma_wait3A_125 : memref<10000x128xf32, #tpu.memory_space<hbm>>) dst(%dma_wait3A_119 : memref<80x128xf32, #tpu.memory_space<vmem>>)
      %dma_wait3A_128 = arith.constant 0 : i32
      %dma_wait3A_129 = arith.constant 0 : i32
      %dma_wait3A_130 = tpu.memref_slice %arg11[%rem3A_110, %dma_wait3A_128, %dma_wait3A_129] : memref<2x80x128xf32, #tpu.memory_space<vmem>> -> memref<1x80x128xf32, #tpu.memory_space<vmem>>
      %dma_wait3A_131 = tpu.memref_squeeze %dma_wait3A_130 : memref<1x80x128xf32, #tpu.memory_space<vmem>> -> memref<80x128xf32, #tpu.memory_space<vmem>>
      %dma_wait3A_132 = arith.constant 0 : i32
      %dma_wait3A_133 = tpu.memref_slice %arg9[%scan3A_109, %dma_wait3A_132] : memref<61x80xi32, #tpu.memory_space<vmem>> -> memref<1x80xi32, #tpu.memory_space<vmem>>
      %dma_wait3A_134 = tpu.memref_squeeze %dma_wait3A_133 : memref<1x80xi32, #tpu.memory_space<vmem>> -> memref<80xi32, #tpu.memory_space<vmem>>
      %dma_wait3A_135 = arith.constant 0 : i32
      %dma_wait3A_136 = arith.constant 0 : i32
      %dma_wait3A_137 = tpu.memref_slice %arg3[%dma_wait3A_135, %dma_wait3A_136] : memref<10000x128xf32, #tpu.memory_space<hbm>> -> memref<10000x128xf32, #tpu.memory_space<hbm>>
      %dma_wait3A_138 = tpu.memref_slice %arg12[%rem3A_110] : memref<2x!tpu.dma_semaphore, #tpu.memory_space<semaphore_mem>> -> memref<1x!tpu.dma_semaphore, #tpu.memory_space<semaphore_mem>>
      %dma_wait3A_139 = tpu.memref_squeeze %dma_wait3A_138 : memref<1x!tpu.dma_semaphore, #tpu.memory_space<semaphore_mem>> -> memref<!tpu.dma_semaphore, #tpu.memory_space<semaphore_mem>>
      tpu.wait_indirect_dma semaphore(%dma_wait3A_139 : memref<!tpu.dma_semaphore, #tpu.memory_space<semaphore_mem>>) src(%dma_wait3A_137 : memref<10000x128xf32, #tpu.memory_space<hbm>>) dst(%dma_wait3A_131 : memref<80x128xf32, #tpu.memory_space<vmem>>)
      %mul3A_140 = arith.constant 61 : i32
      %mul3A_141 = arith.muli %add3A, %mul3A_140 : i32
      %add3A_142 = arith.addi %mul3A_141, %scan3A_109 : i32
      %mul3A_143 = arith.constant 80 : i32
      %mul3A_144 = arith.muli %add3A_142, %mul3A_143 : i32
      %dma_start3A_145 = arith.constant 0 : i32
      %dma_start3A_146 = arith.constant 0 : i32
      %dma_start3A_147 = tpu.memref_slice %arg10[%rem3A_110, %dma_start3A_145, %dma_start3A_146] : memref<2x80x128xf32, #tpu.memory_space<vmem>> -> memref<1x80x128xf32, #tpu.memory_space<vmem>>
      %dma_start3A_148 = tpu.memref_squeeze %dma_start3A_147 : memref<1x80x128xf32, #tpu.memory_space<vmem>> -> memref<80x128xf32, #tpu.memory_space<vmem>>
      %dma_start3A_149 = arith.constant 0 : i32
      %dma_start3A_150 = tpu.memref_slice %arg6[%mul3A_144, %dma_start3A_149] : memref<156160x128xf32, #tpu.memory_space<hbm>> -> memref<80x128xf32, #tpu.memory_space<hbm>>
      %dma_start3A_151 = tpu.memref_slice %arg13[%rem3A_110] : memref<2x!tpu.dma_semaphore, #tpu.memory_space<semaphore_mem>> -> memref<1x!tpu.dma_semaphore, #tpu.memory_space<semaphore_mem>>
      %dma_start3A_152 = tpu.memref_squeeze %dma_start3A_151 : memref<1x!tpu.dma_semaphore, #tpu.memory_space<semaphore_mem>> -> memref<!tpu.dma_semaphore, #tpu.memory_space<semaphore_mem>>
      %dma_start3A_153 = arith.constant 0 : i32
      %dma_start3A_154 = tpu.memref_slice %arg6[%mul3A_144, %dma_start3A_153] : memref<156160x128xf32, #tpu.memory_space<hbm>> -> memref<80x128xf32, #tpu.memory_space<hbm>>
      %dma_start3A_155 = arith.constant 0 : i32
      %dma_start3A_156 = arith.constant 0 : i32
      %dma_start3A_157 = tpu.memref_slice %arg10[%rem3A_110, %dma_start3A_155, %dma_start3A_156] : memref<2x80x128xf32, #tpu.memory_space<vmem>> -> memref<1x80x128xf32, #tpu.memory_space<vmem>>
      %dma_start3A_158 = tpu.memref_squeeze %dma_start3A_157 : memref<1x80x128xf32, #tpu.memory_space<vmem>> -> memref<80x128xf32, #tpu.memory_space<vmem>>
      tpu.enqueue_dma source(%dma_start3A_158 : memref<80x128xf32, #tpu.memory_space<vmem>>) target(%dma_start3A_154 : memref<80x128xf32, #tpu.memory_space<hbm>>) target_semaphore(%dma_start3A_152 : memref<!tpu.dma_semaphore, #tpu.memory_space<semaphore_mem>>)
      %dma_start3A_159 = arith.constant 0 : i32
      %dma_start3A_160 = arith.constant 0 : i32
      %dma_start3A_161 = tpu.memref_slice %arg11[%rem3A_110, %dma_start3A_159, %dma_start3A_160] : memref<2x80x128xf32, #tpu.memory_space<vmem>> -> memref<1x80x128xf32, #tpu.memory_space<vmem>>
      %dma_start3A_162 = tpu.memref_squeeze %dma_start3A_161 : memref<1x80x128xf32, #tpu.memory_space<vmem>> -> memref<80x128xf32, #tpu.memory_space<vmem>>
      %dma_start3A_163 = arith.constant 0 : i32
      %dma_start3A_164 = tpu.memref_slice %arg7[%mul3A_144, %dma_start3A_163] : memref<156160x128xf32, #tpu.memory_space<hbm>> -> memref<80x128xf32, #tpu.memory_space<hbm>>
      %dma_start3A_165 = tpu.memref_slice %arg13[%rem3A_110] : memref<2x!tpu.dma_semaphore, #tpu.memory_space<semaphore_mem>> -> memref<1x!tpu.dma_semaphore, #tpu.memory_space<semaphore_mem>>
      %dma_start3A_166 = tpu.memref_squeeze %dma_start3A_165 : memref<1x!tpu.dma_semaphore, #tpu.memory_space<semaphore_mem>> -> memref<!tpu.dma_semaphore, #tpu.memory_space<semaphore_mem>>
      %dma_start3A_167 = arith.constant 0 : i32
      %dma_start3A_168 = tpu.memref_slice %arg7[%mul3A_144, %dma_start3A_167] : memref<156160x128xf32, #tpu.memory_space<hbm>> -> memref<80x128xf32, #tpu.memory_space<hbm>>
      %dma_start3A_169 = arith.constant 0 : i32
      %dma_start3A_170 = arith.constant 0 : i32
      %dma_start3A_171 = tpu.memref_slice %arg11[%rem3A_110, %dma_start3A_169, %dma_start3A_170] : memref<2x80x128xf32, #tpu.memory_space<vmem>> -> memref<1x80x128xf32, #tpu.memory_space<vmem>>
      %dma_start3A_172 = tpu.memref_squeeze %dma_start3A_171 : memref<1x80x128xf32, #tpu.memory_space<vmem>> -> memref<80x128xf32, #tpu.memory_space<vmem>>
      tpu.enqueue_dma source(%dma_start3A_172 : memref<80x128xf32, #tpu.memory_space<vmem>>) target(%dma_start3A_168 : memref<80x128xf32, #tpu.memory_space<hbm>>) target_semaphore(%dma_start3A_166 : memref<!tpu.dma_semaphore, #tpu.memory_space<semaphore_mem>>)
    }
    %scan3A_33 = arith.constant 61 : i32
    %mul3A_34 = arith.constant 61 : i32
    %mul3A_35 = arith.muli %add3A, %mul3A_34 : i32
    %add3A_36 = arith.constant 59 : i32
    %add3A_37 = arith.addi %mul3A_35, %add3A_36 : i32
    %mul3A_38 = arith.constant 80 : i32
    %mul3A_39 = arith.muli %add3A_37, %mul3A_38 : i32
    %dma_wait3A = arith.constant 1 : i32
    %dma_wait3A_40 = arith.constant 1 : i32
    %dma_wait3A_41 = arith.constant 0 : i32
    %dma_wait3A_42 = arith.constant 0 : i32
    %dma_wait3A_43 = tpu.memref_slice %arg10[%dma_wait3A, %dma_wait3A_41, %dma_wait3A_42] : memref<2x80x128xf32, #tpu.memory_space<vmem>> -> memref<1x80x128xf32, #tpu.memory_space<vmem>>
    %dma_wait3A_44 = tpu.memref_squeeze %dma_wait3A_43 : memref<1x80x128xf32, #tpu.memory_space<vmem>> -> memref<80x128xf32, #tpu.memory_space<vmem>>
    %dma_wait3A_45 = arith.constant 0 : i32
    %dma_wait3A_46 = tpu.memref_slice %arg6[%mul3A_39, %dma_wait3A_45] : memref<156160x128xf32, #tpu.memory_space<hbm>> -> memref<80x128xf32, #tpu.memory_space<hbm>>
    %dma_wait3A_47 = tpu.memref_slice %arg13[%dma_wait3A_40] : memref<2x!tpu.dma_semaphore, #tpu.memory_space<semaphore_mem>> -> memref<1x!tpu.dma_semaphore, #tpu.memory_space<semaphore_mem>>
    %dma_wait3A_48 = tpu.memref_squeeze %dma_wait3A_47 : memref<1x!tpu.dma_semaphore, #tpu.memory_space<semaphore_mem>> -> memref<!tpu.dma_semaphore, #tpu.memory_space<semaphore_mem>>
    %dma_wait3A_49 = arith.constant 0 : i32
    %dma_wait3A_50 = tpu.memref_slice %arg6[%mul3A_39, %dma_wait3A_49] : memref<156160x128xf32, #tpu.memory_space<hbm>> -> memref<80x128xf32, #tpu.memory_space<hbm>>
    %dma_wait3A_51 = arith.constant 0 : i32
    %dma_wait3A_52 = arith.constant 0 : i32
    %dma_wait3A_53 = tpu.memref_slice %arg10[%dma_wait3A, %dma_wait3A_51, %dma_wait3A_52] : memref<2x80x128xf32, #tpu.memory_space<vmem>> -> memref<1x80x128xf32, #tpu.memory_space<vmem>>
    %dma_wait3A_54 = tpu.memref_squeeze %dma_wait3A_53 : memref<1x80x128xf32, #tpu.memory_space<vmem>> -> memref<80x128xf32, #tpu.memory_space<vmem>>
    tpu.wait_dma2 semaphore(%dma_wait3A_48 : memref<!tpu.dma_semaphore, #tpu.memory_space<semaphore_mem>>) src(%dma_wait3A_54 : memref<80x128xf32, #tpu.memory_space<vmem>>) dst(%dma_wait3A_50 : memref<80x128xf32, #tpu.memory_space<hbm>>)
    %dma_wait3A_55 = arith.constant 1 : i32
    %dma_wait3A_56 = arith.constant 1 : i32
    %dma_wait3A_57 = arith.constant 0 : i32
    %dma_wait3A_58 = arith.constant 0 : i32
    %dma_wait3A_59 = tpu.memref_slice %arg11[%dma_wait3A_55, %dma_wait3A_57, %dma_wait3A_58] : memref<2x80x128xf32, #tpu.memory_space<vmem>> -> memref<1x80x128xf32, #tpu.memory_space<vmem>>
    %dma_wait3A_60 = tpu.memref_squeeze %dma_wait3A_59 : memref<1x80x128xf32, #tpu.memory_space<vmem>> -> memref<80x128xf32, #tpu.memory_space<vmem>>
    %dma_wait3A_61 = arith.constant 0 : i32
    %dma_wait3A_62 = tpu.memref_slice %arg7[%mul3A_39, %dma_wait3A_61] : memref<156160x128xf32, #tpu.memory_space<hbm>> -> memref<80x128xf32, #tpu.memory_space<hbm>>
    %dma_wait3A_63 = tpu.memref_slice %arg13[%dma_wait3A_56] : memref<2x!tpu.dma_semaphore, #tpu.memory_space<semaphore_mem>> -> memref<1x!tpu.dma_semaphore, #tpu.memory_space<semaphore_mem>>
    %dma_wait3A_64 = tpu.memref_squeeze %dma_wait3A_63 : memref<1x!tpu.dma_semaphore, #tpu.memory_space<semaphore_mem>> -> memref<!tpu.dma_semaphore, #tpu.memory_space<semaphore_mem>>
    %dma_wait3A_65 = arith.constant 0 : i32
    %dma_wait3A_66 = tpu.memref_slice %arg7[%mul3A_39, %dma_wait3A_65] : memref<156160x128xf32, #tpu.memory_space<hbm>> -> memref<80x128xf32, #tpu.memory_space<hbm>>
    %dma_wait3A_67 = arith.constant 0 : i32
    %dma_wait3A_68 = arith.constant 0 : i32
    %dma_wait3A_69 = tpu.memref_slice %arg11[%dma_wait3A_55, %dma_wait3A_67, %dma_wait3A_68] : memref<2x80x128xf32, #tpu.memory_space<vmem>> -> memref<1x80x128xf32, #tpu.memory_space<vmem>>
    %dma_wait3A_70 = tpu.memref_squeeze %dma_wait3A_69 : memref<1x80x128xf32, #tpu.memory_space<vmem>> -> memref<80x128xf32, #tpu.memory_space<vmem>>
    tpu.wait_dma2 semaphore(%dma_wait3A_64 : memref<!tpu.dma_semaphore, #tpu.memory_space<semaphore_mem>>) src(%dma_wait3A_70 : memref<80x128xf32, #tpu.memory_space<vmem>>) dst(%dma_wait3A_66 : memref<80x128xf32, #tpu.memory_space<hbm>>)
    %mul3A_71 = arith.constant 61 : i32
    %mul3A_72 = arith.muli %add3A, %mul3A_71 : i32
    %add3A_73 = arith.constant 60 : i32
    %add3A_74 = arith.addi %mul3A_72, %add3A_73 : i32
    %mul3A_75 = arith.constant 80 : i32
    %mul3A_76 = arith.muli %add3A_74, %mul3A_75 : i32
    %dma_wait3A_77 = arith.constant 0 : i32
    %dma_wait3A_78 = arith.constant 0 : i32
    %dma_wait3A_79 = arith.constant 0 : i32
    %dma_wait3A_80 = arith.constant 0 : i32
    %dma_wait3A_81 = tpu.memref_slice %arg10[%dma_wait3A_77, %dma_wait3A_79, %dma_wait3A_80] : memref<2x80x128xf32, #tpu.memory_space<vmem>> -> memref<1x80x128xf32, #tpu.memory_space<vmem>>
    %dma_wait3A_82 = tpu.memref_squeeze %dma_wait3A_81 : memref<1x80x128xf32, #tpu.memory_space<vmem>> -> memref<80x128xf32, #tpu.memory_space<vmem>>
    %dma_wait3A_83 = arith.constant 0 : i32
    %dma_wait3A_84 = tpu.memref_slice %arg6[%mul3A_76, %dma_wait3A_83] : memref<156160x128xf32, #tpu.memory_space<hbm>> -> memref<80x128xf32, #tpu.memory_space<hbm>>
    %dma_wait3A_85 = tpu.memref_slice %arg13[%dma_wait3A_78] : memref<2x!tpu.dma_semaphore, #tpu.memory_space<semaphore_mem>> -> memref<1x!tpu.dma_semaphore, #tpu.memory_space<semaphore_mem>>
    %dma_wait3A_86 = tpu.memref_squeeze %dma_wait3A_85 : memref<1x!tpu.dma_semaphore, #tpu.memory_space<semaphore_mem>> -> memref<!tpu.dma_semaphore, #tpu.memory_space<semaphore_mem>>
    %dma_wait3A_87 = arith.constant 0 : i32
    %dma_wait3A_88 = tpu.memref_slice %arg6[%mul3A_76, %dma_wait3A_87] : memref<156160x128xf32, #tpu.memory_space<hbm>> -> memref<80x128xf32, #tpu.memory_space<hbm>>
    %dma_wait3A_89 = arith.constant 0 : i32
    %dma_wait3A_90 = arith.constant 0 : i32
    %dma_wait3A_91 = tpu.memref_slice %arg10[%dma_wait3A_77, %dma_wait3A_89, %dma_wait3A_90] : memref<2x80x128xf32, #tpu.memory_space<vmem>> -> memref<1x80x128xf32, #tpu.memory_space<vmem>>
    %dma_wait3A_92 = tpu.memref_squeeze %dma_wait3A_91 : memref<1x80x128xf32, #tpu.memory_space<vmem>> -> memref<80x128xf32, #tpu.memory_space<vmem>>
    tpu.wait_dma2 semaphore(%dma_wait3A_86 : memref<!tpu.dma_semaphore, #tpu.memory_space<semaphore_mem>>) src(%dma_wait3A_92 : memref<80x128xf32, #tpu.memory_space<vmem>>) dst(%dma_wait3A_88 : memref<80x128xf32, #tpu.memory_space<hbm>>)
    %dma_wait3A_93 = arith.constant 0 : i32
    %dma_wait3A_94 = arith.constant 0 : i32
    %dma_wait3A_95 = arith.constant 0 : i32
    %dma_wait3A_96 = arith.constant 0 : i32
    %dma_wait3A_97 = tpu.memref_slice %arg11[%dma_wait3A_93, %dma_wait3A_95, %dma_wait3A_96] : memref<2x80x128xf32, #tpu.memory_space<vmem>> -> memref<1x80x128xf32, #tpu.memory_space<vmem>>
    %dma_wait3A_98 = tpu.memref_squeeze %dma_wait3A_97 : memref<1x80x128xf32, #tpu.memory_space<vmem>> -> memref<80x128xf32, #tpu.memory_space<vmem>>
    %dma_wait3A_99 = arith.constant 0 : i32
    %dma_wait3A_100 = tpu.memref_slice %arg7[%mul3A_76, %dma_wait3A_99] : memref<156160x128xf32, #tpu.memory_space<hbm>> -> memref<80x128xf32, #tpu.memory_space<hbm>>
    %dma_wait3A_101 = tpu.memref_slice %arg13[%dma_wait3A_94] : memref<2x!tpu.dma_semaphore, #tpu.memory_space<semaphore_mem>> -> memref<1x!tpu.dma_semaphore, #tpu.memory_space<semaphore_mem>>
    %dma_wait3A_102 = tpu.memref_squeeze %dma_wait3A_101 : memref<1x!tpu.dma_semaphore, #tpu.memory_space<semaphore_mem>> -> memref<!tpu.dma_semaphore, #tpu.memory_space<semaphore_mem>>
    %dma_wait3A_103 = arith.constant 0 : i32
    %dma_wait3A_104 = tpu.memref_slice %arg7[%mul3A_76, %dma_wait3A_103] : memref<156160x128xf32, #tpu.memory_space<hbm>> -> memref<80x128xf32, #tpu.memory_space<hbm>>
    %dma_wait3A_105 = arith.constant 0 : i32
    %dma_wait3A_106 = arith.constant 0 : i32
    %dma_wait3A_107 = tpu.memref_slice %arg11[%dma_wait3A_93, %dma_wait3A_105, %dma_wait3A_106] : memref<2x80x128xf32, #tpu.memory_space<vmem>> -> memref<1x80x128xf32, #tpu.memory_space<vmem>>
    %dma_wait3A_108 = tpu.memref_squeeze %dma_wait3A_107 : memref<1x80x128xf32, #tpu.memory_space<vmem>> -> memref<80x128xf32, #tpu.memory_space<vmem>>
    tpu.wait_dma2 semaphore(%dma_wait3A_102 : memref<!tpu.dma_semaphore, #tpu.memory_space<semaphore_mem>>) src(%dma_wait3A_108 : memref<80x128xf32, #tpu.memory_space<vmem>>) dst(%dma_wait3A_104 : memref<80x128xf32, #tpu.memory_space<hbm>>)
    return
  }
}

#map = affine_map<(d0, d1) -> (0)>
#map1 = affine_map<(d0, d1) -> (0, 0, 0)>
#map2 = affine_map<(d0, d1) -> (0, 0, 0, 0)>
#map3 = affine_map<(d0, d1) -> (0, 0)>
module attributes {stable_mosaic.version = 14 : i64} {
  func.func @_scatter_body(%arg0: i32, %arg1: i32, %arg2: memref<80000xf32, #tpu.memory_space<hbm>>, %arg3: memref<80000xf32, #tpu.memory_space<hbm>>, %arg4: memref<32x64x80xi32, #tpu.memory_space<hbm>>, %arg5: memref<32x61x80xi32, #tpu.memory_space<hbm>>, %arg6: memref<3x32x64x80xf32, #tpu.memory_space<hbm>>, %arg7: memref<3x32x61x80xf32, #tpu.memory_space<hbm>>, %arg8: memref<32x80000xf32, #tpu.memory_space<hbm>>, %arg9: memref<64x80xi32, #tpu.memory_space<vmem>>, %arg10: memref<61x80xi32, #tpu.memory_space<vmem>>, %arg11: memref<3x64x80xf32, #tpu.memory_space<vmem>>, %arg12: memref<3x61x80xf32, #tpu.memory_space<vmem>>, %arg13: memref<80000xf32, #tpu.memory_space<vmem>>) attributes {dimension_semantics = [#tpu.dimension_semantics<core_parallel>, #tpu.dimension_semantics<subcore_parallel>], iteration_bounds = array<i64: 2, 16>, scalar_prefetch = 0 : i64, scratch_operands = 5 : i64, tpu.core_type = #tpu.core_type<sc_vector_subcore>, window_params = [{transform_indices = #map}, {transform_indices = #map}, {transform_indices = #map1}, {transform_indices = #map1}, {transform_indices = #map2}, {transform_indices = #map2}, {transform_indices = #map3}]} {
    %mul3A = arith.constant 16 : i32
    %mul3A_0 = arith.muli %arg0, %mul3A : i32
    %add3A = arith.addi %mul3A_0, %arg1 : i32
    %eq3A = arith.constant 0 : i32
    %eq3A_1 = arith.cmpi eq, %add3A, %eq3A : i32
    %convert_element_type3A = arith.extui %eq3A_1 : i1 to i32
    %cond3A = arith.constant 0 : i32
    %cond3A_2 = arith.cmpi ne, %convert_element_type3A, %cond3A : i32
    scf.if %cond3A_2 {
      "tpu.region"() ({
        %run_scoped3A = tpu.sem_alloc : memref<!tpu.dma_semaphore, #tpu.memory_space<semaphore_mem>>
        tpu.enqueue_dma source(%arg2 : memref<80000xf32, #tpu.memory_space<hbm>>) target(%arg13 : memref<80000xf32, #tpu.memory_space<vmem>>) target_semaphore(%run_scoped3A : memref<!tpu.dma_semaphore, #tpu.memory_space<semaphore_mem>>)
        tpu.wait_dma2 semaphore(%run_scoped3A : memref<!tpu.dma_semaphore, #tpu.memory_space<semaphore_mem>>) src(%arg2 : memref<80000xf32, #tpu.memory_space<hbm>>) dst(%arg13 : memref<80000xf32, #tpu.memory_space<vmem>>)
        tpu.yield
      }) : () -> ()
    } else {
    }
    %ne3A = arith.constant 0 : i32
    %ne3A_3 = arith.cmpi ne, %add3A, %ne3A : i32
    %convert_element_type3A_4 = arith.extui %ne3A_3 : i1 to i32
    %cond3A_5 = arith.constant 0 : i32
    %cond3A_6 = arith.cmpi ne, %convert_element_type3A_4, %cond3A_5 : i32
    scf.if %cond3A_6 {
      "tpu.region"() ({
        %run_scoped3A = tpu.sem_alloc : memref<!tpu.dma_semaphore, #tpu.memory_space<semaphore_mem>>
        tpu.enqueue_dma source(%arg3 : memref<80000xf32, #tpu.memory_space<hbm>>) target(%arg13 : memref<80000xf32, #tpu.memory_space<vmem>>) target_semaphore(%run_scoped3A : memref<!tpu.dma_semaphore, #tpu.memory_space<semaphore_mem>>)
        tpu.wait_dma2 semaphore(%run_scoped3A : memref<!tpu.dma_semaphore, #tpu.memory_space<semaphore_mem>>) src(%arg3 : memref<80000xf32, #tpu.memory_space<hbm>>) dst(%arg13 : memref<80000xf32, #tpu.memory_space<vmem>>)
        tpu.yield
      }) : () -> ()
    } else {
    }
    "tpu.region"() ({
      %run_scoped3A = tpu.sem_alloc : memref<!tpu.dma_semaphore, #tpu.memory_space<semaphore_mem>>
      %dma_start3A = arith.constant 0 : i32
      %dma_start3A_16 = arith.constant 0 : i32
      %dma_start3A_17 = tpu.memref_slice %arg4[%add3A, %dma_start3A, %dma_start3A_16] : memref<32x64x80xi32, #tpu.memory_space<hbm>> -> memref<1x64x80xi32, #tpu.memory_space<hbm>>
      %dma_start3A_18 = tpu.memref_squeeze %dma_start3A_17 : memref<1x64x80xi32, #tpu.memory_space<hbm>> -> memref<64x80xi32, #tpu.memory_space<hbm>>
      %dma_start3A_19 = arith.constant 0 : i32
      %dma_start3A_20 = arith.constant 0 : i32
      %dma_start3A_21 = tpu.memref_slice %arg4[%add3A, %dma_start3A_19, %dma_start3A_20] : memref<32x64x80xi32, #tpu.memory_space<hbm>> -> memref<1x64x80xi32, #tpu.memory_space<hbm>>
      %dma_start3A_22 = tpu.memref_squeeze %dma_start3A_21 : memref<1x64x80xi32, #tpu.memory_space<hbm>> -> memref<64x80xi32, #tpu.memory_space<hbm>>
      tpu.enqueue_dma source(%dma_start3A_22 : memref<64x80xi32, #tpu.memory_space<hbm>>) target(%arg9 : memref<64x80xi32, #tpu.memory_space<vmem>>) target_semaphore(%run_scoped3A : memref<!tpu.dma_semaphore, #tpu.memory_space<semaphore_mem>>)
      %dma_wait3A = arith.constant 0 : i32
      %dma_wait3A_23 = arith.constant 0 : i32
      %dma_wait3A_24 = tpu.memref_slice %arg4[%add3A, %dma_wait3A, %dma_wait3A_23] : memref<32x64x80xi32, #tpu.memory_space<hbm>> -> memref<1x64x80xi32, #tpu.memory_space<hbm>>
      %dma_wait3A_25 = tpu.memref_squeeze %dma_wait3A_24 : memref<1x64x80xi32, #tpu.memory_space<hbm>> -> memref<64x80xi32, #tpu.memory_space<hbm>>
      %dma_wait3A_26 = arith.constant 0 : i32
      %dma_wait3A_27 = arith.constant 0 : i32
      %dma_wait3A_28 = tpu.memref_slice %arg4[%add3A, %dma_wait3A_26, %dma_wait3A_27] : memref<32x64x80xi32, #tpu.memory_space<hbm>> -> memref<1x64x80xi32, #tpu.memory_space<hbm>>
      %dma_wait3A_29 = tpu.memref_squeeze %dma_wait3A_28 : memref<1x64x80xi32, #tpu.memory_space<hbm>> -> memref<64x80xi32, #tpu.memory_space<hbm>>
      tpu.wait_dma2 semaphore(%run_scoped3A : memref<!tpu.dma_semaphore, #tpu.memory_space<semaphore_mem>>) src(%dma_wait3A_29 : memref<64x80xi32, #tpu.memory_space<hbm>>) dst(%arg9 : memref<64x80xi32, #tpu.memory_space<vmem>>)
      tpu.yield
    }) : () -> ()
    "tpu.region"() ({
      %run_scoped3A = tpu.sem_alloc : memref<!tpu.dma_semaphore, #tpu.memory_space<semaphore_mem>>
      %dma_start3A = arith.constant 0 : i32
      %dma_start3A_16 = arith.constant 0 : i32
      %dma_start3A_17 = arith.constant 0 : i32
      %dma_start3A_18 = tpu.memref_slice %arg6[%dma_start3A, %add3A, %dma_start3A_16, %dma_start3A_17] : memref<3x32x64x80xf32, #tpu.memory_space<hbm>> -> memref<3x1x64x80xf32, #tpu.memory_space<hbm>>
      %dma_start3A_19 = tpu.memref_squeeze %dma_start3A_18 : memref<3x1x64x80xf32, #tpu.memory_space<hbm>> -> memref<3x64x80xf32, #tpu.memory_space<hbm>>
      %dma_start3A_20 = arith.constant 0 : i32
      %dma_start3A_21 = arith.constant 0 : i32
      %dma_start3A_22 = arith.constant 0 : i32
      %dma_start3A_23 = tpu.memref_slice %arg6[%dma_start3A_20, %add3A, %dma_start3A_21, %dma_start3A_22] : memref<3x32x64x80xf32, #tpu.memory_space<hbm>> -> memref<3x1x64x80xf32, #tpu.memory_space<hbm>>
      %dma_start3A_24 = tpu.memref_squeeze %dma_start3A_23 : memref<3x1x64x80xf32, #tpu.memory_space<hbm>> -> memref<3x64x80xf32, #tpu.memory_space<hbm>>
      tpu.enqueue_dma source(%dma_start3A_24 : memref<3x64x80xf32, #tpu.memory_space<hbm>>) target(%arg11 : memref<3x64x80xf32, #tpu.memory_space<vmem>>) target_semaphore(%run_scoped3A : memref<!tpu.dma_semaphore, #tpu.memory_space<semaphore_mem>>)
      %dma_wait3A = arith.constant 0 : i32
      %dma_wait3A_25 = arith.constant 0 : i32
      %dma_wait3A_26 = arith.constant 0 : i32
      %dma_wait3A_27 = tpu.memref_slice %arg6[%dma_wait3A, %add3A, %dma_wait3A_25, %dma_wait3A_26] : memref<3x32x64x80xf32, #tpu.memory_space<hbm>> -> memref<3x1x64x80xf32, #tpu.memory_space<hbm>>
      %dma_wait3A_28 = tpu.memref_squeeze %dma_wait3A_27 : memref<3x1x64x80xf32, #tpu.memory_space<hbm>> -> memref<3x64x80xf32, #tpu.memory_space<hbm>>
      %dma_wait3A_29 = arith.constant 0 : i32
      %dma_wait3A_30 = arith.constant 0 : i32
      %dma_wait3A_31 = arith.constant 0 : i32
      %dma_wait3A_32 = tpu.memref_slice %arg6[%dma_wait3A_29, %add3A, %dma_wait3A_30, %dma_wait3A_31] : memref<3x32x64x80xf32, #tpu.memory_space<hbm>> -> memref<3x1x64x80xf32, #tpu.memory_space<hbm>>
      %dma_wait3A_33 = tpu.memref_squeeze %dma_wait3A_32 : memref<3x1x64x80xf32, #tpu.memory_space<hbm>> -> memref<3x64x80xf32, #tpu.memory_space<hbm>>
      tpu.wait_dma2 semaphore(%run_scoped3A : memref<!tpu.dma_semaphore, #tpu.memory_space<semaphore_mem>>) src(%dma_wait3A_33 : memref<3x64x80xf32, #tpu.memory_space<hbm>>) dst(%arg11 : memref<3x64x80xf32, #tpu.memory_space<vmem>>)
      tpu.yield
    }) : () -> ()
    %scan3A = arith.constant 0 : i32
    %scan3A_7 = arith.constant 64 : i32
    %scan3A_8 = arith.addi %scan3A, %scan3A_7 : i32
    %scan3A_9 = arith.constant 1 : i32
    scf.for %scan3A_16 = %scan3A to %scan3A_8 step %scan3A_9  : i32 {
      %get3A = arith.index_cast %scan3A_16 : i32 to index
      %get3A_17 = arith.constant 0 : index
      %get3A_18 = tpu.vector_load %arg9[%get3A, %get3A_17] {strides = array<i32>} : memref<64x80xi32, #tpu.memory_space<vmem>>, vector<16xi32>,
      %mul3A_19 = arith.constant 8 : i32
      %mul3A_20 = vector.broadcast %mul3A_19 : i32 to vector<16xi32>
      %mul3A_21 = arith.muli %get3A_18, %mul3A_20 : vector<16xi32>
      %get3A_22 = arith.constant 0 : i32
      %get3A_23 = arith.index_cast %get3A_22 : i32 to index
      %get3A_24 = arith.index_cast %scan3A_16 : i32 to index
      %get3A_25 = arith.constant 0 : index
      %get3A_26 = tpu.vector_load %arg11[%get3A_23, %get3A_24, %get3A_25] {strides = array<i32>} : memref<3x64x80xf32, #tpu.memory_space<vmem>>, vector<16xf32>,
      %add3A_27 = arith.constant 0 : i32
      %add3A_28 = vector.broadcast %add3A_27 : i32 to vector<16xi32>
      %add3A_29 = arith.addi %mul3A_21, %add3A_28 : vector<16xi32>
      tpu.vector_store_idx %arg13[%add3A_29], %get3A_26 {add = true} : memref<80000xf32, #tpu.memory_space<vmem>>[vector<16xi32>], vector<16xf32>,
      %get3A_30 = arith.constant 1 : i32
      %get3A_31 = arith.index_cast %get3A_30 : i32 to index
      %get3A_32 = arith.index_cast %scan3A_16 : i32 to index
      %get3A_33 = arith.constant 0 : index
      %get3A_34 = tpu.vector_load %arg11[%get3A_31, %get3A_32, %get3A_33] {strides = array<i32>} : memref<3x64x80xf32, #tpu.memory_space<vmem>>, vector<16xf32>,
      %add3A_35 = arith.constant 1 : i32
      %add3A_36 = vector.broadcast %add3A_35 : i32 to vector<16xi32>
      %add3A_37 = arith.addi %mul3A_21, %add3A_36 : vector<16xi32>
      tpu.vector_store_idx %arg13[%add3A_37], %get3A_34 {add = true} : memref<80000xf32, #tpu.memory_space<vmem>>[vector<16xi32>], vector<16xf32>,
      %get3A_38 = arith.constant 2 : i32
      %get3A_39 = arith.index_cast %get3A_38 : i32 to index
      %get3A_40 = arith.index_cast %scan3A_16 : i32 to index
      %get3A_41 = arith.constant 0 : index
      %get3A_42 = tpu.vector_load %arg11[%get3A_39, %get3A_40, %get3A_41] {strides = array<i32>} : memref<3x64x80xf32, #tpu.memory_space<vmem>>, vector<16xf32>,
      %add3A_43 = arith.constant 2 : i32
      %add3A_44 = vector.broadcast %add3A_43 : i32 to vector<16xi32>
      %add3A_45 = arith.addi %mul3A_21, %add3A_44 : vector<16xi32>
      tpu.vector_store_idx %arg13[%add3A_45], %get3A_42 {add = true} : memref<80000xf32, #tpu.memory_space<vmem>>[vector<16xi32>], vector<16xf32>,
      %get3A_46 = arith.index_cast %scan3A_16 : i32 to index
      %get3A_47 = arith.constant 16 : index
      %get3A_48 = tpu.vector_load %arg9[%get3A_46, %get3A_47] {strides = array<i32>} : memref<64x80xi32, #tpu.memory_space<vmem>>, vector<16xi32>,
      %mul3A_49 = arith.constant 8 : i32
      %mul3A_50 = vector.broadcast %mul3A_49 : i32 to vector<16xi32>
      %mul3A_51 = arith.muli %get3A_48, %mul3A_50 : vector<16xi32>
      %get3A_52 = arith.constant 0 : i32
      %get3A_53 = arith.index_cast %get3A_52 : i32 to index
      %get3A_54 = arith.index_cast %scan3A_16 : i32 to index
      %get3A_55 = arith.constant 16 : index
      %get3A_56 = tpu.vector_load %arg11[%get3A_53, %get3A_54, %get3A_55] {strides = array<i32>} : memref<3x64x80xf32, #tpu.memory_space<vmem>>, vector<16xf32>,
      %add3A_57 = arith.constant 0 : i32
      %add3A_58 = vector.broadcast %add3A_57 : i32 to vector<16xi32>
      %add3A_59 = arith.addi %mul3A_51, %add3A_58 : vector<16xi32>
      tpu.vector_store_idx %arg13[%add3A_59], %get3A_56 {add = true} : memref<80000xf32, #tpu.memory_space<vmem>>[vector<16xi32>], vector<16xf32>,
      %get3A_60 = arith.constant 1 : i32
      %get3A_61 = arith.index_cast %get3A_60 : i32 to index
      %get3A_62 = arith.index_cast %scan3A_16 : i32 to index
      %get3A_63 = arith.constant 16 : index
      %get3A_64 = tpu.vector_load %arg11[%get3A_61, %get3A_62, %get3A_63] {strides = array<i32>} : memref<3x64x80xf32, #tpu.memory_space<vmem>>, vector<16xf32>,
      %add3A_65 = arith.constant 1 : i32
      %add3A_66 = vector.broadcast %add3A_65 : i32 to vector<16xi32>
      %add3A_67 = arith.addi %mul3A_51, %add3A_66 : vector<16xi32>
      tpu.vector_store_idx %arg13[%add3A_67], %get3A_64 {add = true} : memref<80000xf32, #tpu.memory_space<vmem>>[vector<16xi32>], vector<16xf32>,
      %get3A_68 = arith.constant 2 : i32
      %get3A_69 = arith.index_cast %get3A_68 : i32 to index
      %get3A_70 = arith.index_cast %scan3A_16 : i32 to index
      %get3A_71 = arith.constant 16 : index
      %get3A_72 = tpu.vector_load %arg11[%get3A_69, %get3A_70, %get3A_71] {strides = array<i32>} : memref<3x64x80xf32, #tpu.memory_space<vmem>>, vector<16xf32>,
      %add3A_73 = arith.constant 2 : i32
      %add3A_74 = vector.broadcast %add3A_73 : i32 to vector<16xi32>
      %add3A_75 = arith.addi %mul3A_51, %add3A_74 : vector<16xi32>
      tpu.vector_store_idx %arg13[%add3A_75], %get3A_72 {add = true} : memref<80000xf32, #tpu.memory_space<vmem>>[vector<16xi32>], vector<16xf32>,
      %get3A_76 = arith.index_cast %scan3A_16 : i32 to index
      %get3A_77 = arith.constant 32 : index
      %get3A_78 = tpu.vector_load %arg9[%get3A_76, %get3A_77] {strides = array<i32>} : memref<64x80xi32, #tpu.memory_space<vmem>>, vector<16xi32>,
      %mul3A_79 = arith.constant 8 : i32
      %mul3A_80 = vector.broadcast %mul3A_79 : i32 to vector<16xi32>
      %mul3A_81 = arith.muli %get3A_78, %mul3A_80 : vector<16xi32>
      %get3A_82 = arith.constant 0 : i32
      %get3A_83 = arith.index_cast %get3A_82 : i32 to index
      %get3A_84 = arith.index_cast %scan3A_16 : i32 to index
      %get3A_85 = arith.constant 32 : index
      %get3A_86 = tpu.vector_load %arg11[%get3A_83, %get3A_84, %get3A_85] {strides = array<i32>} : memref<3x64x80xf32, #tpu.memory_space<vmem>>, vector<16xf32>,
      %add3A_87 = arith.constant 0 : i32
      %add3A_88 = vector.broadcast %add3A_87 : i32 to vector<16xi32>
      %add3A_89 = arith.addi %mul3A_81, %add3A_88 : vector<16xi32>
      tpu.vector_store_idx %arg13[%add3A_89], %get3A_86 {add = true} : memref<80000xf32, #tpu.memory_space<vmem>>[vector<16xi32>], vector<16xf32>,
      %get3A_90 = arith.constant 1 : i32
      %get3A_91 = arith.index_cast %get3A_90 : i32 to index
      %get3A_92 = arith.index_cast %scan3A_16 : i32 to index
      %get3A_93 = arith.constant 32 : index
      %get3A_94 = tpu.vector_load %arg11[%get3A_91, %get3A_92, %get3A_93] {strides = array<i32>} : memref<3x64x80xf32, #tpu.memory_space<vmem>>, vector<16xf32>,
      %add3A_95 = arith.constant 1 : i32
      %add3A_96 = vector.broadcast %add3A_95 : i32 to vector<16xi32>
      %add3A_97 = arith.addi %mul3A_81, %add3A_96 : vector<16xi32>
      tpu.vector_store_idx %arg13[%add3A_97], %get3A_94 {add = true} : memref<80000xf32, #tpu.memory_space<vmem>>[vector<16xi32>], vector<16xf32>,
      %get3A_98 = arith.constant 2 : i32
      %get3A_99 = arith.index_cast %get3A_98 : i32 to index
      %get3A_100 = arith.index_cast %scan3A_16 : i32 to index
      %get3A_101 = arith.constant 32 : index
      %get3A_102 = tpu.vector_load %arg11[%get3A_99, %get3A_100, %get3A_101] {strides = array<i32>} : memref<3x64x80xf32, #tpu.memory_space<vmem>>, vector<16xf32>,
      %add3A_103 = arith.constant 2 : i32
      %add3A_104 = vector.broadcast %add3A_103 : i32 to vector<16xi32>
      %add3A_105 = arith.addi %mul3A_81, %add3A_104 : vector<16xi32>
      tpu.vector_store_idx %arg13[%add3A_105], %get3A_102 {add = true} : memref<80000xf32, #tpu.memory_space<vmem>>[vector<16xi32>], vector<16xf32>,
      %get3A_106 = arith.index_cast %scan3A_16 : i32 to index
      %get3A_107 = arith.constant 48 : index
      %get3A_108 = tpu.vector_load %arg9[%get3A_106, %get3A_107] {strides = array<i32>} : memref<64x80xi32, #tpu.memory_space<vmem>>, vector<16xi32>,
      %mul3A_109 = arith.constant 8 : i32
      %mul3A_110 = vector.broadcast %mul3A_109 : i32 to vector<16xi32>
      %mul3A_111 = arith.muli %get3A_108, %mul3A_110 : vector<16xi32>
      %get3A_112 = arith.constant 0 : i32
      %get3A_113 = arith.index_cast %get3A_112 : i32 to index
      %get3A_114 = arith.index_cast %scan3A_16 : i32 to index
      %get3A_115 = arith.constant 48 : index
      %get3A_116 = tpu.vector_load %arg11[%get3A_113, %get3A_114, %get3A_115] {strides = array<i32>} : memref<3x64x80xf32, #tpu.memory_space<vmem>>, vector<16xf32>,
      %add3A_117 = arith.constant 0 : i32
      %add3A_118 = vector.broadcast %add3A_117 : i32 to vector<16xi32>
      %add3A_119 = arith.addi %mul3A_111, %add3A_118 : vector<16xi32>
      tpu.vector_store_idx %arg13[%add3A_119], %get3A_116 {add = true} : memref<80000xf32, #tpu.memory_space<vmem>>[vector<16xi32>], vector<16xf32>,
      %get3A_120 = arith.constant 1 : i32
      %get3A_121 = arith.index_cast %get3A_120 : i32 to index
      %get3A_122 = arith.index_cast %scan3A_16 : i32 to index
      %get3A_123 = arith.constant 48 : index
      %get3A_124 = tpu.vector_load %arg11[%get3A_121, %get3A_122, %get3A_123] {strides = array<i32>} : memref<3x64x80xf32, #tpu.memory_space<vmem>>, vector<16xf32>,
      %add3A_125 = arith.constant 1 : i32
      %add3A_126 = vector.broadcast %add3A_125 : i32 to vector<16xi32>
      %add3A_127 = arith.addi %mul3A_111, %add3A_126 : vector<16xi32>
      tpu.vector_store_idx %arg13[%add3A_127], %get3A_124 {add = true} : memref<80000xf32, #tpu.memory_space<vmem>>[vector<16xi32>], vector<16xf32>,
      %get3A_128 = arith.constant 2 : i32
      %get3A_129 = arith.index_cast %get3A_128 : i32 to index
      %get3A_130 = arith.index_cast %scan3A_16 : i32 to index
      %get3A_131 = arith.constant 48 : index
      %get3A_132 = tpu.vector_load %arg11[%get3A_129, %get3A_130, %get3A_131] {strides = array<i32>} : memref<3x64x80xf32, #tpu.memory_space<vmem>>, vector<16xf32>,
      %add3A_133 = arith.constant 2 : i32
      %add3A_134 = vector.broadcast %add3A_133 : i32 to vector<16xi32>
      %add3A_135 = arith.addi %mul3A_111, %add3A_134 : vector<16xi32>
      tpu.vector_store_idx %arg13[%add3A_135], %get3A_132 {add = true} : memref<80000xf32, #tpu.memory_space<vmem>>[vector<16xi32>], vector<16xf32>,
      %get3A_136 = arith.index_cast %scan3A_16 : i32 to index
      %get3A_137 = arith.constant 64 : index
      %get3A_138 = tpu.vector_load %arg9[%get3A_136, %get3A_137] {strides = array<i32>} : memref<64x80xi32, #tpu.memory_space<vmem>>, vector<16xi32>,
      %mul3A_139 = arith.constant 8 : i32
      %mul3A_140 = vector.broadcast %mul3A_139 : i32 to vector<16xi32>
      %mul3A_141 = arith.muli %get3A_138, %mul3A_140 : vector<16xi32>
      %get3A_142 = arith.constant 0 : i32
      %get3A_143 = arith.index_cast %get3A_142 : i32 to index
      %get3A_144 = arith.index_cast %scan3A_16 : i32 to index
      %get3A_145 = arith.constant 64 : index
      %get3A_146 = tpu.vector_load %arg11[%get3A_143, %get3A_144, %get3A_145] {strides = array<i32>} : memref<3x64x80xf32, #tpu.memory_space<vmem>>, vector<16xf32>,
      %add3A_147 = arith.constant 0 : i32
      %add3A_148 = vector.broadcast %add3A_147 : i32 to vector<16xi32>
      %add3A_149 = arith.addi %mul3A_141, %add3A_148 : vector<16xi32>
      tpu.vector_store_idx %arg13[%add3A_149], %get3A_146 {add = true} : memref<80000xf32, #tpu.memory_space<vmem>>[vector<16xi32>], vector<16xf32>,
      %get3A_150 = arith.constant 1 : i32
      %get3A_151 = arith.index_cast %get3A_150 : i32 to index
      %get3A_152 = arith.index_cast %scan3A_16 : i32 to index
      %get3A_153 = arith.constant 64 : index
      %get3A_154 = tpu.vector_load %arg11[%get3A_151, %get3A_152, %get3A_153] {strides = array<i32>} : memref<3x64x80xf32, #tpu.memory_space<vmem>>, vector<16xf32>,
      %add3A_155 = arith.constant 1 : i32
      %add3A_156 = vector.broadcast %add3A_155 : i32 to vector<16xi32>
      %add3A_157 = arith.addi %mul3A_141, %add3A_156 : vector<16xi32>
      tpu.vector_store_idx %arg13[%add3A_157], %get3A_154 {add = true} : memref<80000xf32, #tpu.memory_space<vmem>>[vector<16xi32>], vector<16xf32>,
      %get3A_158 = arith.constant 2 : i32
      %get3A_159 = arith.index_cast %get3A_158 : i32 to index
      %get3A_160 = arith.index_cast %scan3A_16 : i32 to index
      %get3A_161 = arith.constant 64 : index
      %get3A_162 = tpu.vector_load %arg11[%get3A_159, %get3A_160, %get3A_161] {strides = array<i32>} : memref<3x64x80xf32, #tpu.memory_space<vmem>>, vector<16xf32>,
      %add3A_163 = arith.constant 2 : i32
      %add3A_164 = vector.broadcast %add3A_163 : i32 to vector<16xi32>
      %add3A_165 = arith.addi %mul3A_141, %add3A_164 : vector<16xi32>
      tpu.vector_store_idx %arg13[%add3A_165], %get3A_162 {add = true} : memref<80000xf32, #tpu.memory_space<vmem>>[vector<16xi32>], vector<16xf32>,
    }
    %scan3A_10 = arith.constant 64 : i32
    "tpu.region"() ({
      %run_scoped3A = tpu.sem_alloc : memref<!tpu.dma_semaphore, #tpu.memory_space<semaphore_mem>>
      %dma_start3A = arith.constant 0 : i32
      %dma_start3A_16 = arith.constant 0 : i32
      %dma_start3A_17 = tpu.memref_slice %arg5[%add3A, %dma_start3A, %dma_start3A_16] : memref<32x61x80xi32, #tpu.memory_space<hbm>> -> memref<1x61x80xi32, #tpu.memory_space<hbm>>
      %dma_start3A_18 = tpu.memref_squeeze %dma_start3A_17 : memref<1x61x80xi32, #tpu.memory_space<hbm>> -> memref<61x80xi32, #tpu.memory_space<hbm>>
      %dma_start3A_19 = arith.constant 0 : i32
      %dma_start3A_20 = arith.constant 0 : i32
      %dma_start3A_21 = tpu.memref_slice %arg5[%add3A, %dma_start3A_19, %dma_start3A_20] : memref<32x61x80xi32, #tpu.memory_space<hbm>> -> memref<1x61x80xi32, #tpu.memory_space<hbm>>
      %dma_start3A_22 = tpu.memref_squeeze %dma_start3A_21 : memref<1x61x80xi32, #tpu.memory_space<hbm>> -> memref<61x80xi32, #tpu.memory_space<hbm>>
      tpu.enqueue_dma source(%dma_start3A_22 : memref<61x80xi32, #tpu.memory_space<hbm>>) target(%arg10 : memref<61x80xi32, #tpu.memory_space<vmem>>) target_semaphore(%run_scoped3A : memref<!tpu.dma_semaphore, #tpu.memory_space<semaphore_mem>>)
      %dma_wait3A = arith.constant 0 : i32
      %dma_wait3A_23 = arith.constant 0 : i32
      %dma_wait3A_24 = tpu.memref_slice %arg5[%add3A, %dma_wait3A, %dma_wait3A_23] : memref<32x61x80xi32, #tpu.memory_space<hbm>> -> memref<1x61x80xi32, #tpu.memory_space<hbm>>
      %dma_wait3A_25 = tpu.memref_squeeze %dma_wait3A_24 : memref<1x61x80xi32, #tpu.memory_space<hbm>> -> memref<61x80xi32, #tpu.memory_space<hbm>>
      %dma_wait3A_26 = arith.constant 0 : i32
      %dma_wait3A_27 = arith.constant 0 : i32
      %dma_wait3A_28 = tpu.memref_slice %arg5[%add3A, %dma_wait3A_26, %dma_wait3A_27] : memref<32x61x80xi32, #tpu.memory_space<hbm>> -> memref<1x61x80xi32, #tpu.memory_space<hbm>>
      %dma_wait3A_29 = tpu.memref_squeeze %dma_wait3A_28 : memref<1x61x80xi32, #tpu.memory_space<hbm>> -> memref<61x80xi32, #tpu.memory_space<hbm>>
      tpu.wait_dma2 semaphore(%run_scoped3A : memref<!tpu.dma_semaphore, #tpu.memory_space<semaphore_mem>>) src(%dma_wait3A_29 : memref<61x80xi32, #tpu.memory_space<hbm>>) dst(%arg10 : memref<61x80xi32, #tpu.memory_space<vmem>>)
      tpu.yield
    }) : () -> ()
    "tpu.region"() ({
      %run_scoped3A = tpu.sem_alloc : memref<!tpu.dma_semaphore, #tpu.memory_space<semaphore_mem>>
      %dma_start3A = arith.constant 0 : i32
      %dma_start3A_16 = arith.constant 0 : i32
      %dma_start3A_17 = arith.constant 0 : i32
      %dma_start3A_18 = tpu.memref_slice %arg7[%dma_start3A, %add3A, %dma_start3A_16, %dma_start3A_17] : memref<3x32x61x80xf32, #tpu.memory_space<hbm>> -> memref<3x1x61x80xf32, #tpu.memory_space<hbm>>
      %dma_start3A_19 = tpu.memref_squeeze %dma_start3A_18 : memref<3x1x61x80xf32, #tpu.memory_space<hbm>> -> memref<3x61x80xf32, #tpu.memory_space<hbm>>
      %dma_start3A_20 = arith.constant 0 : i32
      %dma_start3A_21 = arith.constant 0 : i32
      %dma_start3A_22 = arith.constant 0 : i32
      %dma_start3A_23 = tpu.memref_slice %arg7[%dma_start3A_20, %add3A, %dma_start3A_21, %dma_start3A_22] : memref<3x32x61x80xf32, #tpu.memory_space<hbm>> -> memref<3x1x61x80xf32, #tpu.memory_space<hbm>>
      %dma_start3A_24 = tpu.memref_squeeze %dma_start3A_23 : memref<3x1x61x80xf32, #tpu.memory_space<hbm>> -> memref<3x61x80xf32, #tpu.memory_space<hbm>>
      tpu.enqueue_dma source(%dma_start3A_24 : memref<3x61x80xf32, #tpu.memory_space<hbm>>) target(%arg12 : memref<3x61x80xf32, #tpu.memory_space<vmem>>) target_semaphore(%run_scoped3A : memref<!tpu.dma_semaphore, #tpu.memory_space<semaphore_mem>>)
      %dma_wait3A = arith.constant 0 : i32
      %dma_wait3A_25 = arith.constant 0 : i32
      %dma_wait3A_26 = arith.constant 0 : i32
      %dma_wait3A_27 = tpu.memref_slice %arg7[%dma_wait3A, %add3A, %dma_wait3A_25, %dma_wait3A_26] : memref<3x32x61x80xf32, #tpu.memory_space<hbm>> -> memref<3x1x61x80xf32, #tpu.memory_space<hbm>>
      %dma_wait3A_28 = tpu.memref_squeeze %dma_wait3A_27 : memref<3x1x61x80xf32, #tpu.memory_space<hbm>> -> memref<3x61x80xf32, #tpu.memory_space<hbm>>
      %dma_wait3A_29 = arith.constant 0 : i32
      %dma_wait3A_30 = arith.constant 0 : i32
      %dma_wait3A_31 = arith.constant 0 : i32
      %dma_wait3A_32 = tpu.memref_slice %arg7[%dma_wait3A_29, %add3A, %dma_wait3A_30, %dma_wait3A_31] : memref<3x32x61x80xf32, #tpu.memory_space<hbm>> -> memref<3x1x61x80xf32, #tpu.memory_space<hbm>>
      %dma_wait3A_33 = tpu.memref_squeeze %dma_wait3A_32 : memref<3x1x61x80xf32, #tpu.memory_space<hbm>> -> memref<3x61x80xf32, #tpu.memory_space<hbm>>
      tpu.wait_dma2 semaphore(%run_scoped3A : memref<!tpu.dma_semaphore, #tpu.memory_space<semaphore_mem>>) src(%dma_wait3A_33 : memref<3x61x80xf32, #tpu.memory_space<hbm>>) dst(%arg12 : memref<3x61x80xf32, #tpu.memory_space<vmem>>)
      tpu.yield
    }) : () -> ()
    %scan3A_11 = arith.constant 0 : i32
    %scan3A_12 = arith.constant 61 : i32
    %scan3A_13 = arith.addi %scan3A_11, %scan3A_12 : i32
    %scan3A_14 = arith.constant 1 : i32
    scf.for %scan3A_16 = %scan3A_11 to %scan3A_13 step %scan3A_14  : i32 {
      %get3A = arith.index_cast %scan3A_16 : i32 to index
      %get3A_17 = arith.constant 0 : index
      %get3A_18 = tpu.vector_load %arg10[%get3A, %get3A_17] {strides = array<i32>} : memref<61x80xi32, #tpu.memory_space<vmem>>, vector<16xi32>,
      %mul3A_19 = arith.constant 8 : i32
      %mul3A_20 = vector.broadcast %mul3A_19 : i32 to vector<16xi32>
      %mul3A_21 = arith.muli %get3A_18, %mul3A_20 : vector<16xi32>
      %get3A_22 = arith.constant 0 : i32
      %get3A_23 = arith.index_cast %get3A_22 : i32 to index
      %get3A_24 = arith.index_cast %scan3A_16 : i32 to index
      %get3A_25 = arith.constant 0 : index
      %get3A_26 = tpu.vector_load %arg12[%get3A_23, %get3A_24, %get3A_25] {strides = array<i32>} : memref<3x61x80xf32, #tpu.memory_space<vmem>>, vector<16xf32>,
      %add3A_27 = arith.constant 0 : i32
      %add3A_28 = vector.broadcast %add3A_27 : i32 to vector<16xi32>
      %add3A_29 = arith.addi %mul3A_21, %add3A_28 : vector<16xi32>
      tpu.vector_store_idx %arg13[%add3A_29], %get3A_26 {add = true} : memref<80000xf32, #tpu.memory_space<vmem>>[vector<16xi32>], vector<16xf32>,
      %get3A_30 = arith.constant 1 : i32
      %get3A_31 = arith.index_cast %get3A_30 : i32 to index
      %get3A_32 = arith.index_cast %scan3A_16 : i32 to index
      %get3A_33 = arith.constant 0 : index
      %get3A_34 = tpu.vector_load %arg12[%get3A_31, %get3A_32, %get3A_33] {strides = array<i32>} : memref<3x61x80xf32, #tpu.memory_space<vmem>>, vector<16xf32>,
      %add3A_35 = arith.constant 1 : i32
      %add3A_36 = vector.broadcast %add3A_35 : i32 to vector<16xi32>
      %add3A_37 = arith.addi %mul3A_21, %add3A_36 : vector<16xi32>
      tpu.vector_store_idx %arg13[%add3A_37], %get3A_34 {add = true} : memref<80000xf32, #tpu.memory_space<vmem>>[vector<16xi32>], vector<16xf32>,
      %get3A_38 = arith.constant 2 : i32
      %get3A_39 = arith.index_cast %get3A_38 : i32 to index
      %get3A_40 = arith.index_cast %scan3A_16 : i32 to index
      %get3A_41 = arith.constant 0 : index
      %get3A_42 = tpu.vector_load %arg12[%get3A_39, %get3A_40, %get3A_41] {strides = array<i32>} : memref<3x61x80xf32, #tpu.memory_space<vmem>>, vector<16xf32>,
      %add3A_43 = arith.constant 2 : i32
      %add3A_44 = vector.broadcast %add3A_43 : i32 to vector<16xi32>
      %add3A_45 = arith.addi %mul3A_21, %add3A_44 : vector<16xi32>
      tpu.vector_store_idx %arg13[%add3A_45], %get3A_42 {add = true} : memref<80000xf32, #tpu.memory_space<vmem>>[vector<16xi32>], vector<16xf32>,
      %get3A_46 = arith.index_cast %scan3A_16 : i32 to index
      %get3A_47 = arith.constant 16 : index
      %get3A_48 = tpu.vector_load %arg10[%get3A_46, %get3A_47] {strides = array<i32>} : memref<61x80xi32, #tpu.memory_space<vmem>>, vector<16xi32>,
      %mul3A_49 = arith.constant 8 : i32
      %mul3A_50 = vector.broadcast %mul3A_49 : i32 to vector<16xi32>
      %mul3A_51 = arith.muli %get3A_48, %mul3A_50 : vector<16xi32>
      %get3A_52 = arith.constant 0 : i32
      %get3A_53 = arith.index_cast %get3A_52 : i32 to index
      %get3A_54 = arith.index_cast %scan3A_16 : i32 to index
      %get3A_55 = arith.constant 16 : index
      %get3A_56 = tpu.vector_load %arg12[%get3A_53, %get3A_54, %get3A_55] {strides = array<i32>} : memref<3x61x80xf32, #tpu.memory_space<vmem>>, vector<16xf32>,
      %add3A_57 = arith.constant 0 : i32
      %add3A_58 = vector.broadcast %add3A_57 : i32 to vector<16xi32>
      %add3A_59 = arith.addi %mul3A_51, %add3A_58 : vector<16xi32>
      tpu.vector_store_idx %arg13[%add3A_59], %get3A_56 {add = true} : memref<80000xf32, #tpu.memory_space<vmem>>[vector<16xi32>], vector<16xf32>,
      %get3A_60 = arith.constant 1 : i32
      %get3A_61 = arith.index_cast %get3A_60 : i32 to index
      %get3A_62 = arith.index_cast %scan3A_16 : i32 to index
      %get3A_63 = arith.constant 16 : index
      %get3A_64 = tpu.vector_load %arg12[%get3A_61, %get3A_62, %get3A_63] {strides = array<i32>} : memref<3x61x80xf32, #tpu.memory_space<vmem>>, vector<16xf32>,
      %add3A_65 = arith.constant 1 : i32
      %add3A_66 = vector.broadcast %add3A_65 : i32 to vector<16xi32>
      %add3A_67 = arith.addi %mul3A_51, %add3A_66 : vector<16xi32>
      tpu.vector_store_idx %arg13[%add3A_67], %get3A_64 {add = true} : memref<80000xf32, #tpu.memory_space<vmem>>[vector<16xi32>], vector<16xf32>,
      %get3A_68 = arith.constant 2 : i32
      %get3A_69 = arith.index_cast %get3A_68 : i32 to index
      %get3A_70 = arith.index_cast %scan3A_16 : i32 to index
      %get3A_71 = arith.constant 16 : index
      %get3A_72 = tpu.vector_load %arg12[%get3A_69, %get3A_70, %get3A_71] {strides = array<i32>} : memref<3x61x80xf32, #tpu.memory_space<vmem>>, vector<16xf32>,
      %add3A_73 = arith.constant 2 : i32
      %add3A_74 = vector.broadcast %add3A_73 : i32 to vector<16xi32>
      %add3A_75 = arith.addi %mul3A_51, %add3A_74 : vector<16xi32>
      tpu.vector_store_idx %arg13[%add3A_75], %get3A_72 {add = true} : memref<80000xf32, #tpu.memory_space<vmem>>[vector<16xi32>], vector<16xf32>,
      %get3A_76 = arith.index_cast %scan3A_16 : i32 to index
      %get3A_77 = arith.constant 32 : index
      %get3A_78 = tpu.vector_load %arg10[%get3A_76, %get3A_77] {strides = array<i32>} : memref<61x80xi32, #tpu.memory_space<vmem>>, vector<16xi32>,
      %mul3A_79 = arith.constant 8 : i32
      %mul3A_80 = vector.broadcast %mul3A_79 : i32 to vector<16xi32>
      %mul3A_81 = arith.muli %get3A_78, %mul3A_80 : vector<16xi32>
      %get3A_82 = arith.constant 0 : i32
      %get3A_83 = arith.index_cast %get3A_82 : i32 to index
      %get3A_84 = arith.index_cast %scan3A_16 : i32 to index
      %get3A_85 = arith.constant 32 : index
      %get3A_86 = tpu.vector_load %arg12[%get3A_83, %get3A_84, %get3A_85] {strides = array<i32>} : memref<3x61x80xf32, #tpu.memory_space<vmem>>, vector<16xf32>,
      %add3A_87 = arith.constant 0 : i32
      %add3A_88 = vector.broadcast %add3A_87 : i32 to vector<16xi32>
      %add3A_89 = arith.addi %mul3A_81, %add3A_88 : vector<16xi32>
      tpu.vector_store_idx %arg13[%add3A_89], %get3A_86 {add = true} : memref<80000xf32, #tpu.memory_space<vmem>>[vector<16xi32>], vector<16xf32>,
      %get3A_90 = arith.constant 1 : i32
      %get3A_91 = arith.index_cast %get3A_90 : i32 to index
      %get3A_92 = arith.index_cast %scan3A_16 : i32 to index
      %get3A_93 = arith.constant 32 : index
      %get3A_94 = tpu.vector_load %arg12[%get3A_91, %get3A_92, %get3A_93] {strides = array<i32>} : memref<3x61x80xf32, #tpu.memory_space<vmem>>, vector<16xf32>,
      %add3A_95 = arith.constant 1 : i32
      %add3A_96 = vector.broadcast %add3A_95 : i32 to vector<16xi32>
      %add3A_97 = arith.addi %mul3A_81, %add3A_96 : vector<16xi32>
      tpu.vector_store_idx %arg13[%add3A_97], %get3A_94 {add = true} : memref<80000xf32, #tpu.memory_space<vmem>>[vector<16xi32>], vector<16xf32>,
      %get3A_98 = arith.constant 2 : i32
      %get3A_99 = arith.index_cast %get3A_98 : i32 to index
      %get3A_100 = arith.index_cast %scan3A_16 : i32 to index
      %get3A_101 = arith.constant 32 : index
      %get3A_102 = tpu.vector_load %arg12[%get3A_99, %get3A_100, %get3A_101] {strides = array<i32>} : memref<3x61x80xf32, #tpu.memory_space<vmem>>, vector<16xf32>,
      %add3A_103 = arith.constant 2 : i32
      %add3A_104 = vector.broadcast %add3A_103 : i32 to vector<16xi32>
      %add3A_105 = arith.addi %mul3A_81, %add3A_104 : vector<16xi32>
      tpu.vector_store_idx %arg13[%add3A_105], %get3A_102 {add = true} : memref<80000xf32, #tpu.memory_space<vmem>>[vector<16xi32>], vector<16xf32>,
      %get3A_106 = arith.index_cast %scan3A_16 : i32 to index
      %get3A_107 = arith.constant 48 : index
      %get3A_108 = tpu.vector_load %arg10[%get3A_106, %get3A_107] {strides = array<i32>} : memref<61x80xi32, #tpu.memory_space<vmem>>, vector<16xi32>,
      %mul3A_109 = arith.constant 8 : i32
      %mul3A_110 = vector.broadcast %mul3A_109 : i32 to vector<16xi32>
      %mul3A_111 = arith.muli %get3A_108, %mul3A_110 : vector<16xi32>
      %get3A_112 = arith.constant 0 : i32
      %get3A_113 = arith.index_cast %get3A_112 : i32 to index
      %get3A_114 = arith.index_cast %scan3A_16 : i32 to index
      %get3A_115 = arith.constant 48 : index
      %get3A_116 = tpu.vector_load %arg12[%get3A_113, %get3A_114, %get3A_115] {strides = array<i32>} : memref<3x61x80xf32, #tpu.memory_space<vmem>>, vector<16xf32>,
      %add3A_117 = arith.constant 0 : i32
      %add3A_118 = vector.broadcast %add3A_117 : i32 to vector<16xi32>
      %add3A_119 = arith.addi %mul3A_111, %add3A_118 : vector<16xi32>
      tpu.vector_store_idx %arg13[%add3A_119], %get3A_116 {add = true} : memref<80000xf32, #tpu.memory_space<vmem>>[vector<16xi32>], vector<16xf32>,
      %get3A_120 = arith.constant 1 : i32
      %get3A_121 = arith.index_cast %get3A_120 : i32 to index
      %get3A_122 = arith.index_cast %scan3A_16 : i32 to index
      %get3A_123 = arith.constant 48 : index
      %get3A_124 = tpu.vector_load %arg12[%get3A_121, %get3A_122, %get3A_123] {strides = array<i32>} : memref<3x61x80xf32, #tpu.memory_space<vmem>>, vector<16xf32>,
      %add3A_125 = arith.constant 1 : i32
      %add3A_126 = vector.broadcast %add3A_125 : i32 to vector<16xi32>
      %add3A_127 = arith.addi %mul3A_111, %add3A_126 : vector<16xi32>
      tpu.vector_store_idx %arg13[%add3A_127], %get3A_124 {add = true} : memref<80000xf32, #tpu.memory_space<vmem>>[vector<16xi32>], vector<16xf32>,
      %get3A_128 = arith.constant 2 : i32
      %get3A_129 = arith.index_cast %get3A_128 : i32 to index
      %get3A_130 = arith.index_cast %scan3A_16 : i32 to index
      %get3A_131 = arith.constant 48 : index
      %get3A_132 = tpu.vector_load %arg12[%get3A_129, %get3A_130, %get3A_131] {strides = array<i32>} : memref<3x61x80xf32, #tpu.memory_space<vmem>>, vector<16xf32>,
      %add3A_133 = arith.constant 2 : i32
      %add3A_134 = vector.broadcast %add3A_133 : i32 to vector<16xi32>
      %add3A_135 = arith.addi %mul3A_111, %add3A_134 : vector<16xi32>
      tpu.vector_store_idx %arg13[%add3A_135], %get3A_132 {add = true} : memref<80000xf32, #tpu.memory_space<vmem>>[vector<16xi32>], vector<16xf32>,
      %get3A_136 = arith.index_cast %scan3A_16 : i32 to index
      %get3A_137 = arith.constant 64 : index
      %get3A_138 = tpu.vector_load %arg10[%get3A_136, %get3A_137] {strides = array<i32>} : memref<61x80xi32, #tpu.memory_space<vmem>>, vector<16xi32>,
      %mul3A_139 = arith.constant 8 : i32
      %mul3A_140 = vector.broadcast %mul3A_139 : i32 to vector<16xi32>
      %mul3A_141 = arith.muli %get3A_138, %mul3A_140 : vector<16xi32>
      %get3A_142 = arith.constant 0 : i32
      %get3A_143 = arith.index_cast %get3A_142 : i32 to index
      %get3A_144 = arith.index_cast %scan3A_16 : i32 to index
      %get3A_145 = arith.constant 64 : index
      %get3A_146 = tpu.vector_load %arg12[%get3A_143, %get3A_144, %get3A_145] {strides = array<i32>} : memref<3x61x80xf32, #tpu.memory_space<vmem>>, vector<16xf32>,
      %add3A_147 = arith.constant 0 : i32
      %add3A_148 = vector.broadcast %add3A_147 : i32 to vector<16xi32>
      %add3A_149 = arith.addi %mul3A_141, %add3A_148 : vector<16xi32>
      tpu.vector_store_idx %arg13[%add3A_149], %get3A_146 {add = true} : memref<80000xf32, #tpu.memory_space<vmem>>[vector<16xi32>], vector<16xf32>,
      %get3A_150 = arith.constant 1 : i32
      %get3A_151 = arith.index_cast %get3A_150 : i32 to index
      %get3A_152 = arith.index_cast %scan3A_16 : i32 to index
      %get3A_153 = arith.constant 64 : index
      %get3A_154 = tpu.vector_load %arg12[%get3A_151, %get3A_152, %get3A_153] {strides = array<i32>} : memref<3x61x80xf32, #tpu.memory_space<vmem>>, vector<16xf32>,
      %add3A_155 = arith.constant 1 : i32
      %add3A_156 = vector.broadcast %add3A_155 : i32 to vector<16xi32>
      %add3A_157 = arith.addi %mul3A_141, %add3A_156 : vector<16xi32>
      tpu.vector_store_idx %arg13[%add3A_157], %get3A_154 {add = true} : memref<80000xf32, #tpu.memory_space<vmem>>[vector<16xi32>], vector<16xf32>,
      %get3A_158 = arith.constant 2 : i32
      %get3A_159 = arith.index_cast %get3A_158 : i32 to index
      %get3A_160 = arith.index_cast %scan3A_16 : i32 to index
      %get3A_161 = arith.constant 64 : index
      %get3A_162 = tpu.vector_load %arg12[%get3A_159, %get3A_160, %get3A_161] {strides = array<i32>} : memref<3x61x80xf32, #tpu.memory_space<vmem>>, vector<16xf32>,
      %add3A_163 = arith.constant 2 : i32
      %add3A_164 = vector.broadcast %add3A_163 : i32 to vector<16xi32>
      %add3A_165 = arith.addi %mul3A_141, %add3A_164 : vector<16xi32>
      tpu.vector_store_idx %arg13[%add3A_165], %get3A_162 {add = true} : memref<80000xf32, #tpu.memory_space<vmem>>[vector<16xi32>], vector<16xf32>,
    }
    %scan3A_15 = arith.constant 61 : i32
    "tpu.region"() ({
      %run_scoped3A = tpu.sem_alloc : memref<!tpu.dma_semaphore, #tpu.memory_space<semaphore_mem>>
      %dma_start3A = arith.constant 0 : i32
      %dma_start3A_16 = tpu.memref_slice %arg8[%add3A, %dma_start3A] : memref<32x80000xf32, #tpu.memory_space<hbm>> -> memref<1x80000xf32, #tpu.memory_space<hbm>>
      %dma_start3A_17 = tpu.memref_squeeze %dma_start3A_16 : memref<1x80000xf32, #tpu.memory_space<hbm>> -> memref<80000xf32, #tpu.memory_space<hbm>>
      %dma_start3A_18 = arith.constant 0 : i32
      %dma_start3A_19 = tpu.memref_slice %arg8[%add3A, %dma_start3A_18] : memref<32x80000xf32, #tpu.memory_space<hbm>> -> memref<1x80000xf32, #tpu.memory_space<hbm>>
      %dma_start3A_20 = tpu.memref_squeeze %dma_start3A_19 : memref<1x80000xf32, #tpu.memory_space<hbm>> -> memref<80000xf32, #tpu.memory_space<hbm>>
      tpu.enqueue_dma source(%arg13 : memref<80000xf32, #tpu.memory_space<vmem>>) target(%dma_start3A_20 : memref<80000xf32, #tpu.memory_space<hbm>>) target_semaphore(%run_scoped3A : memref<!tpu.dma_semaphore, #tpu.memory_space<semaphore_mem>>)
      %dma_wait3A = arith.constant 0 : i32
      %dma_wait3A_21 = tpu.memref_slice %arg8[%add3A, %dma_wait3A] : memref<32x80000xf32, #tpu.memory_space<hbm>> -> memref<1x80000xf32, #tpu.memory_space<hbm>>
      %dma_wait3A_22 = tpu.memref_squeeze %dma_wait3A_21 : memref<1x80000xf32, #tpu.memory_space<hbm>> -> memref<80000xf32, #tpu.memory_space<hbm>>
      %dma_wait3A_23 = arith.constant 0 : i32
      %dma_wait3A_24 = tpu.memref_slice %arg8[%add3A, %dma_wait3A_23] : memref<32x80000xf32, #tpu.memory_space<hbm>> -> memref<1x80000xf32, #tpu.memory_space<hbm>>
      %dma_wait3A_25 = tpu.memref_squeeze %dma_wait3A_24 : memref<1x80000xf32, #tpu.memory_space<hbm>> -> memref<80000xf32, #tpu.memory_space<hbm>>
      tpu.wait_dma2 semaphore(%run_scoped3A : memref<!tpu.dma_semaphore, #tpu.memory_space<semaphore_mem>>) src(%arg13 : memref<80000xf32, #tpu.memory_space<vmem>>) dst(%dma_wait3A_25 : memref<80000xf32, #tpu.memory_space<hbm>>)
      tpu.yield
    }) : () -> ()
    return
  }
}

module attributes {stable_mosaic.version = 14 : i64} {
  func.func @_precompute_body(%arg0: i32, %arg1: memref<2000x128xf32, #tpu.memory_space<vmem>>, %arg2: memref<128x257xf32, #tpu.memory_space<vmem>>, %arg3: memref<2000x128xf32, #tpu.memory_space<vmem>>, %arg4: memref<2000x128xf32, #tpu.memory_space<vmem>>) attributes {dimension_semantics = [#tpu.dimension_semantics<arbitrary>], iteration_bounds = array<i64: 5>, scalar_prefetch = 0 : i64, scratch_operands = 0 : i64, tpu.core_type = #tpu.core_type<tc>, window_params = [{transform_indices = @transform_0, window_bounds = array<i64: 2000, 128>}, {pipeline_mode = #tpu.pipeline_mode<synchronous>, transform_indices = @transform_1, window_bounds = array<i64: 128, 257>}, {transform_indices = @transform_2, window_bounds = array<i64: 2000, 128>}, {transform_indices = @transform_3, window_bounds = array<i64: 2000, 128>}]} {
    %get3A = arith.constant 0 : index
    %get3A_0 = arith.constant 0 : index
    %get3A_1 = vector.load %arg1[%get3A, %get3A_0] : memref<2000x128xf32, #tpu.memory_space<vmem>>, vector<2000x128xf32>
    %get3A_2 = arith.constant 0 : index
    %get3A_3 = arith.constant 0 : index
    %get3A_4 = vector.load %arg2[%get3A_2, %get3A_3] : memref<128x257xf32, #tpu.memory_space<vmem>>, vector<128x257xf32>
    %slice3A = vector.extract_strided_slice %get3A_4 {offsets = [0, 0], sizes = [128, 128], strides = [1, 1]} : vector<128x257xf32> to vector<128x128xf32>
    %dot_general3A = arith.constant dense<0.000000e+00> : vector<2000x128xf32>
    %dot_general3A_5 = tpu.matmul %get3A_1, %slice3A, %dot_general3A {dimension_numbers = #tpu.dot_dimension_numbers<[1], [1], [0], [0], [0, 0, 1, 0], [], []>, transpose_lhs_hint = false} : vector<2000x128xf32>, vector<128x128xf32>, vector<2000x128xf32> -> vector<2000x128xf32>
    %swap3A = arith.constant 0 : index
    %swap3A_6 = arith.constant 0 : index
    %swap3A_7 = vector.load %arg3[%swap3A, %swap3A_6] : memref<2000x128xf32, #tpu.memory_space<vmem>>, vector<2000x128xf32>
    tpu.vector_store %arg3[%swap3A, %swap3A_6], %dot_general3A_5 {strides = array<i32>} : memref<2000x128xf32, #tpu.memory_space<vmem>>, vector<2000x128xf32>,
    %slice3A_8 = vector.extract_strided_slice %get3A_4 {offsets = [0, 128], sizes = [128, 128], strides = [1, 1]} : vector<128x257xf32> to vector<128x128xf32>
    %dot_general3A_9 = arith.constant dense<0.000000e+00> : vector<2000x128xf32>
    %dot_general3A_10 = tpu.matmul %get3A_1, %slice3A_8, %dot_general3A_9 {dimension_numbers = #tpu.dot_dimension_numbers<[1], [1], [0], [0], [0, 0, 1, 0], [], []>, transpose_lhs_hint = false} : vector<2000x128xf32>, vector<128x128xf32>, vector<2000x128xf32> -> vector<2000x128xf32>
    %swap3A_11 = arith.constant 0 : index
    %swap3A_12 = arith.constant 0 : index
    %swap3A_13 = vector.load %arg4[%swap3A_11, %swap3A_12] : memref<2000x128xf32, #tpu.memory_space<vmem>>, vector<2000x128xf32>
    tpu.vector_store %arg4[%swap3A_11, %swap3A_12], %dot_general3A_10 {strides = array<i32>} : memref<2000x128xf32, #tpu.memory_space<vmem>>, vector<2000x128xf32>,
    return
  }
  func.func @transform_0(%arg0: i32) -> (i32, i32) {
    %c0_i32 = arith.constant 0 : i32
    %c0_i32_0 = arith.constant 0 : i32
    return %arg0, %c0_i32 : i32, i32
  }
  func.func @transform_1(%arg0: i32) -> (i32, i32) {
    %c0_i32 = arith.constant 0 : i32
    %c0_i32_0 = arith.constant 0 : i32
    %c0_i32_1 = arith.constant 0 : i32
    return %c0_i32, %c0_i32_0 : i32, i32
  }
  func.func @transform_2(%arg0: i32) -> (i32, i32) {
    %c0_i32 = arith.constant 0 : i32
    %c0_i32_0 = arith.constant 0 : i32
    return %arg0, %c0_i32 : i32, i32
  }
  func.func @transform_3(%arg0: i32) -> (i32, i32) {
    %c0_i32 = arith.constant 0 : i32
    %c0_i32_0 = arith.constant 0 : i32
    return %arg0, %c0_i32 : i32, i32
  }
}

module attributes {stable_mosaic.version = 14 : i64} {
  func.func @_mlp_body(%arg0: i32, %arg1: memref<2560x128xf32, #tpu.memory_space<vmem>>, %arg2: memref<2560x128xf32, #tpu.memory_space<vmem>>, %arg3: memref<2560x1xf32, #tpu.memory_space<vmem>>, %arg4: memref<3x2560xf32, #tpu.memory_space<vmem>>, %arg5: memref<1x128xf32, #tpu.memory_space<vmem>>, %arg6: memref<1x128xf32, #tpu.memory_space<vmem>>, %arg7: memref<1x128xf32, #tpu.memory_space<vmem>>, %arg8: memref<1x128xf32, #tpu.memory_space<vmem>>, %arg9: memref<128x128xf32, #tpu.memory_space<vmem>>, %arg10: memref<1x128xf32, #tpu.memory_space<vmem>>, %arg11: memref<1x128xf32, #tpu.memory_space<vmem>>, %arg12: memref<1x128xf32, #tpu.memory_space<vmem>>, %arg13: memref<1x128xf32, #tpu.memory_space<vmem>>, %arg14: memref<3x2560xf32, #tpu.memory_space<vmem>>) attributes {dimension_semantics = [#tpu.dimension_semantics<arbitrary>], iteration_bounds = array<i64: 64>, scalar_prefetch = 0 : i64, scratch_operands = 0 : i64, tpu.core_type = #tpu.core_type<tc>, window_params = [{transform_indices = @transform_0, window_bounds = array<i64: 2560, 128>}, {transform_indices = @transform_1, window_bounds = array<i64: 2560, 128>}, {transform_indices = @transform_2, window_bounds = array<i64: 2560, 1>}, {transform_indices = @transform_3, window_bounds = array<i64: 3, 2560>}, {pipeline_mode = #tpu.pipeline_mode<synchronous>, transform_indices = @transform_4, window_bounds = array<i64: 1, 128>}, {pipeline_mode = #tpu.pipeline_mode<synchronous>, transform_indices = @transform_5, window_bounds = array<i64: 1, 128>}, {pipeline_mode = #tpu.pipeline_mode<synchronous>, transform_indices = @transform_6, window_bounds = array<i64: 1, 128>}, {pipeline_mode = #tpu.pipeline_mode<synchronous>, transform_indices = @transform_7, window_bounds = array<i64: 1, 128>}, {pipeline_mode = #tpu.pipeline_mode<synchronous>, transform_indices = @transform_8, window_bounds = array<i64: 128, 128>}, {pipeline_mode = #tpu.pipeline_mode<synchronous>, transform_indices = @transform_9, window_bounds = array<i64: 1, 128>}, {pipeline_mode = #tpu.pipeline_mode<synchronous>, transform_indices = @transform_10, window_bounds = array<i64: 1, 128>}, {pipeline_mode = #tpu.pipeline_mode<synchronous>, transform_indices = @transform_11, window_bounds = array<i64: 1, 128>}, {pipeline_mode = #tpu.pipeline_mode<synchronous>, transform_indices = @transform_12, window_bounds = array<i64: 1, 128>}, {transform_indices = @transform_13, window_bounds = array<i64: 3, 2560>}]} {
    %get3A = arith.constant 0 : index
    %get3A_0 = arith.constant 0 : index
    %get3A_1 = vector.load %arg1[%get3A, %get3A_0] : memref<2560x128xf32, #tpu.memory_space<vmem>>, vector<2560x128xf32>
    %get3A_2 = arith.constant 0 : index
    %get3A_3 = arith.constant 0 : index
    %get3A_4 = vector.load %arg2[%get3A_2, %get3A_3] : memref<2560x128xf32, #tpu.memory_space<vmem>>, vector<2560x128xf32>
    %add3A = arith.addf %get3A_1, %get3A_4 : vector<2560x128xf32>
    %get3A_5 = arith.constant 0 : index
    %get3A_6 = arith.constant 0 : index
    %get3A_7 = vector.load %arg3[%get3A_5, %get3A_6] : memref<2560x1xf32, #tpu.memory_space<vmem>>, vector<2560x1xf32>
    %get3A_8 = arith.constant 0 : index
    %get3A_9 = arith.constant 0 : index
    %get3A_10 = vector.load %arg5[%get3A_8, %get3A_9] : memref<1x128xf32, #tpu.memory_space<vmem>>, vector<1x128xf32>
    %mul3A = vector.broadcast %get3A_7 : vector<2560x1xf32> to vector<2560x128xf32>
    %mul3A_11 = vector.broadcast %get3A_10 : vector<1x128xf32> to vector<2560x128xf32>
    %mul3A_12 = arith.mulf %mul3A, %mul3A_11 : vector<2560x128xf32>
    %add3A_13 = arith.addf %add3A, %mul3A_12 : vector<2560x128xf32>
    %get3A_14 = arith.constant 0 : index
    %get3A_15 = arith.constant 0 : index
    %get3A_16 = vector.load %arg6[%get3A_14, %get3A_15] : memref<1x128xf32, #tpu.memory_space<vmem>>, vector<1x128xf32>
    %add3A_17 = vector.broadcast %get3A_16 : vector<1x128xf32> to vector<2560x128xf32>
    %add3A_18 = arith.addf %add3A_13, %add3A_17 : vector<2560x128xf32>
    %reduce_sum3A = arith.constant dense<0.000000e+00> : vector<2560xf32>
    %reduce_sum3A_19 = vector.multi_reduction <add>, %add3A_18, %reduce_sum3A [1] : vector<2560x128xf32> to vector<2560xf32>
    %broadcast_in_dim3A = vector.shape_cast %reduce_sum3A_19 : vector<2560xf32> to vector<2560x1xf32>
    %div3A = arith.constant 1.280000e+02 : f32
    %div3A_20 = vector.broadcast %div3A : f32 to vector<2560x1xf32>
    %div3A_21 = arith.divf %broadcast_in_dim3A, %div3A_20 : vector<2560x1xf32>
    %sub3A = vector.broadcast %div3A_21 : vector<2560x1xf32> to vector<2560x128xf32>
    %sub3A_22 = arith.subf %add3A_18, %sub3A : vector<2560x128xf32>
    %mul3A_23 = arith.mulf %sub3A_22, %sub3A_22 : vector<2560x128xf32>
    %reduce_sum3A_24 = arith.constant dense<0.000000e+00> : vector<2560xf32>
    %reduce_sum3A_25 = vector.multi_reduction <add>, %mul3A_23, %reduce_sum3A_24 [1] : vector<2560x128xf32> to vector<2560xf32>
    %broadcast_in_dim3A_26 = vector.shape_cast %reduce_sum3A_25 : vector<2560xf32> to vector<2560x1xf32>
    %div3A_27 = arith.constant 1.280000e+02 : f32
    %div3A_28 = vector.broadcast %div3A_27 : f32 to vector<2560x1xf32>
    %div3A_29 = arith.divf %broadcast_in_dim3A_26, %div3A_28 : vector<2560x1xf32>
    %add3A_30 = arith.constant 9.99999974E-6 : f32
    %add3A_31 = vector.broadcast %add3A_30 : f32 to vector<2560x1xf32>
    %add3A_32 = arith.addf %div3A_29, %add3A_31 : vector<2560x1xf32>
    %rsqrt3A = math.rsqrt %add3A_32 : vector<2560x1xf32>
    %mul3A_33 = vector.broadcast %rsqrt3A : vector<2560x1xf32> to vector<2560x128xf32>
    %mul3A_34 = arith.mulf %sub3A_22, %mul3A_33 : vector<2560x128xf32>
    %get3A_35 = arith.constant 0 : index
    %get3A_36 = arith.constant 0 : index
    %get3A_37 = vector.load %arg7[%get3A_35, %get3A_36] : memref<1x128xf32, #tpu.memory_space<vmem>>, vector<1x128xf32>
    %mul3A_38 = vector.broadcast %get3A_37 : vector<1x128xf32> to vector<2560x128xf32>
    %mul3A_39 = arith.mulf %mul3A_34, %mul3A_38 : vector<2560x128xf32>
    %get3A_40 = arith.constant 0 : index
    %get3A_41 = arith.constant 0 : index
    %get3A_42 = vector.load %arg8[%get3A_40, %get3A_41] : memref<1x128xf32, #tpu.memory_space<vmem>>, vector<1x128xf32>
    %add3A_43 = vector.broadcast %get3A_42 : vector<1x128xf32> to vector<2560x128xf32>
    %add3A_44 = arith.addf %mul3A_39, %add3A_43 : vector<2560x128xf32>
    %logistic3A = arith.negf %add3A_44 : vector<2560x128xf32>
    %logistic3A_45 = math.exp %logistic3A : vector<2560x128xf32>
    %logistic3A_46 = arith.constant 1.000000e+00 : f32
    %logistic3A_47 = vector.broadcast %logistic3A_46 : f32 to vector<2560x128xf32>
    %logistic3A_48 = arith.addf %logistic3A_47, %logistic3A_45 : vector<2560x128xf32>
    %logistic3A_49 = arith.divf %logistic3A_47, %logistic3A_48 : vector<2560x128xf32>
    %mul3A_50 = arith.mulf %add3A_44, %logistic3A_49 : vector<2560x128xf32>
    %get3A_51 = arith.constant 0 : index
    %get3A_52 = arith.constant 0 : index
    %get3A_53 = vector.load %arg9[%get3A_51, %get3A_52] : memref<128x128xf32, #tpu.memory_space<vmem>>, vector<128x128xf32>
    %dot_general3A = arith.constant dense<0.000000e+00> : vector<2560x128xf32>
    %dot_general3A_54 = tpu.matmul %mul3A_50, %get3A_53, %dot_general3A {dimension_numbers = #tpu.dot_dimension_numbers<[1], [1], [0], [0], [0, 0, 1, 0], [], []>, transpose_lhs_hint = false} : vector<2560x128xf32>, vector<128x128xf32>, vector<2560x128xf32> -> vector<2560x128xf32>
    %get3A_55 = arith.constant 0 : index
    %get3A_56 = arith.constant 0 : index
    %get3A_57 = vector.load %arg10[%get3A_55, %get3A_56] : memref<1x128xf32, #tpu.memory_space<vmem>>, vector<1x128xf32>
    %add3A_58 = vector.broadcast %get3A_57 : vector<1x128xf32> to vector<2560x128xf32>
    %add3A_59 = arith.addf %dot_general3A_54, %add3A_58 : vector<2560x128xf32>
    %reduce_sum3A_60 = arith.constant dense<0.000000e+00> : vector<2560xf32>
    %reduce_sum3A_61 = vector.multi_reduction <add>, %add3A_59, %reduce_sum3A_60 [1] : vector<2560x128xf32> to vector<2560xf32>
    %broadcast_in_dim3A_62 = vector.shape_cast %reduce_sum3A_61 : vector<2560xf32> to vector<2560x1xf32>
    %div3A_63 = arith.constant 1.280000e+02 : f32
    %div3A_64 = vector.broadcast %div3A_63 : f32 to vector<2560x1xf32>
    %div3A_65 = arith.divf %broadcast_in_dim3A_62, %div3A_64 : vector<2560x1xf32>
    %sub3A_66 = vector.broadcast %div3A_65 : vector<2560x1xf32> to vector<2560x128xf32>
    %sub3A_67 = arith.subf %add3A_59, %sub3A_66 : vector<2560x128xf32>
    %mul3A_68 = arith.mulf %sub3A_67, %sub3A_67 : vector<2560x128xf32>
    %reduce_sum3A_69 = arith.constant dense<0.000000e+00> : vector<2560xf32>
    %reduce_sum3A_70 = vector.multi_reduction <add>, %mul3A_68, %reduce_sum3A_69 [1] : vector<2560x128xf32> to vector<2560xf32>
    %broadcast_in_dim3A_71 = vector.shape_cast %reduce_sum3A_70 : vector<2560xf32> to vector<2560x1xf32>
    %div3A_72 = arith.constant 1.280000e+02 : f32
    %div3A_73 = vector.broadcast %div3A_72 : f32 to vector<2560x1xf32>
    %div3A_74 = arith.divf %broadcast_in_dim3A_71, %div3A_73 : vector<2560x1xf32>
    %add3A_75 = arith.constant 9.99999974E-6 : f32
    %add3A_76 = vector.broadcast %add3A_75 : f32 to vector<2560x1xf32>
    %add3A_77 = arith.addf %div3A_74, %add3A_76 : vector<2560x1xf32>
    %rsqrt3A_78 = math.rsqrt %add3A_77 : vector<2560x1xf32>
    %mul3A_79 = vector.broadcast %rsqrt3A_78 : vector<2560x1xf32> to vector<2560x128xf32>
    %mul3A_80 = arith.mulf %sub3A_67, %mul3A_79 : vector<2560x128xf32>
    %get3A_81 = arith.constant 0 : index
    %get3A_82 = arith.constant 0 : index
    %get3A_83 = vector.load %arg11[%get3A_81, %get3A_82] : memref<1x128xf32, #tpu.memory_space<vmem>>, vector<1x128xf32>
    %mul3A_84 = vector.broadcast %get3A_83 : vector<1x128xf32> to vector<2560x128xf32>
    %mul3A_85 = arith.mulf %mul3A_80, %mul3A_84 : vector<2560x128xf32>
    %get3A_86 = arith.constant 0 : index
    %get3A_87 = arith.constant 0 : index
    %get3A_88 = vector.load %arg12[%get3A_86, %get3A_87] : memref<1x128xf32, #tpu.memory_space<vmem>>, vector<1x128xf32>
    %add3A_89 = vector.broadcast %get3A_88 : vector<1x128xf32> to vector<2560x128xf32>
    %add3A_90 = arith.addf %mul3A_85, %add3A_89 : vector<2560x128xf32>
    %logistic3A_91 = arith.negf %add3A_90 : vector<2560x128xf32>
    %logistic3A_92 = math.exp %logistic3A_91 : vector<2560x128xf32>
    %logistic3A_93 = arith.constant 1.000000e+00 : f32
    %logistic3A_94 = vector.broadcast %logistic3A_93 : f32 to vector<2560x128xf32>
    %logistic3A_95 = arith.addf %logistic3A_94, %logistic3A_92 : vector<2560x128xf32>
    %logistic3A_96 = arith.divf %logistic3A_94, %logistic3A_95 : vector<2560x128xf32>
    %mul3A_97 = arith.mulf %add3A_90, %logistic3A_96 : vector<2560x128xf32>
    %get3A_98 = arith.constant 0 : index
    %get3A_99 = arith.constant 0 : index
    %get3A_100 = vector.load %arg13[%get3A_98, %get3A_99] : memref<1x128xf32, #tpu.memory_space<vmem>>, vector<1x128xf32>
    %dot_general3A_101 = arith.constant dense<0.000000e+00> : vector<1x2560xf32>
    %dot_general3A_102 = tpu.matmul %get3A_100, %mul3A_97, %dot_general3A_101 {dimension_numbers = #tpu.dot_dimension_numbers<[1], [1], [0], [0], [0, 0, 1, 0], [], []>, transpose_lhs_hint = false} : vector<1x128xf32>, vector<2560x128xf32>, vector<1x2560xf32> -> vector<1x2560xf32>
    %mul3A_103 = arith.constant 0.00999999977 : f32
    %mul3A_104 = vector.broadcast %mul3A_103 : f32 to vector<1x2560xf32>
    %mul3A_105 = arith.mulf %dot_general3A_102, %mul3A_104 : vector<1x2560xf32>
    %get3A_106 = arith.constant 0 : index
    %get3A_107 = arith.constant 0 : index
    %get3A_108 = vector.load %arg4[%get3A_106, %get3A_107] : memref<3x2560xf32, #tpu.memory_space<vmem>>, vector<3x2560xf32>
    %mul3A_109 = vector.broadcast %mul3A_105 : vector<1x2560xf32> to vector<3x2560xf32>
    %mul3A_110 = arith.mulf %mul3A_109, %get3A_108 : vector<3x2560xf32>
    %swap3A = arith.constant 0 : index
    %swap3A_111 = arith.constant 0 : index
    %swap3A_112 = vector.load %arg14[%swap3A, %swap3A_111] : memref<3x2560xf32, #tpu.memory_space<vmem>>, vector<3x2560xf32>
    tpu.vector_store %arg14[%swap3A, %swap3A_111], %mul3A_110 {strides = array<i32>} : memref<3x2560xf32, #tpu.memory_space<vmem>>, vector<3x2560xf32>,
    return
  }
  func.func @transform_0(%arg0: i32) -> (i32, i32) {
    %c0_i32 = arith.constant 0 : i32
    %c0_i32_0 = arith.constant 0 : i32
    return %arg0, %c0_i32 : i32, i32
  }
  func.func @transform_1(%arg0: i32) -> (i32, i32) {
    %c0_i32 = arith.constant 0 : i32
    %c0_i32_0 = arith.constant 0 : i32
    return %arg0, %c0_i32 : i32, i32
  }
  func.func @transform_2(%arg0: i32) -> (i32, i32) {
    %c0_i32 = arith.constant 0 : i32
    %c0_i32_0 = arith.constant 0 : i32
    return %arg0, %c0_i32 : i32, i32
  }
  func.func @transform_3(%arg0: i32) -> (i32, i32) {
    %c0_i32 = arith.constant 0 : i32
    %c0_i32_0 = arith.constant 0 : i32
    return %c0_i32, %arg0 : i32, i32
  }
  func.func @transform_4(%arg0: i32) -> (i32, i32) {
    %c0_i32 = arith.constant 0 : i32
    %c0_i32_0 = arith.constant 0 : i32
    %c0_i32_1 = arith.constant 0 : i32
    return %c0_i32, %c0_i32_0 : i32, i32
  }
  func.func @transform_5(%arg0: i32) -> (i32, i32) {
    %c0_i32 = arith.constant 0 : i32
    %c0_i32_0 = arith.constant 0 : i32
    %c0_i32_1 = arith.constant 0 : i32
    return %c0_i32, %c0_i32_0 : i32, i32
  }
  func.func @transform_6(%arg0: i32) -> (i32, i32) {
    %c0_i32 = arith.constant 0 : i32
    %c0_i32_0 = arith.constant 0 : i32
    %c0_i32_1 = arith.constant 0 : i32
    return %c0_i32, %c0_i32_0 : i32, i32
  }
  func.func @transform_7(%arg0: i32) -> (i32, i32) {
    %c0_i32 = arith.constant 0 : i32
    %c0_i32_0 = arith.constant 0 : i32
    %c0_i32_1 = arith.constant 0 : i32
    return %c0_i32, %c0_i32_0 : i32, i32
  }
  func.func @transform_8(%arg0: i32) -> (i32, i32) {
    %c0_i32 = arith.constant 0 : i32
    %c0_i32_0 = arith.constant 0 : i32
    %c0_i32_1 = arith.constant 0 : i32
    return %c0_i32, %c0_i32_0 : i32, i32
  }
  func.func @transform_9(%arg0: i32) -> (i32, i32) {
    %c0_i32 = arith.constant 0 : i32
    %c0_i32_0 = arith.constant 0 : i32
    %c0_i32_1 = arith.constant 0 : i32
    return %c0_i32, %c0_i32_0 : i32, i32
  }
  func.func @transform_10(%arg0: i32) -> (i32, i32) {
    %c0_i32 = arith.constant 0 : i32
    %c0_i32_0 = arith.constant 0 : i32
    %c0_i32_1 = arith.constant 0 : i32
    return %c0_i32, %c0_i32_0 : i32, i32
  }
  func.func @transform_11(%arg0: i32) -> (i32, i32) {
    %c0_i32 = arith.constant 0 : i32
    %c0_i32_0 = arith.constant 0 : i32
    %c0_i32_1 = arith.constant 0 : i32
    return %c0_i32, %c0_i32_0 : i32, i32
  }
  func.func @transform_12(%arg0: i32) -> (i32, i32) {
    %c0_i32 = arith.constant 0 : i32
    %c0_i32_0 = arith.constant 0 : i32
    %c0_i32_1 = arith.constant 0 : i32
    return %c0_i32, %c0_i32_0 : i32, i32
  }
  func.func @transform_13(%arg0: i32) -> (i32, i32) {
    %c0_i32 = arith.constant 0 : i32
    %c0_i32_0 = arith.constant 0 : i32
    return %c0_i32, %arg0 : i32, i32
  }
}

module attributes {stable_mosaic.version = 14 : i64} {
  func.func @_mlp_body(%arg0: i32, %arg1: memref<2560x128xf32, #tpu.memory_space<vmem>>, %arg2: memref<2560x128xf32, #tpu.memory_space<vmem>>, %arg3: memref<2560x1xf32, #tpu.memory_space<vmem>>, %arg4: memref<3x2560xf32, #tpu.memory_space<vmem>>, %arg5: memref<1x128xf32, #tpu.memory_space<vmem>>, %arg6: memref<1x128xf32, #tpu.memory_space<vmem>>, %arg7: memref<1x128xf32, #tpu.memory_space<vmem>>, %arg8: memref<1x128xf32, #tpu.memory_space<vmem>>, %arg9: memref<128x128xf32, #tpu.memory_space<vmem>>, %arg10: memref<1x128xf32, #tpu.memory_space<vmem>>, %arg11: memref<1x128xf32, #tpu.memory_space<vmem>>, %arg12: memref<1x128xf32, #tpu.memory_space<vmem>>, %arg13: memref<1x128xf32, #tpu.memory_space<vmem>>, %arg14: memref<3x2560xf32, #tpu.memory_space<vmem>>) attributes {dimension_semantics = [#tpu.dimension_semantics<arbitrary>], iteration_bounds = array<i64: 61>, scalar_prefetch = 0 : i64, scratch_operands = 0 : i64, tpu.core_type = #tpu.core_type<tc>, window_params = [{transform_indices = @transform_0, window_bounds = array<i64: 2560, 128>}, {transform_indices = @transform_1, window_bounds = array<i64: 2560, 128>}, {transform_indices = @transform_2, window_bounds = array<i64: 2560, 1>}, {transform_indices = @transform_3, window_bounds = array<i64: 3, 2560>}, {pipeline_mode = #tpu.pipeline_mode<synchronous>, transform_indices = @transform_4, window_bounds = array<i64: 1, 128>}, {pipeline_mode = #tpu.pipeline_mode<synchronous>, transform_indices = @transform_5, window_bounds = array<i64: 1, 128>}, {pipeline_mode = #tpu.pipeline_mode<synchronous>, transform_indices = @transform_6, window_bounds = array<i64: 1, 128>}, {pipeline_mode = #tpu.pipeline_mode<synchronous>, transform_indices = @transform_7, window_bounds = array<i64: 1, 128>}, {pipeline_mode = #tpu.pipeline_mode<synchronous>, transform_indices = @transform_8, window_bounds = array<i64: 128, 128>}, {pipeline_mode = #tpu.pipeline_mode<synchronous>, transform_indices = @transform_9, window_bounds = array<i64: 1, 128>}, {pipeline_mode = #tpu.pipeline_mode<synchronous>, transform_indices = @transform_10, window_bounds = array<i64: 1, 128>}, {pipeline_mode = #tpu.pipeline_mode<synchronous>, transform_indices = @transform_11, window_bounds = array<i64: 1, 128>}, {pipeline_mode = #tpu.pipeline_mode<synchronous>, transform_indices = @transform_12, window_bounds = array<i64: 1, 128>}, {transform_indices = @transform_13, window_bounds = array<i64: 3, 2560>}]} {
    %get3A = arith.constant 0 : index
    %get3A_0 = arith.constant 0 : index
    %get3A_1 = vector.load %arg1[%get3A, %get3A_0] : memref<2560x128xf32, #tpu.memory_space<vmem>>, vector<2560x128xf32>
    %get3A_2 = arith.constant 0 : index
    %get3A_3 = arith.constant 0 : index
    %get3A_4 = vector.load %arg2[%get3A_2, %get3A_3] : memref<2560x128xf32, #tpu.memory_space<vmem>>, vector<2560x128xf32>
    %add3A = arith.addf %get3A_1, %get3A_4 : vector<2560x128xf32>
    %get3A_5 = arith.constant 0 : index
    %get3A_6 = arith.constant 0 : index
    %get3A_7 = vector.load %arg3[%get3A_5, %get3A_6] : memref<2560x1xf32, #tpu.memory_space<vmem>>, vector<2560x1xf32>
    %get3A_8 = arith.constant 0 : index
    %get3A_9 = arith.constant 0 : index
    %get3A_10 = vector.load %arg5[%get3A_8, %get3A_9] : memref<1x128xf32, #tpu.memory_space<vmem>>, vector<1x128xf32>
    %mul3A = vector.broadcast %get3A_7 : vector<2560x1xf32> to vector<2560x128xf32>
    %mul3A_11 = vector.broadcast %get3A_10 : vector<1x128xf32> to vector<2560x128xf32>
    %mul3A_12 = arith.mulf %mul3A, %mul3A_11 : vector<2560x128xf32>
    %add3A_13 = arith.addf %add3A, %mul3A_12 : vector<2560x128xf32>
    %get3A_14 = arith.constant 0 : index
    %get3A_15 = arith.constant 0 : index
    %get3A_16 = vector.load %arg6[%get3A_14, %get3A_15] : memref<1x128xf32, #tpu.memory_space<vmem>>, vector<1x128xf32>
    %add3A_17 = vector.broadcast %get3A_16 : vector<1x128xf32> to vector<2560x128xf32>
    %add3A_18 = arith.addf %add3A_13, %add3A_17 : vector<2560x128xf32>
    %reduce_sum3A = arith.constant dense<0.000000e+00> : vector<2560xf32>
    %reduce_sum3A_19 = vector.multi_reduction <add>, %add3A_18, %reduce_sum3A [1] : vector<2560x128xf32> to vector<2560xf32>
    %broadcast_in_dim3A = vector.shape_cast %reduce_sum3A_19 : vector<2560xf32> to vector<2560x1xf32>
    %div3A = arith.constant 1.280000e+02 : f32
    %div3A_20 = vector.broadcast %div3A : f32 to vector<2560x1xf32>
    %div3A_21 = arith.divf %broadcast_in_dim3A, %div3A_20 : vector<2560x1xf32>
    %sub3A = vector.broadcast %div3A_21 : vector<2560x1xf32> to vector<2560x128xf32>
    %sub3A_22 = arith.subf %add3A_18, %sub3A : vector<2560x128xf32>
    %mul3A_23 = arith.mulf %sub3A_22, %sub3A_22 : vector<2560x128xf32>
    %reduce_sum3A_24 = arith.constant dense<0.000000e+00> : vector<2560xf32>
    %reduce_sum3A_25 = vector.multi_reduction <add>, %mul3A_23, %reduce_sum3A_24 [1] : vector<2560x128xf32> to vector<2560xf32>
    %broadcast_in_dim3A_26 = vector.shape_cast %reduce_sum3A_25 : vector<2560xf32> to vector<2560x1xf32>
    %div3A_27 = arith.constant 1.280000e+02 : f32
    %div3A_28 = vector.broadcast %div3A_27 : f32 to vector<2560x1xf32>
    %div3A_29 = arith.divf %broadcast_in_dim3A_26, %div3A_28 : vector<2560x1xf32>
    %add3A_30 = arith.constant 9.99999974E-6 : f32
    %add3A_31 = vector.broadcast %add3A_30 : f32 to vector<2560x1xf32>
    %add3A_32 = arith.addf %div3A_29, %add3A_31 : vector<2560x1xf32>
    %rsqrt3A = math.rsqrt %add3A_32 : vector<2560x1xf32>
    %mul3A_33 = vector.broadcast %rsqrt3A : vector<2560x1xf32> to vector<2560x128xf32>
    %mul3A_34 = arith.mulf %sub3A_22, %mul3A_33 : vector<2560x128xf32>
    %get3A_35 = arith.constant 0 : index
    %get3A_36 = arith.constant 0 : index
    %get3A_37 = vector.load %arg7[%get3A_35, %get3A_36] : memref<1x128xf32, #tpu.memory_space<vmem>>, vector<1x128xf32>
    %mul3A_38 = vector.broadcast %get3A_37 : vector<1x128xf32> to vector<2560x128xf32>
    %mul3A_39 = arith.mulf %mul3A_34, %mul3A_38 : vector<2560x128xf32>
    %get3A_40 = arith.constant 0 : index
    %get3A_41 = arith.constant 0 : index
    %get3A_42 = vector.load %arg8[%get3A_40, %get3A_41] : memref<1x128xf32, #tpu.memory_space<vmem>>, vector<1x128xf32>
    %add3A_43 = vector.broadcast %get3A_42 : vector<1x128xf32> to vector<2560x128xf32>
    %add3A_44 = arith.addf %mul3A_39, %add3A_43 : vector<2560x128xf32>
    %logistic3A = arith.negf %add3A_44 : vector<2560x128xf32>
    %logistic3A_45 = math.exp %logistic3A : vector<2560x128xf32>
    %logistic3A_46 = arith.constant 1.000000e+00 : f32
    %logistic3A_47 = vector.broadcast %logistic3A_46 : f32 to vector<2560x128xf32>
    %logistic3A_48 = arith.addf %logistic3A_47, %logistic3A_45 : vector<2560x128xf32>
    %logistic3A_49 = arith.divf %logistic3A_47, %logistic3A_48 : vector<2560x128xf32>
    %mul3A_50 = arith.mulf %add3A_44, %logistic3A_49 : vector<2560x128xf32>
    %get3A_51 = arith.constant 0 : index
    %get3A_52 = arith.constant 0 : index
    %get3A_53 = vector.load %arg9[%get3A_51, %get3A_52] : memref<128x128xf32, #tpu.memory_space<vmem>>, vector<128x128xf32>
    %dot_general3A = arith.constant dense<0.000000e+00> : vector<2560x128xf32>
    %dot_general3A_54 = tpu.matmul %mul3A_50, %get3A_53, %dot_general3A {dimension_numbers = #tpu.dot_dimension_numbers<[1], [1], [0], [0], [0, 0, 1, 0], [], []>, transpose_lhs_hint = false} : vector<2560x128xf32>, vector<128x128xf32>, vector<2560x128xf32> -> vector<2560x128xf32>
    %get3A_55 = arith.constant 0 : index
    %get3A_56 = arith.constant 0 : index
    %get3A_57 = vector.load %arg10[%get3A_55, %get3A_56] : memref<1x128xf32, #tpu.memory_space<vmem>>, vector<1x128xf32>
    %add3A_58 = vector.broadcast %get3A_57 : vector<1x128xf32> to vector<2560x128xf32>
    %add3A_59 = arith.addf %dot_general3A_54, %add3A_58 : vector<2560x128xf32>
    %reduce_sum3A_60 = arith.constant dense<0.000000e+00> : vector<2560xf32>
    %reduce_sum3A_61 = vector.multi_reduction <add>, %add3A_59, %reduce_sum3A_60 [1] : vector<2560x128xf32> to vector<2560xf32>
    %broadcast_in_dim3A_62 = vector.shape_cast %reduce_sum3A_61 : vector<2560xf32> to vector<2560x1xf32>
    %div3A_63 = arith.constant 1.280000e+02 : f32
    %div3A_64 = vector.broadcast %div3A_63 : f32 to vector<2560x1xf32>
    %div3A_65 = arith.divf %broadcast_in_dim3A_62, %div3A_64 : vector<2560x1xf32>
    %sub3A_66 = vector.broadcast %div3A_65 : vector<2560x1xf32> to vector<2560x128xf32>
    %sub3A_67 = arith.subf %add3A_59, %sub3A_66 : vector<2560x128xf32>
    %mul3A_68 = arith.mulf %sub3A_67, %sub3A_67 : vector<2560x128xf32>
    %reduce_sum3A_69 = arith.constant dense<0.000000e+00> : vector<2560xf32>
    %reduce_sum3A_70 = vector.multi_reduction <add>, %mul3A_68, %reduce_sum3A_69 [1] : vector<2560x128xf32> to vector<2560xf32>
    %broadcast_in_dim3A_71 = vector.shape_cast %reduce_sum3A_70 : vector<2560xf32> to vector<2560x1xf32>
    %div3A_72 = arith.constant 1.280000e+02 : f32
    %div3A_73 = vector.broadcast %div3A_72 : f32 to vector<2560x1xf32>
    %div3A_74 = arith.divf %broadcast_in_dim3A_71, %div3A_73 : vector<2560x1xf32>
    %add3A_75 = arith.constant 9.99999974E-6 : f32
    %add3A_76 = vector.broadcast %add3A_75 : f32 to vector<2560x1xf32>
    %add3A_77 = arith.addf %div3A_74, %add3A_76 : vector<2560x1xf32>
    %rsqrt3A_78 = math.rsqrt %add3A_77 : vector<2560x1xf32>
    %mul3A_79 = vector.broadcast %rsqrt3A_78 : vector<2560x1xf32> to vector<2560x128xf32>
    %mul3A_80 = arith.mulf %sub3A_67, %mul3A_79 : vector<2560x128xf32>
    %get3A_81 = arith.constant 0 : index
    %get3A_82 = arith.constant 0 : index
    %get3A_83 = vector.load %arg11[%get3A_81, %get3A_82] : memref<1x128xf32, #tpu.memory_space<vmem>>, vector<1x128xf32>
    %mul3A_84 = vector.broadcast %get3A_83 : vector<1x128xf32> to vector<2560x128xf32>
    %mul3A_85 = arith.mulf %mul3A_80, %mul3A_84 : vector<2560x128xf32>
    %get3A_86 = arith.constant 0 : index
    %get3A_87 = arith.constant 0 : index
    %get3A_88 = vector.load %arg12[%get3A_86, %get3A_87] : memref<1x128xf32, #tpu.memory_space<vmem>>, vector<1x128xf32>
    %add3A_89 = vector.broadcast %get3A_88 : vector<1x128xf32> to vector<2560x128xf32>
    %add3A_90 = arith.addf %mul3A_85, %add3A_89 : vector<2560x128xf32>
    %logistic3A_91 = arith.negf %add3A_90 : vector<2560x128xf32>
    %logistic3A_92 = math.exp %logistic3A_91 : vector<2560x128xf32>
    %logistic3A_93 = arith.constant 1.000000e+00 : f32
    %logistic3A_94 = vector.broadcast %logistic3A_93 : f32 to vector<2560x128xf32>
    %logistic3A_95 = arith.addf %logistic3A_94, %logistic3A_92 : vector<2560x128xf32>
    %logistic3A_96 = arith.divf %logistic3A_94, %logistic3A_95 : vector<2560x128xf32>
    %mul3A_97 = arith.mulf %add3A_90, %logistic3A_96 : vector<2560x128xf32>
    %get3A_98 = arith.constant 0 : index
    %get3A_99 = arith.constant 0 : index
    %get3A_100 = vector.load %arg13[%get3A_98, %get3A_99] : memref<1x128xf32, #tpu.memory_space<vmem>>, vector<1x128xf32>
    %dot_general3A_101 = arith.constant dense<0.000000e+00> : vector<1x2560xf32>
    %dot_general3A_102 = tpu.matmul %get3A_100, %mul3A_97, %dot_general3A_101 {dimension_numbers = #tpu.dot_dimension_numbers<[1], [1], [0], [0], [0, 0, 1, 0], [], []>, transpose_lhs_hint = false} : vector<1x128xf32>, vector<2560x128xf32>, vector<1x2560xf32> -> vector<1x2560xf32>
    %mul3A_103 = arith.constant 0.00999999977 : f32
    %mul3A_104 = vector.broadcast %mul3A_103 : f32 to vector<1x2560xf32>
    %mul3A_105 = arith.mulf %dot_general3A_102, %mul3A_104 : vector<1x2560xf32>
    %get3A_106 = arith.constant 0 : index
    %get3A_107 = arith.constant 0 : index
    %get3A_108 = vector.load %arg4[%get3A_106, %get3A_107] : memref<3x2560xf32, #tpu.memory_space<vmem>>, vector<3x2560xf32>
    %mul3A_109 = vector.broadcast %mul3A_105 : vector<1x2560xf32> to vector<3x2560xf32>
    %mul3A_110 = arith.mulf %mul3A_109, %get3A_108 : vector<3x2560xf32>
    %swap3A = arith.constant 0 : index
    %swap3A_111 = arith.constant 0 : index
    %swap3A_112 = vector.load %arg14[%swap3A, %swap3A_111] : memref<3x2560xf32, #tpu.memory_space<vmem>>, vector<3x2560xf32>
    tpu.vector_store %arg14[%swap3A, %swap3A_111], %mul3A_110 {strides = array<i32>} : memref<3x2560xf32, #tpu.memory_space<vmem>>, vector<3x2560xf32>,
    return
  }
  func.func @transform_0(%arg0: i32) -> (i32, i32) {
    %c0_i32 = arith.constant 0 : i32
    %c0_i32_0 = arith.constant 0 : i32
    return %arg0, %c0_i32 : i32, i32
  }
  func.func @transform_1(%arg0: i32) -> (i32, i32) {
    %c0_i32 = arith.constant 0 : i32
    %c0_i32_0 = arith.constant 0 : i32
    return %arg0, %c0_i32 : i32, i32
  }
  func.func @transform_2(%arg0: i32) -> (i32, i32) {
    %c0_i32 = arith.constant 0 : i32
    %c0_i32_0 = arith.constant 0 : i32
    return %arg0, %c0_i32 : i32, i32
  }
  func.func @transform_3(%arg0: i32) -> (i32, i32) {
    %c0_i32 = arith.constant 0 : i32
    %c0_i32_0 = arith.constant 0 : i32
    return %c0_i32, %arg0 : i32, i32
  }
  func.func @transform_4(%arg0: i32) -> (i32, i32) {
    %c0_i32 = arith.constant 0 : i32
    %c0_i32_0 = arith.constant 0 : i32
    %c0_i32_1 = arith.constant 0 : i32
    return %c0_i32, %c0_i32_0 : i32, i32
  }
  func.func @transform_5(%arg0: i32) -> (i32, i32) {
    %c0_i32 = arith.constant 0 : i32
    %c0_i32_0 = arith.constant 0 : i32
    %c0_i32_1 = arith.constant 0 : i32
    return %c0_i32, %c0_i32_0 : i32, i32
  }
  func.func @transform_6(%arg0: i32) -> (i32, i32) {
    %c0_i32 = arith.constant 0 : i32
    %c0_i32_0 = arith.constant 0 : i32
    %c0_i32_1 = arith.constant 0 : i32
    return %c0_i32, %c0_i32_0 : i32, i32
  }
  func.func @transform_7(%arg0: i32) -> (i32, i32) {
    %c0_i32 = arith.constant 0 : i32
    %c0_i32_0 = arith.constant 0 : i32
    %c0_i32_1 = arith.constant 0 : i32
    return %c0_i32, %c0_i32_0 : i32, i32
  }
  func.func @transform_8(%arg0: i32) -> (i32, i32) {
    %c0_i32 = arith.constant 0 : i32
    %c0_i32_0 = arith.constant 0 : i32
    %c0_i32_1 = arith.constant 0 : i32
    return %c0_i32, %c0_i32_0 : i32, i32
  }
  func.func @transform_9(%arg0: i32) -> (i32, i32) {
    %c0_i32 = arith.constant 0 : i32
    %c0_i32_0 = arith.constant 0 : i32
    %c0_i32_1 = arith.constant 0 : i32
    return %c0_i32, %c0_i32_0 : i32, i32
  }
  func.func @transform_10(%arg0: i32) -> (i32, i32) {
    %c0_i32 = arith.constant 0 : i32
    %c0_i32_0 = arith.constant 0 : i32
    %c0_i32_1 = arith.constant 0 : i32
    return %c0_i32, %c0_i32_0 : i32, i32
  }
  func.func @transform_11(%arg0: i32) -> (i32, i32) {
    %c0_i32 = arith.constant 0 : i32
    %c0_i32_0 = arith.constant 0 : i32
    %c0_i32_1 = arith.constant 0 : i32
    return %c0_i32, %c0_i32_0 : i32, i32
  }
  func.func @transform_12(%arg0: i32) -> (i32, i32) {
    %c0_i32 = arith.constant 0 : i32
    %c0_i32_0 = arith.constant 0 : i32
    %c0_i32_1 = arith.constant 0 : i32
    return %c0_i32, %c0_i32_0 : i32, i32
  }
  func.func @transform_13(%arg0: i32) -> (i32, i32) {
    %c0_i32 = arith.constant 0 : i32
    %c0_i32_0 = arith.constant 0 : i32
    return %c0_i32, %arg0 : i32, i32
  }
}

module attributes {stable_mosaic.version = 14 : i64} {
  func.func @_reduce_body(%arg0: i32, %arg1: memref<32x625x128xf32, #tpu.memory_space<vmem>>, %arg2: memref<625x128xf32, #tpu.memory_space<vmem>>) attributes {dimension_semantics = [#tpu.dimension_semantics<arbitrary>], iteration_bounds = array<i64: 1>, scalar_prefetch = 0 : i64, scratch_operands = 0 : i64, tpu.core_type = #tpu.core_type<tc>, window_params = [{pipeline_mode = #tpu.pipeline_mode<synchronous>, transform_indices = @transform_0, window_bounds = array<i64: 32, 625, 128>}, {pipeline_mode = #tpu.pipeline_mode<synchronous>, transform_indices = @transform_1, window_bounds = array<i64: 625, 128>}]} {
    %get3A = arith.constant 0 : index
    %get3A_0 = arith.constant 0 : index
    %get3A_1 = arith.constant 0 : index
    %get3A_2 = vector.load %arg1[%get3A, %get3A_0, %get3A_1] : memref<32x625x128xf32, #tpu.memory_space<vmem>>, vector<32x625x128xf32>
    %reduce_sum3A = arith.constant dense<0.000000e+00> : vector<625x128xf32>
    %reduce_sum3A_3 = vector.multi_reduction <add>, %get3A_2, %reduce_sum3A [0] : vector<32x625x128xf32> to vector<625x128xf32>
    %swap3A = arith.constant 0 : index
    %swap3A_4 = arith.constant 0 : index
    %swap3A_5 = vector.load %arg2[%swap3A, %swap3A_4] : memref<625x128xf32, #tpu.memory_space<vmem>>, vector<625x128xf32>
    tpu.vector_store %arg2[%swap3A, %swap3A_4], %reduce_sum3A_3 {strides = array<i32>} : memref<625x128xf32, #tpu.memory_space<vmem>>, vector<625x128xf32>,
    return
  }
  func.func @transform_0(%arg0: i32) -> (i32, i32, i32) {
    %c0_i32 = arith.constant 0 : i32
    %c0_i32_0 = arith.constant 0 : i32
    %c0_i32_1 = arith.constant 0 : i32
    %c0_i32_2 = arith.constant 0 : i32
    return %c0_i32, %c0_i32_0, %c0_i32_1 : i32, i32, i32
  }
  func.func @transform_1(%arg0: i32) -> (i32, i32) {
    %c0_i32 = arith.constant 0 : i32
    %c0_i32_0 = arith.constant 0 : i32
    %c0_i32_1 = arith.constant 0 : i32
    return %c0_i32, %c0_i32_0 : i32, i32
  }
}

</mosaic_0001>

<sc_bundles>
// kernel: kernel.12.cloned.1.call-start
scs
__scs_entry_jumppad:
0x0: {  	(pc) =	sbr.rel $0x88, $3  }
0x1: {  	(tag) =	ssettag $0x0;
	lr =	simm.s32 $0x1  }
0x2: {  	[smem:$0x3F93] =	sst lr;
	_ =	strace $0xD0000000  }
0x3: {  	_ = 	snop  }
0x4: {  	_ = 	snop  }
0x5: {  	_ = 	snop  }
0x6: {  	_ = 	snop  }
0x7: {  	_ = 	snop  }
__scs_overlays_trampoline_lowered:
0x8: {  	[smem:$0x3FA2] =	sst s0  }
0x9: {  	[smem:$0x3FA3] =	sst s1  }
0xa: {  	[smem:$0x3FA4] =	sst s2  }
0xb: {  	[smem:$0x3FA5] =	sst s3  }
0xc: {  	[smem:$0x3FA6] =	sst s4  }
0xd: {  	[smem:$0x3FA7] =	sst s5  }
0xe: {  	[smem:$0x3FA8] =	sst s6  }
0xf: {  	[smem:$0x3FA9] =	sst s7  }
0x10: {  	[smem:$0x3FAA] =	sst s8  }
0x11: {  	[smem:$0x3FAB] =	sst s9;
	s0 =	simm.s32 @!p0 $0x0  }
0x12: {  	s1 =	sld [smem:$0x3F91];
	s0 =	simm.s32 @p0 $0x1  }
0x13: {  	[smem:$0x3FAC] =	sst s0;
	s0 =	simm.s32 @!p1 $0x0  }
0x14: {  	s2 =	sld [smem:$0x3F90];
	s0 =	simm.s32 @p1 $0x1  }
0x15: {  	[smem:$0x3FAD] =	sst s0;
	s0 =	simm.s32 @!p2 $0x0  }
0x16: {  	s3 =	sld [smem:$0x3FDB];
	s0 =	simm.s32 @p2 $0x1  }
0x17: {  	s4 =	simm.s32 $0x1BF5;
	[smem:$0x3FAF] =	sst s0  }
0x18: {  	s0 =	sld [smem:$0x3F92];
	_ =	swait.ge [sflag:s4], $0x0  }
0x19: {  	s7 =	sld [smem:$0x3F93]  }
0x1a: {  	s8 =	sadd.s32 $0xFFFFE003, lr  }
0x1b: {  	s9 =	sadd.s32 $0xFFFFFEF7, lr;
	s5 =	simm.s32 $0xFFFFFFFF;
	p2 =	slt.u32 s8, $0xFFFFF086  }
0x1c: {  	p1 =	slt.u32 s9, $0xF7A;
	s5 =	simm.s32 @!p2 $0x0  }
0x1d: {  	s5 =	simm.s32 @p1 $0x1;
	p0 =	seq.s32 s7, s2  }
0x1e: {  	s7 =	smul.u32 @!p0 $0xF7A, s2;
	p2 =	seq.s32 @!p0 s5, $0x0  }
0x1f: {  	s9 =	smul.u32 $0xF7A, s1;
	s8 =	simm.s32 @!p0 $0x1BF5;
	p2 =	por !p2, p0  }
0x20: {  	[sflag:s8] =	ssyncset.s32 @!p0 $0xFFFFF086;
	s6 =	sadd.s32 @!p0 s3, s7;
	s7 =	simm.s32 @!p0 $0x108  }
0x21: {  	s3 =	sadd.s32 s3, s9;
	s6 =	sadd.s32 @!p0 $0x88, s6;
	s7 =	simm.s32 @p2 $0x1082  }
0x22: {  	[simem:s7], [sflag:s8] =	dma.local @!p0 [hbm:s6], $0xF7A  }
0x23: {  	s9 =	sor.u32 $0xD0000000, s2;
	s6 =	simm.s32 $0x108;
	_ =	swait.ge @!p0 [sflag:s8], $0x0  }
0x24: {  	s3 =	sadd.s32 $0x88, s3;
	s6 =	simm.s32 @!p1 $0x1082;
	[sflag:s4] =	ssyncset.s32 $0xFFFFF086  }
0x25: {  	[simem:s6], [sflag:s4] =	dma.local [hbm:s3], $0xF7A  }
0x26: {  	[smem:$0x3F93] =	sst s1;
	(tag) =	ssettag s2;
	_ =	strace s9  }
0x27: {  	s1 =	sld [smem:$0x3FA3]  }
0x28: {  	s2 =	sld [smem:$0x3FA4]  }
0x29: {  	s4 =	sld [smem:$0x3FA6]  }
0x2a: {  	p0 =	seq.s32 s5, $0x0;
	s5 =	sld [smem:$0x3FA7]  }
0x2b: {  	s6 =	sld [smem:$0x3FA8]  }
0x2c: {  	s7 =	sld [smem:$0x3FA9]  }
0x2d: {  	s3 =	simm.s32 $0x108;
	s8 =	sld [smem:$0x3FAA]  }
0x2e: {  	s3 =	simm.s32 @!p0 $0x1082;
	s9 =	sld [smem:$0x3FAB]  }
0x2f: {  	lr =	sadd.s32 s0, s3;
	s0 =	sld [smem:$0x3FA2]  }
0x30: {  	s3 =	sld [smem:$0x3FA5]  }
0x31: {  	[smem:$0x3FAE] =	sst s10  }
0x32: {  	s10 =	sld [smem:$0x3FAC];
	_ =	sdelay $0x3  }
0x33: {  	p0 =	seq.s32 s10, $0x1;
	s10 =	sld [smem:$0x3FAE];
	_ =	sdelay $0x3  }
0x34: {  	[smem:$0x3FAE] =	sst s10  }
0x35: {  	s10 =	sld [smem:$0x3FAD];
	_ =	sdelay $0x3  }
0x36: {  	p1 =	seq.s32 s10, $0x1;
	s10 =	sld [smem:$0x3FAE];
	_ =	sdelay $0x3  }
0x37: {  	[smem:$0x3FAE] =	sst s10  }
0x38: {  	s10 =	sld [smem:$0x3FAF]  }
0x39: {  	_ = 	snop;
	(pc) =	sbr.ind lr, $3  }
0x3a: {  	_ = 	snop  }
0x3b: {  	_ = 	snop  }
0x3c: {  	p2 =	seq.s32 s10, $0x1;
	s10 =	sld [smem:$0x3FAE]  }
0x3d: {  	_ =	shalt  }
0x3e: {  	_ =	shalt  }
0x3f: {  	_ =	shalt  }
0x40: {  	_ =	shalt  }
0x41: {  	_ =	shalt  }
0x42: {  	_ =	shalt  }
0x43: {  	_ =	shalt  }
0x44: {  	_ =	shalt  }
0x45: {  	_ =	shalt  }
0x46: {  	_ =	shalt  }
0x47: {  	_ =	shalt  }
0x48: {  	_ =	shalt  }
0x49: {  	_ =	shalt  }
0x4a: {  	_ =	shalt  }
0x4b: {  	_ =	shalt  }
0x4c: {  	_ =	shalt  }
0x4d: {  	_ =	shalt  }
0x4e: {  	_ =	shalt  }
0x4f: {  	_ =	shalt  }
0x50: {  	_ =	shalt  }
0x51: {  	_ =	shalt  }
0x52: {  	_ =	shalt  }
0x53: {  	_ =	shalt  }
0x54: {  	_ =	shalt  }
0x55: {  	_ =	shalt  }
0x56: {  	_ =	shalt  }
0x57: {  	_ =	shalt  }
0x58: {  	_ =	shalt  }
0x59: {  	_ =	shalt  }
0x5a: {  	_ =	shalt  }
0x5b: {  	_ =	shalt  }
0x5c: {  	_ =	shalt  }
0x5d: {  	_ =	shalt  }
0x5e: {  	_ =	shalt  }
0x5f: {  	_ =	shalt  }
0x60: {  	_ =	shalt  }
0x61: {  	_ =	shalt  }
0x62: {  	_ =	shalt  }
0x63: {  	_ =	shalt  }
0x64: {  	_ =	shalt  }
0x65: {  	_ =	shalt  }
0x66: {  	_ =	shalt  }
0x67: {  	_ =	shalt  }
0x68: {  	_ =	shalt  }
0x69: {  	_ =	shalt  }
0x6a: {  	_ =	shalt  }
0x6b: {  	_ =	shalt  }
0x6c: {  	_ =	shalt  }
0x6d: {  	_ =	shalt  }
0x6e: {  	_ =	shalt  }
0x6f: {  	_ =	shalt  }
0x70: {  	_ =	shalt  }
0x71: {  	_ =	shalt  }
0x72: {  	_ =	shalt  }
0x73: {  	_ =	shalt  }
0x74: {  	_ =	shalt  }
0x75: {  	_ =	shalt  }
0x76: {  	_ =	shalt  }
0x77: {  	_ =	shalt  }
0x78: {  	_ =	shalt  }
0x79: {  	_ =	shalt  }
0x7a: {  	_ =	shalt  }
0x7b: {  	_ =	shalt  }
0x7c: {  	_ =	shalt  }
0x7d: {  	_ =	shalt  }
0x7e: {  	_ =	shalt  }
0x7f: {  	_ =	shalt  }
0x80: {  	_ =	shalt  }
0x81: {  	_ =	shalt  }
0x82: {  	_ =	shalt  }
0x83: {  	_ =	shalt  }
0x84: {  	_ =	shalt  }
0x85: {  	_ =	shalt  }
0x86: {  	_ =	shalt  }
0x87: {  	_ =	shalt  }
.Lfunc_end0:
.L_simem_size_0:
called_computation.1_lowered:
.L_overlay_start_0:
0x88: {  	s2 =	sld [smem:$0x3FD9]  }
0x89: {  	s3 =	sld [smem:$0x3FFE];
	_ =	sdelay $0x1  }
0x8a: {  	s1 =	srdreg.scid  }
0x8b: {  	s0 =	sand.u32 $0x1, s1  }
0x8c: {  	s17 =	sshll.u32 s0, $0xA;
	s2 =	sadd.s32 s3, s2  }
0x8d: {  	s2 =	sadd.s32 s2, s17  }
0x8e: {  	[smem:$0x3FBA] =	sst s2  }
0x8f: {  	_ = 	snop  }
0x90: {  	(tm) =	ssettm $0x1  }
0x91: {  	s18 =	sld [smem:$0x3FFB];
	_ =	sdelay $0x3  }
0x92: {  	_ =	strace s18  }
0x93: {  	s2 =	sld [smem:$0x3FFC];
	_ =	sdelay $0x3  }
0x94: {  	_ =	strace s2  }
0x95: {  	s2 =	sld [smem:$0x3FFD];
	_ =	sdelay $0x3  }
0x96: {  	_ =	strace s2  }
0x97: {  	_ =	strace $0x8FFFFFFF  }
0x98: {  	s19 =	sld [smem:$0x3FDB];
	_ =	sdelay $0x1  }
0x99: {  	s20 =	simm.s32 $_scs_section_size  }
0x9a: {  	s4 =	simm.s32 $_size__tile_overlayer_lowered;
	s5 =	simm.s32 $_tile_overlayer_lowered  }
0x9b: {  	s6 =	simm.s32 $0x1BFF;
	s21 =	sshll.u32 s5, $0x1;
	s3 =	sadd.s32 s20, s19  }
0x9c: {  	s22 =	simm.s32 $0x0;
	s4 =	sshll.u32 s4, $0x1;
	s5 =	sadd.s32 s21, s3  }
0x9d: {  	[timem:s22], [sflag:s6] =	dma.local [hbm:s5], s4  }
0x9e: {  	_ =	swait.ge [sflag:s6], s4  }
0x9f: {  	s4 =	ssub.s32 $0x0, s4;
	[sflag:s6] =	ssyncset.done $0x0  }
0xa0: {  	[sflag:s6] =	ssyncadd.s32 s4;
	_ =	sdelay $0x1  }
0xa1: {  	s23 =	simm.s32 $0x1B8B  }
0xa2: {  	_ =	swait.ge [sflag:s23], $0x1  }
0xa3: {  	[sflag:s23] =	ssyncset.done $0x0  }
0xa4: {  	[sflag:s23] =	ssyncadd.s32 $0xFFFFFFFF  }
0xa5: {  	s4 =	sld [smem:$0x0]  }
0xa6: {  	s5 =	sand.u32 $0xFFFFFFFE, s1  }
0xa7: {  	p0 =	sne.s32 s1, s5  }
0xa8: {  	s5 =	sshll.u32 @p0 s5, $0xE  }
0xa9: {  	s5 =	sadd.s32 @p0 $0x11B8D, s5;
	s6 =	sshll.u32 @p0 s4, $0x11  }
0xaa: {  	s5 =	sor.u32 @p0 s6, s5  }
0xab: {  	[sflag:s5] =	ssyncadd.remote.s32 @p0 $0x1;
	_ =	sdelay $0x1  }
0xac: {  	s5 =	simm.s32 @p0 $0x1B8D  }
0xad: {  	_ =	swait.eq @p0 [sflag:s5], $0x1  }
0xae: {  	[sflag:s5] =	ssyncadd.s32 @p0 $0xFFFFFFFF  }
0xaf: {  	s6 =	sshll.u32 @!p0 s1, $0xE  }
0xb0: {  	s6 =	sor.u32 @!p0 $0x4000, s6;
	s5 =	simm.s32 @!p0 $0x1B8D  }
0xb1: {  	s4 =	sshll.u32 @!p0 s4, $0x11;
	s6 =	sadd.s32 @!p0 $0x11B8D, s6;
	_ =	swait.eq @!p0 [sflag:s5], $0x1  }
0xb2: {  	s4 =	sor.u32 @!p0 s4, s6;
	[sflag:s5] =	ssyncadd.s32 @!p0 $0xFFFFFFFF  }
0xb3: {  	s25 =	simm.s32 $0x1B8E;
	s24 =	sld [smem:$0x3FFE];
	[sflag:s4] =	ssyncadd.remote.s32 @!p0 $0x1  }
0xb4: {  	s26 =	simm.s32 $execute0_lowered;
	[smem:$0x3FD2] =	sst s25  }
0xb5: {  	s5 =	sshll.u32 s26, $0x1;
	_ =	strace $0x80000049;
	[dreg:$0x1] =	wrdreg $0xFFFFFFFF  }
0xb6: {  	s28 =	simm.s32 $_size_execute0_lowered;
	s3 =	sadd.s32 s3, s5;
	[dreg:$0x0] =	wrdreg $0x0  }
0xb7: {  	s5 =	sshll.u32 s28, $0x1;
	[dreg:$0x2] =	wrdreg s3  }
0xb8: {  	[dreg:$0x3] =	wrdreg s5  }
0xb9: {  	[dreg:$0x4] =	wrdreg $0xC0  }
0xba: {  	_ =	task [dreg:s22], $0x5FFFF  }
0xbb: {  	[dreg:$0x1] =	wrdreg $0xFFFFFFFF  }
0xbc: {  	[dreg:$0x0] =	wrdreg $0x60  }
0xbd: {  	[dreg:$0x2] =	wrdreg s24  }
0xbe: {  	[dreg:$0x3] =	wrdreg $0xA  }
0xbf: {  	_ =	task.clear_ibuf [dreg:s22], $0x4FFFF;
	_ =	strace $0x90000049  }
0xc0: {  	s29 =	simm.s32 $0xA;
	_ =	strace $0x8000004B  }
0xc1: {  	_ =	swait.ge [sflag:s29], $0x1  }
0xc2: {  	[sflag:s29] =	ssyncadd.s32 $0xFFFFFFFF  }
0xc3: {  	_ =	strace $0x9000004B  }
0xc4: {  	_ =	sfence  }
0xc5: {  	s30 =	sld [smem:$0x0];
	_ =	sdelay $0x2  }
0xc6: {  	s31 =	sshll.u32 s1, $0xD;
	s1 =	sshrl.u32 s1, $0x2  }
0xc7: {  	s4 =	sand.u32 $0x4000, s31;
	s1 =	sadd.s32 s1, s30  }
0xc8: {  	s0 =	sor.u32 s4, s0;
	s1 =	sshll.u32 s1, $0x11  }
0xc9: {  	s0 =	sor.u32 s1, s0  }
0xca: {  	s0 =	sadd.s32 $0x8F2B, s0  }
0xcb: {  	[sflag:s0] =	ssyncadd.remote.s32 $0x1  }
0xcc: {  	_ =	sfence.sel $0xFFFF  }
0xcd: {  	[dreg:$0x0] =	wrdreg $0xFFFFFFFF;
	(pc) =	sbr.abs _section_cstart, $3  }
0xce: {  	[dreg:$0x1] =	wrdreg $0xFFFFFFFF  }
0xcf: {  	_ =	task.clear_ibuf [dreg:s22], $0x2FFFF;
	_ =	strace $0x9FFFFFFF  }
0xd0: {  	(tm) =	ssettm $0x7FFFFFFF  }
0xd1: {  	_ =	shalt  }
tec
execute0_lowered:
.L_overlay_start_1:
0x0: {  	(tag) =	ssettag $0x1  }
0x1: {  	s5 =	rddreg [dreg:$0x0]  }
0x2: {  	s0 =	rddreg [dreg:$0x1]  }
0x3: {  	s1 =	simm.s32 $0x0;
	s6 =	srdreg.scid;
	s2 =	stileid.u32  }
0x4: {  	s11 =	simm.s32 $0x2000;
	s12 =	simm.s32 $0x50;
	s13 =	simm.s32 $0x4000  }
0x5: {  	s14 =	simm.s32 $0x9000;
	s15 =	simm.s32 $0x4;
	s16 =	simm.s32 $0x3  }
0x6: {  	s17 =	simm.s32 $0x0;
	[smem:$0x7FF] =	sst s1;
	s3 =	sadd.s32 $0x18600, s5  }
0x7: {  	s4 =	sadd.s32 $0x3F800, s5;
	s6 =	sand.u32 $0x1, s6;
	s30 =	smul.u32 $0x13100, s2  }
0x8: {  	s7 =	sshll.u32 s2, $0xA;
	s8 =	sshll.u32 s6, $0xE;
	s9 =	smul.u32 $0x131000, s6  }
.Ltmp0:
0x9: {  	s6 =	ssub.s32 $0x2, s6;
	s7 =	sor.u32 s7, s8;
	(pc) =	sbr.rel .LBB2_1-.Ltmp0, $4  }
0xa: {  	_ =	strace $0x8000004A;
	s31 =	sshrl.u32 s6, $0x1;
	s7 =	sadd.s32 s7, s5  }
0xb: {  	s9 =	sadd.s32 s9, s5;
	s10 =	ssub.s32 s6, s31;
	s5 =	sadd.s32 $0x56B800, s7  }
0xc: {  	s9 =	sadd.s32 s30, s9;
	s6 =	sadd.s32 $0x573800, s7;
	s7 =	smax.u32 s10, $0x1  }
0xd: {  	s10 =	simm.s32 $0x5;
	s8 =	sadd.s32 $0x57B800, s9;
	s9 =	sadd.s32 $0x7DD800, s9  }
.LBB2_7:
0xe: {  	_ =	swait.ge [sflag:s15], $0x2800  }
0xf: {  	[sflag:s15] =	ssyncset.done $0x0  }
0x10: {  	[sflag:s15] =	ssyncadd.s32 $0xFFFFD800  }
0x11: {  	_ =	swait.ge [sflag:s15], $0x2800  }
0x12: {  	[sflag:s15] =	ssyncset.done $0x0  }
0x13: {  	s17 =	sadd.s32 $0x1, s17;
	[sflag:s15] =	ssyncadd.s32 $0xFFFFD800  }
0x14: {  	p0 =	sne.s32 s17, s7;
	_ =	swait.ge [sflag:s16], $0x2800  }
.Ltmp1:
0x15: {  	[sflag:s16] =	ssyncset.done $0x0;
	(pc) =	sbr.rel @!p0 .LBB2_8-.Ltmp1, $4  }
0x16: {  	[sflag:s16] =	ssyncadd.s32 $0xFFFFD800  }
0x17: {  	_ =	swait.ge [sflag:s16], $0x2800  }
0x18: {  	[sflag:s16] =	ssyncset.done $0x0  }
0x19: {  	[sflag:s16] =	ssyncadd.s32 $0xFFFFD800  }
.LBB2_1:
0x1a: {  	[tilespmem:s1], [sflag:$0x5] =	stream.linear.gather [hbm4b:s5+s1], $0x1E80, $0x38;
	[tilespmem:$0xE000] =	vst v63  }
0x1b: {  	_ =	swait.ge [sflag:s10], $0x1E80  }
0x1c: {  	[sflag:s10] =	ssyncset.done $0x0  }
0x1d: {  	[sflag:s10] =	ssyncadd.s32 $0xFFFFE180  }
0x1e: {  	[tilespmem:s11], [sflag:$0x5] =	stream.linear.gather [hbm4b:s6+s1], $0x1E80, $0x38;
	[tilespmem:$0xE000] =	vst v63  }
0x1f: {  	_ =	swait.ge [sflag:s10], $0x1E80  }
.Ltmp2:
0x20: {  	[sflag:s10] =	ssyncset.done $0x0;
	(pc) =	sbr.rel .LBB2_2-.Ltmp2, $4  }
0x21: {  	s18 =	simm.s32 $0x80;
	s19 =	simm.s32 $0x2080;
	[sflag:s10] =	ssyncadd.s32 $0xFFFFE180  }
0x22: {  	[tilespmem:s13], [sflag:$0x1] =	stream.indirect.gather [hbm4b:s3+s12], $0x80, s1, s12, $0xb8;
	[tilespmem:$0xE000] =	vst v63  }
0x23: {  	s20 =	smov.u32 s9;
	s21 =	smov.u32 s8;
	s22 =	simm.s32 $0x0  }
0x24: {  	[tilespmem:s14], [sflag:$0x1] =	stream.indirect.gather [hbm4b:s4+s12], $0x80, s11, s12, $0xb8;
	[tilespmem:$0xE000] =	vst v63  }
.LBB2_5:
0x25: {  	s25 =	smul.u32 $0x2800, s24;
	_ =	sdelay $0x1  }
0x26: {  	s31 =	sadd.s32 $0x1, s24;
	s26 =	sor.u32 $0x4000, s25  }
0x27: {  	[tilespmem:s26], [sflag:s31] =	stream.indirect.gather [hbm4b:s3+s12], $0x80, s18, s12, $0xb8;
	[tilespmem:$0xE000] =	vst v63  }
0x28: {  	s25 =	sadd.s32 $0x9000, s25  }
0x29: {  	[tilespmem:s25], [sflag:s31] =	stream.indirect.gather [hbm4b:s4+s12], $0x80, s19, s12, $0xb8;
	[tilespmem:$0xE000] =	vst v63  }
.LBB2_6:
0x2a: {  	s24 =	sadd.s32 $0x1, s23  }
0x2b: {  	_ =	swait.ge [sflag:s24], $0x2800  }
0x2c: {  	[sflag:s24] =	ssyncset.done $0x0  }
0x2d: {  	[sflag:s24] =	ssyncadd.s32 $0xFFFFD800  }
0x2e: {  	s25 =	smul.u32 $0x2800, s23;
	s22 =	sadd.s32 $0x1, s22;
	_ =	swait.ge [sflag:s24], $0x2800  }
0x2f: {  	s29 =	sadd.s32 $0x3, s23;
	p0 =	sne.s32 s22, $0x3D;
	[sflag:s24] =	ssyncset.done $0x0  }
.Ltmp3:
0x30: {  	s30 =	sor.u32 $0x4000, s25;
	[sflag:s24] =	ssyncadd.s32 $0xFFFFD800;
	(pc) =	sbr.rel @!p0 .LBB2_7-.Ltmp3, $4  }
0x31: {  	[hbm4b:s21+s1] =	stream.linear.scatter [tilespmem:s30], [sflag:s29], $0x2800, $0x38;
	[tilespmem:$0xE000] =	vst v63  }
0x32: {  	s18 =	sadd.s32 $0x80, s18;
	s31 =	sadd.s32 $0x9000, s25  }
0x33: {  	[hbm4b:s20+s1] =	stream.linear.scatter [tilespmem:s31], [sflag:s29], $0x2800, $0x38;
	[tilespmem:$0xE000] =	vst v63  }
0x34: {  	s19 =	sadd.s32 $0x80, s19;
	s21 =	sadd.s32 $0x500, s21;
	s20 =	sadd.s32 $0x500, s20  }
.LBB2_2:
0x35: {  	p0 =	seq.s32 s22, $0x0  }
.Ltmp4:
0x36: {  	_ = 	snop;
	(pc) =	sbr.rel @p0 .LBB2_5-.Ltmp4, $3  }
0x37: {  	_ =	sdelay $0x1  }
0x38: {  	s23 =	sand.u32 $0x1, s22  }
0x39: {  	s24 =	sxor.u32 $0x1, s23  }
0x3a: {  	p0 =	seq.s32 s22, $0x3C  }
.Ltmp5:
0x3b: {  	_ = 	snop;
	(pc) =	sbr.rel @p0 .LBB2_6-.Ltmp5, $1  }
0x3c: {  	_ =	sdelay $0x3  }
0x3d: {  	s25 =	sadd.s32 $0x3, s24  }
0x3e: {  	_ =	swait.ge [sflag:s25], $0x2800  }
.Ltmp6:
0x3f: {  	[sflag:s25] =	ssyncset.done $0x0;
	(pc) =	sbr.rel .LBB2_5-.Ltmp6, $4  }
0x40: {  	[sflag:s25] =	ssyncadd.s32 $0xFFFFD800  }
0x41: {  	_ =	swait.ge [sflag:s25], $0x2800  }
0x42: {  	[sflag:s25] =	ssyncset.done $0x0  }
0x43: {  	[sflag:s25] =	ssyncadd.s32 $0xFFFFD800  }
.LBB2_8:
0x44: {  	_ =	sfence.sel $0x180000  }
0x45: {  	[bflag:$0x0] =	sbarrier.arrive $0xFFFF  }
0x46: {  	p0 =	sne.s32 s2, $0x0;
	_ =	strace $0x9000004A  }
0x47: {  	s0 =	sadd.s32 @!p0 $0x100000, s0;
	[bflag:$0x2] =	sbarrier.arrive $0xFFFF  }
0x48: {  	[sflag:s0] =	ssyncadd.tile.s32 @!p0 $0x1;
	_ =	shalt  }
.Lfunc_end2:
_tile_overlayer_lowered:
.L_overlay_start_2:
0x49: {  	(tag) =	ssettag $0x2  }
0x4a: {  	s0 =	rddreg [dreg:$0x0];
	s2 =	stileid.u32  }
0x4b: {  	s1 =	rddreg [dreg:$0x1];
	p0 =	sne.s32 s2, $0x0  }
0x4c: {  	s3 =	rddreg [dreg:$0x2];
	[bflag:$0x3] =	sbarrier.arrive $0xFFFF;
	s2 =	simm.s32 @!p0 $0x1C05  }
0x4d: {  	[timem:s3], [sflag:s2] =	dma.local @!p0 [hbm:s0], s1  }
0x4e: {  	s0 =	simm.s32 @!p0 $0x5  }
0x4f: {  	_ =	swait.ge @!p0 [sflag:s0], s1  }
0x50: {  	s1 =	ssub.s32 @!p0 $0x0, s1;
	[sflag:s0] =	ssyncset.done @!p0 $0x0  }
0x51: {  	[sflag:s0] =	ssyncadd.s32 @!p0 s1  }
0x52: {  	[bflag:$0x3] =	sbarrier.arrive $0xFFFF  }
0x53: {  	_ =	shalt  }

// kernel: kernel.15.cloned.1.call-start
scs
__scs_entry_jumppad:
0x0: {  	(pc) =	sbr.rel $0x88, $3  }
0x1: {  	(tag) =	ssettag $0x0;
	lr =	simm.s32 $0x1  }
0x2: {  	[smem:$0x3F93] =	sst lr;
	_ =	strace $0xD0000000  }
0x3: {  	_ = 	snop  }
0x4: {  	_ = 	snop  }
0x5: {  	_ = 	snop  }
0x6: {  	_ = 	snop  }
0x7: {  	_ = 	snop  }
__scs_overlays_trampoline_lowered:
0x8: {  	[smem:$0x3FA2] =	sst s0  }
0x9: {  	[smem:$0x3FA3] =	sst s1  }
0xa: {  	[smem:$0x3FA4] =	sst s2  }
0xb: {  	[smem:$0x3FA5] =	sst s3  }
0xc: {  	[smem:$0x3FA6] =	sst s4  }
0xd: {  	[smem:$0x3FA7] =	sst s5  }
0xe: {  	[smem:$0x3FA8] =	sst s6  }
0xf: {  	[smem:$0x3FA9] =	sst s7  }
0x10: {  	[smem:$0x3FAA] =	sst s8  }
0x11: {  	[smem:$0x3FAB] =	sst s9;
	s0 =	simm.s32 @!p0 $0x0  }
0x12: {  	s1 =	sld [smem:$0x3F91];
	s0 =	simm.s32 @p0 $0x1  }
0x13: {  	[smem:$0x3FAC] =	sst s0;
	s0 =	simm.s32 @!p1 $0x0  }
0x14: {  	s2 =	sld [smem:$0x3F90];
	s0 =	simm.s32 @p1 $0x1  }
0x15: {  	[smem:$0x3FAD] =	sst s0;
	s0 =	simm.s32 @!p2 $0x0  }
0x16: {  	s3 =	sld [smem:$0x3FDB];
	s0 =	simm.s32 @p2 $0x1  }
0x17: {  	s4 =	simm.s32 $0x1BF5;
	[smem:$0x3FAF] =	sst s0  }
0x18: {  	s0 =	sld [smem:$0x3F92];
	_ =	swait.ge [sflag:s4], $0x0  }
0x19: {  	s7 =	sld [smem:$0x3F93]  }
0x1a: {  	s8 =	sadd.s32 $0xFFFFE003, lr  }
0x1b: {  	s9 =	sadd.s32 $0xFFFFFEF7, lr;
	s5 =	simm.s32 $0xFFFFFFFF;
	p2 =	slt.u32 s8, $0xFFFFF086  }
0x1c: {  	p1 =	slt.u32 s9, $0xF7A;
	s5 =	simm.s32 @!p2 $0x0  }
0x1d: {  	s5 =	simm.s32 @p1 $0x1;
	p0 =	seq.s32 s7, s2  }
0x1e: {  	s7 =	smul.u32 @!p0 $0xF7A, s2;
	p2 =	seq.s32 @!p0 s5, $0x0  }
0x1f: {  	s9 =	smul.u32 $0xF7A, s1;
	s8 =	simm.s32 @!p0 $0x1BF5;
	p2 =	por !p2, p0  }
0x20: {  	[sflag:s8] =	ssyncset.s32 @!p0 $0xFFFFF086;
	s6 =	sadd.s32 @!p0 s3, s7;
	s7 =	simm.s32 @!p0 $0x108  }
0x21: {  	s3 =	sadd.s32 s3, s9;
	s6 =	sadd.s32 @!p0 $0x88, s6;
	s7 =	simm.s32 @p2 $0x1082  }
0x22: {  	[simem:s7], [sflag:s8] =	dma.local @!p0 [hbm:s6], $0xF7A  }
0x23: {  	s9 =	sor.u32 $0xD0000000, s2;
	s6 =	simm.s32 $0x108;
	_ =	swait.ge @!p0 [sflag:s8], $0x0  }
0x24: {  	s3 =	sadd.s32 $0x88, s3;
	s6 =	simm.s32 @!p1 $0x1082;
	[sflag:s4] =	ssyncset.s32 $0xFFFFF086  }
0x25: {  	[simem:s6], [sflag:s4] =	dma.local [hbm:s3], $0xF7A  }
0x26: {  	[smem:$0x3F93] =	sst s1;
	(tag) =	ssettag s2;
	_ =	strace s9  }
0x27: {  	s1 =	sld [smem:$0x3FA3]  }
0x28: {  	s2 =	sld [smem:$0x3FA4]  }
0x29: {  	s4 =	sld [smem:$0x3FA6]  }
0x2a: {  	p0 =	seq.s32 s5, $0x0;
	s5 =	sld [smem:$0x3FA7]  }
0x2b: {  	s6 =	sld [smem:$0x3FA8]  }
0x2c: {  	s7 =	sld [smem:$0x3FA9]  }
0x2d: {  	s3 =	simm.s32 $0x108;
	s8 =	sld [smem:$0x3FAA]  }
0x2e: {  	s3 =	simm.s32 @!p0 $0x1082;
	s9 =	sld [smem:$0x3FAB]  }
0x2f: {  	lr =	sadd.s32 s0, s3;
	s0 =	sld [smem:$0x3FA2]  }
0x30: {  	s3 =	sld [smem:$0x3FA5]  }
0x31: {  	[smem:$0x3FAE] =	sst s10  }
0x32: {  	s10 =	sld [smem:$0x3FAC];
	_ =	sdelay $0x3  }
0x33: {  	p0 =	seq.s32 s10, $0x1;
	s10 =	sld [smem:$0x3FAE];
	_ =	sdelay $0x3  }
0x34: {  	[smem:$0x3FAE] =	sst s10  }
0x35: {  	s10 =	sld [smem:$0x3FAD];
	_ =	sdelay $0x3  }
0x36: {  	p1 =	seq.s32 s10, $0x1;
	s10 =	sld [smem:$0x3FAE];
	_ =	sdelay $0x3  }
0x37: {  	[smem:$0x3FAE] =	sst s10  }
0x38: {  	s10 =	sld [smem:$0x3FAF]  }
0x39: {  	_ = 	snop;
	(pc) =	sbr.ind lr, $3  }
0x3a: {  	_ = 	snop  }
0x3b: {  	_ = 	snop  }
0x3c: {  	p2 =	seq.s32 s10, $0x1;
	s10 =	sld [smem:$0x3FAE]  }
0x3d: {  	_ =	shalt  }
0x3e: {  	_ =	shalt  }
0x3f: {  	_ =	shalt  }
0x40: {  	_ =	shalt  }
0x41: {  	_ =	shalt  }
0x42: {  	_ =	shalt  }
0x43: {  	_ =	shalt  }
0x44: {  	_ =	shalt  }
0x45: {  	_ =	shalt  }
0x46: {  	_ =	shalt  }
0x47: {  	_ =	shalt  }
0x48: {  	_ =	shalt  }
0x49: {  	_ =	shalt  }
0x4a: {  	_ =	shalt  }
0x4b: {  	_ =	shalt  }
0x4c: {  	_ =	shalt  }
0x4d: {  	_ =	shalt  }
0x4e: {  	_ =	shalt  }
0x4f: {  	_ =	shalt  }
0x50: {  	_ =	shalt  }
0x51: {  	_ =	shalt  }
0x52: {  	_ =	shalt  }
0x53: {  	_ =	shalt  }
0x54: {  	_ =	shalt  }
0x55: {  	_ =	shalt  }
0x56: {  	_ =	shalt  }
0x57: {  	_ =	shalt  }
0x58: {  	_ =	shalt  }
0x59: {  	_ =	shalt  }
0x5a: {  	_ =	shalt  }
0x5b: {  	_ =	shalt  }
0x5c: {  	_ =	shalt  }
0x5d: {  	_ =	shalt  }
0x5e: {  	_ =	shalt  }
0x5f: {  	_ =	shalt  }
0x60: {  	_ =	shalt  }
0x61: {  	_ =	shalt  }
0x62: {  	_ =	shalt  }
0x63: {  	_ =	shalt  }
0x64: {  	_ =	shalt  }
0x65: {  	_ =	shalt  }
0x66: {  	_ =	shalt  }
0x67: {  	_ =	shalt  }
0x68: {  	_ =	shalt  }
0x69: {  	_ =	shalt  }
0x6a: {  	_ =	shalt  }
0x6b: {  	_ =	shalt  }
0x6c: {  	_ =	shalt  }
0x6d: {  	_ =	shalt  }
0x6e: {  	_ =	shalt  }
0x6f: {  	_ =	shalt  }
0x70: {  	_ =	shalt  }
0x71: {  	_ =	shalt  }
0x72: {  	_ =	shalt  }
0x73: {  	_ =	shalt  }
0x74: {  	_ =	shalt  }
0x75: {  	_ =	shalt  }
0x76: {  	_ =	shalt  }
0x77: {  	_ =	shalt  }
0x78: {  	_ =	shalt  }
0x79: {  	_ =	shalt  }
0x7a: {  	_ =	shalt  }
0x7b: {  	_ =	shalt  }
0x7c: {  	_ =	shalt  }
0x7d: {  	_ =	shalt  }
0x7e: {  	_ =	shalt  }
0x7f: {  	_ =	shalt  }
0x80: {  	_ =	shalt  }
0x81: {  	_ =	shalt  }
0x82: {  	_ =	shalt  }
0x83: {  	_ =	shalt  }
0x84: {  	_ =	shalt  }
0x85: {  	_ =	shalt  }
0x86: {  	_ =	shalt  }
0x87: {  	_ =	shalt  }
.Lfunc_end0:
.L_simem_size_0:
called_computation.2_lowered:
.L_overlay_start_0:
0x88: {  	s2 =	sld [smem:$0x3FD9]  }
0x89: {  	s3 =	sld [smem:$0x3FFE];
	_ =	sdelay $0x1  }
0x8a: {  	s1 =	srdreg.scid  }
0x8b: {  	s0 =	sand.u32 $0x1, s1  }
0x8c: {  	s16 =	sshll.u32 s0, $0xA;
	s2 =	sadd.s32 s3, s2  }
0x8d: {  	s2 =	sadd.s32 s2, s16  }
0x8e: {  	[smem:$0x3FBA] =	sst s2  }
0x8f: {  	_ = 	snop  }
0x90: {  	(tm) =	ssettm $0x1  }
0x91: {  	s17 =	sld [smem:$0x3FFB];
	_ =	sdelay $0x3  }
0x92: {  	_ =	strace s17  }
0x93: {  	s2 =	sld [smem:$0x3FFC];
	_ =	sdelay $0x3  }
0x94: {  	_ =	strace s2  }
0x95: {  	s2 =	sld [smem:$0x3FFD];
	_ =	sdelay $0x3  }
0x96: {  	_ =	strace s2  }
0x97: {  	_ =	strace $0x8FFFFFFF  }
0x98: {  	s18 =	sld [smem:$0x3FDB];
	_ =	sdelay $0x1  }
0x99: {  	s19 =	simm.s32 $_scs_section_size  }
0x9a: {  	s4 =	simm.s32 $_size__tile_overlayer_lowered;
	s5 =	simm.s32 $_tile_overlayer_lowered  }
0x9b: {  	s22 =	simm.s32 $0x1BFF;
	s21 =	sshll.u32 s5, $0x1;
	s2 =	sadd.s32 s19, s18  }
0x9c: {  	s6 =	simm.s32 $0x0;
	s20 =	sshll.u32 s4, $0x1;
	s4 =	sadd.s32 s21, s2  }
0x9d: {  	[timem:s6], [sflag:s22] =	dma.local [hbm:s4], s20  }
0x9e: {  	_ =	swait.ge [sflag:s22], s20  }
0x9f: {  	s3 =	ssub.s32 $0x0, s20;
	[sflag:s22] =	ssyncset.done $0x0  }
0xa0: {  	[sflag:s22] =	ssyncadd.s32 s3;
	_ =	sdelay $0x1  }
0xa1: {  	s23 =	simm.s32 $0x1B8B  }
0xa2: {  	_ =	swait.ge [sflag:s23], $0x1  }
0xa3: {  	[sflag:s23] =	ssyncset.done $0x0  }
0xa4: {  	s25 =	simm.s32 $0x1B8E;
	s24 =	sld [smem:$0x3FFE];
	[sflag:s23] =	ssyncadd.s32 $0xFFFFFFFF  }
0xa5: {  	s26 =	simm.s32 $execute0_lowered;
	[smem:$0x3FD2] =	sst s25  }
0xa6: {  	s4 =	sshll.u32 s26, $0x1;
	_ =	strace $0x8000004C;
	[dreg:$0x1] =	wrdreg $0xFFFFFFFF  }
0xa7: {  	s28 =	simm.s32 $_size_execute0_lowered;
	s2 =	sadd.s32 s2, s4;
	[dreg:$0x0] =	wrdreg $0x0  }
0xa8: {  	s4 =	sshll.u32 s28, $0x1;
	[dreg:$0x2] =	wrdreg s2  }
0xa9: {  	[dreg:$0x3] =	wrdreg s4  }
0xaa: {  	[dreg:$0x4] =	wrdreg $0xC0  }
0xab: {  	_ =	task [dreg:s6], $0x5FFFF  }
0xac: {  	[dreg:$0x1] =	wrdreg $0xFFFFFFFF  }
0xad: {  	[dreg:$0x0] =	wrdreg $0x60  }
0xae: {  	[dreg:$0x2] =	wrdreg s24  }
0xaf: {  	[dreg:$0x3] =	wrdreg $0x9  }
0xb0: {  	_ =	task.clear_ibuf [dreg:s6], $0x4FFFF;
	_ =	strace $0x9000004C  }
0xb1: {  	s29 =	simm.s32 $0x9;
	_ =	strace $0x8000004E  }
0xb2: {  	_ =	swait.ge [sflag:s29], $0x1  }
0xb3: {  	[sflag:s29] =	ssyncadd.s32 $0xFFFFFFFF  }
0xb4: {  	_ =	strace $0x9000004E  }
0xb5: {  	_ =	sfence  }
0xb6: {  	s30 =	sld [smem:$0x0];
	_ =	sdelay $0x2  }
0xb7: {  	s31 =	sshll.u32 s1, $0xD;
	s1 =	sshrl.u32 s1, $0x2  }
0xb8: {  	s3 =	sand.u32 $0x4000, s31;
	s1 =	sadd.s32 s1, s30  }
0xb9: {  	s0 =	sor.u32 s3, s0;
	s1 =	sshll.u32 s1, $0x11  }
0xba: {  	s0 =	sor.u32 s1, s0  }
0xbb: {  	s0 =	sadd.s32 $0x8F2B, s0  }
0xbc: {  	[sflag:s0] =	ssyncadd.remote.s32 $0x1  }
0xbd: {  	_ =	sfence.sel $0xFFFF  }
0xbe: {  	[dreg:$0x0] =	wrdreg $0xFFFFFFFF;
	(pc) =	sbr.abs _section_cstart, $3  }
0xbf: {  	[dreg:$0x1] =	wrdreg $0xFFFFFFFF  }
0xc0: {  	_ =	task.clear_ibuf [dreg:s6], $0x2FFFF;
	_ =	strace $0x9FFFFFFF  }
0xc1: {  	(tm) =	ssettm $0x7FFFFFFF  }
tec
execute0_lowered:
.L_overlay_start_1:
0x0: {  	(tag) =	ssettag $0x1  }
0x1: {  	s0 =	srdreg.scid;
	s9 =	rddreg [dreg:$0x0]  }
0x2: {  	s2 =	simm.s32 $0x0;
	s10 =	simm.s32 $0xF21800;
	s11 =	simm.s32 $0x1  }
0x3: {  	s12 =	simm.s32 $0x1400;
	s13 =	simm.s32 $0x28000;
	s14 =	simm.s32 $0x2710  }
0x4: {  	s15 =	simm.s32 $0x1310;
	s16 =	simm.s32 $0x26200;
	s3 =	sand.u32 $0x1, s0  }
0x5: {  	s17 =	simm.s32 $0x6310;
	s0 =	stileid.u32;
	s1 =	sshll.u32 s3, $0x4  }
0x6: {  	s18 =	simm.s32 $0x0;
	[smem:$0x7FF] =	sst s2;
	s4 =	sor.u32 s0, s1  }
0x7: {  	s3 =	ssub.s32 $0x2, s3;
	s1 =	rddreg [dreg:$0x1];
	s5 =	smul.u32 $0x280, s4  }
0x8: {  	_ =	strace $0x8000004D;
	s8 =	sshrl.u32 s3, $0x1;
	s6 =	smul.u32 $0x262, s4  }
0x9: {  	s7 =	smul.u32 $0x2710, s4;
	s8 =	ssub.s32 s3, s8;
	p0 =	seq.s32 s4, $0x0  }
0xa: {  	s10 =	simm.s32 @!p0 $0x25C00;
	s8 =	smax.u32 s8, $0x1;
	s5 =	sadd.s32 s5, s9  }
0xb: {  	s6 =	sadd.s32 s6, s9;
	s7 =	sadd.s32 s7, s9;
	s9 =	sadd.s32 s10, s9  }
0xc: {  	s10 =	simm.s32 $0x9C40;
	s3 =	sadd.s32 $0x3600, s5;
	s4 =	sadd.s32 $0x8600, s5  }
0xd: {  	s5 =	sadd.s32 $0x566A00, s6;
	s6 =	sadd.s32 $0x17600, s6;
	s7 =	sadd.s32 $0x28400, s7  }
.LBB2_1:
0xe: {  	[tilespmem:s10], [sflag:$0x1] =	stream.linear.gather [hbm4b:s9+s2], $0x13880, $0x38;
	[tilespmem:$0x1D4C0] =	vst v63  }
0xf: {  	_ =	swait.ge [sflag:s11], $0x13880  }
0x10: {  	[sflag:s11] =	ssyncset.done $0x0  }
0x11: {  	[sflag:s11] =	ssyncadd.s32 $0xFFFEC780  }
0x12: {  	[tilespmem:s2], [sflag:$0x1] =	stream.linear.gather [hbm4b:s3+s2], $0x1400, $0x38;
	[tilespmem:$0x1D4C0] =	vst v63  }
0x13: {  	_ =	swait.ge [sflag:s11], $0x1400  }
0x14: {  	[sflag:s11] =	ssyncset.done $0x0  }
0x15: {  	[sflag:s11] =	ssyncadd.s32 $0xFFFFEC00  }
0x16: {  	[tilespmem:s14], [sflag:$0x1] =	stream.strided.gather [hbm4b:s4+s12], $0x3C00, s13, s12, $0x38;
	[tilespmem:$0x1D4C0] =	vst v63  }
0x17: {  	_ =	swait.ge [sflag:s11], $0x3C00  }
0x18: {  	[sflag:s11] =	ssyncset.done $0x0  }
0x19: {  	s19 =	simm.s32 $0x0;
	[sflag:s11] =	ssyncadd.s32 $0xFFFFC400  }
.LBB2_2:
0x1a: {  	s20 =	sshra.s32 s19, $0x2  }
0x1b: {  	v0 =	vld [tilespmem:s20+$0x0];
	_ =	sdelay $0x4  }
0x1c: {  	v1 =	vld [tilespmem:s20+$0x2710];
	v0 =	vshll.u32 v0, $0x3;
	_ =	sdelay $0x4  }
0x1d: {  	[tilespmem:v0+s10+$0x0] =	vst.idx.add.f32.msk $0xffff, v1  }
0x1e: {  	v2 =	vor.u32 $0x1, v0;
	v1 =	vld [tilespmem:s20+$0x3B10];
	_ =	sdelay $0x4  }
0x1f: {  	[tilespmem:v2+s10+$0x0] =	vst.idx.add.f32.msk $0xffff, v1  }
0x20: {  	v0 =	vor.u32 $0x2, v0;
	v1 =	vld [tilespmem:s20+$0x4F10];
	_ =	sdelay $0x4  }
0x21: {  	[tilespmem:v0+s10+$0x0] =	vst.idx.add.f32.msk $0xffff, v1  }
0x22: {  	v0 =	vld [tilespmem:s20+$0x10];
	_ =	sdelay $0x4  }
0x23: {  	v1 =	vld [tilespmem:s20+$0x2720];
	v0 =	vshll.u32 v0, $0x3;
	_ =	sdelay $0x4  }
0x24: {  	[tilespmem:v0+s10+$0x0] =	vst.idx.add.f32.msk $0xffff, v1  }
0x25: {  	v60 =	vor.u32 $0x1, v0;
	v1 =	vld [tilespmem:s20+$0x3B20];
	_ =	sdelay $0x4  }
0x26: {  	[tilespmem:v60+s10+$0x0] =	vst.idx.add.f32.msk $0xffff, v1  }
0x27: {  	v0 =	vor.u32 $0x2, v0;
	v1 =	vld [tilespmem:s20+$0x4F20];
	_ =	sdelay $0x4  }
0x28: {  	[tilespmem:v0+s10+$0x0] =	vst.idx.add.f32.msk $0xffff, v1  }
0x29: {  	v0 =	vld [tilespmem:s20+$0x20];
	_ =	sdelay $0x4  }
0x2a: {  	v1 =	vld [tilespmem:s20+$0x2730];
	v0 =	vshll.u32 v0, $0x3;
	_ =	sdelay $0x4  }
0x2b: {  	[tilespmem:v0+s10+$0x0] =	vst.idx.add.f32.msk $0xffff, v1  }
0x2c: {  	v61 =	vor.u32 $0x1, v0;
	v1 =	vld [tilespmem:s20+$0x3B30];
	_ =	sdelay $0x4  }
0x2d: {  	[tilespmem:v61+s10+$0x0] =	vst.idx.add.f32.msk $0xffff, v1  }
0x2e: {  	v0 =	vor.u32 $0x2, v0;
	v1 =	vld [tilespmem:s20+$0x4F30];
	_ =	sdelay $0x4  }
0x2f: {  	[tilespmem:v0+s10+$0x0] =	vst.idx.add.f32.msk $0xffff, v1  }
0x30: {  	v0 =	vld [tilespmem:s20+$0x30];
	_ =	sdelay $0x4  }
0x31: {  	v1 =	vld [tilespmem:s20+$0x2740];
	v0 =	vshll.u32 v0, $0x3;
	_ =	sdelay $0x4  }
0x32: {  	[tilespmem:v0+s10+$0x0] =	vst.idx.add.f32.msk $0xffff, v1  }
0x33: {  	v62 =	vor.u32 $0x1, v0;
	v1 =	vld [tilespmem:s20+$0x3B40];
	_ =	sdelay $0x4  }
0x34: {  	[tilespmem:v62+s10+$0x0] =	vst.idx.add.f32.msk $0xffff, v1  }
0x35: {  	v0 =	vor.u32 $0x2, v0;
	v1 =	vld [tilespmem:s20+$0x4F40];
	_ =	sdelay $0x4  }
0x36: {  	[tilespmem:v0+s10+$0x0] =	vst.idx.add.f32.msk $0xffff, v1  }
0x37: {  	v0 =	vld [tilespmem:s20+$0x40];
	_ =	sdelay $0x4  }
0x38: {  	v1 =	vld [tilespmem:s20+$0x2750];
	v0 =	vshll.u32 v0, $0x3;
	_ =	sdelay $0x4  }
0x39: {  	[tilespmem:v0+s10+$0x0] =	vst.idx.add.f32.msk $0xffff, v1  }
0x3a: {  	v63 =	vor.u32 $0x1, v0;
	v1 =	vld [tilespmem:s20+$0x3B50];
	_ =	sdelay $0x4  }
0x3b: {  	[tilespmem:v63+s10+$0x0] =	vst.idx.add.f32.msk $0xffff, v1  }
0x3c: {  	p0 =	sne.s32 s19, $0x4EC0;
	v0 =	vor.u32 $0x2, v0;
	v1 =	vld [tilespmem:s20+$0x4F50]  }
.Ltmp0:
0x3d: {  	_ = 	snop;
	(pc) =	sbr.rel @p0 .LBB2_2-.Ltmp0, $2  }
0x3e: {  	_ =	sdelay $0x2  }
0x3f: {  	s19 =	sadd.s32 $0x140, s19;
	[tilespmem:v0+s10+$0x0] =	vst.idx.add.f32.msk $0xffff, v1  }
0x40: {  	s19 =	simm.s32 $0x0  }
0x41: {  	[tilespmem:s12], [sflag:$0x1] =	stream.linear.gather [hbm4b:s5+s19], $0x1310, $0x38;
	[tilespmem:$0x1D4C0] =	vst v63  }
0x42: {  	_ =	swait.ge [sflag:s11], $0x1310  }
0x43: {  	[sflag:s11] =	ssyncset.done $0x0  }
0x44: {  	[sflag:s11] =	ssyncadd.s32 $0xFFFFECF0  }
0x45: {  	[tilespmem:s17], [sflag:$0x1] =	stream.strided.gather [hbm4b:s6+s15], $0x3930, s16, s15, $0x38;
	[tilespmem:$0x1D4C0] =	vst v63  }
0x46: {  	_ =	swait.ge [sflag:s11], $0x3930  }
0x47: {  	[sflag:s11] =	ssyncset.done $0x0  }
0x48: {  	[sflag:s11] =	ssyncadd.s32 $0xFFFFC6D0  }
.LBB2_4:
0x49: {  	s20 =	sshra.s32 s19, $0x2  }
0x4a: {  	v0 =	vld [tilespmem:s20+$0x1400];
	_ =	sdelay $0x4  }
0x4b: {  	v1 =	vld [tilespmem:s20+$0x6310];
	v0 =	vshll.u32 v0, $0x3;
	_ =	sdelay $0x4  }
0x4c: {  	[tilespmem:v0+s10+$0x0] =	vst.idx.add.f32.msk $0xffff, v1  }
0x4d: {  	v2 =	vor.u32 $0x1, v0;
	v1 =	vld [tilespmem:s20+$0x7620];
	_ =	sdelay $0x4  }
0x4e: {  	[tilespmem:v2+s10+$0x0] =	vst.idx.add.f32.msk $0xffff, v1  }
0x4f: {  	v0 =	vor.u32 $0x2, v0;
	v1 =	vld [tilespmem:s20+$0x8930];
	_ =	sdelay $0x4  }
0x50: {  	[tilespmem:v0+s10+$0x0] =	vst.idx.add.f32.msk $0xffff, v1  }
0x51: {  	v0 =	vld [tilespmem:s20+$0x1410];
	_ =	sdelay $0x4  }
0x52: {  	v1 =	vld [tilespmem:s20+$0x6320];
	v0 =	vshll.u32 v0, $0x3;
	_ =	sdelay $0x4  }
0x53: {  	[tilespmem:v0+s10+$0x0] =	vst.idx.add.f32.msk $0xffff, v1  }
0x54: {  	v60 =	vor.u32 $0x1, v0;
	v1 =	vld [tilespmem:s20+$0x7630];
	_ =	sdelay $0x4  }
0x55: {  	[tilespmem:v60+s10+$0x0] =	vst.idx.add.f32.msk $0xffff, v1  }
0x56: {  	v0 =	vor.u32 $0x2, v0;
	v1 =	vld [tilespmem:s20+$0x8940];
	_ =	sdelay $0x4  }
0x57: {  	[tilespmem:v0+s10+$0x0] =	vst.idx.add.f32.msk $0xffff, v1  }
0x58: {  	v0 =	vld [tilespmem:s20+$0x1420];
	_ =	sdelay $0x4  }
0x59: {  	v1 =	vld [tilespmem:s20+$0x6330];
	v0 =	vshll.u32 v0, $0x3;
	_ =	sdelay $0x4  }
0x5a: {  	[tilespmem:v0+s10+$0x0] =	vst.idx.add.f32.msk $0xffff, v1  }
0x5b: {  	v61 =	vor.u32 $0x1, v0;
	v1 =	vld [tilespmem:s20+$0x7640];
	_ =	sdelay $0x4  }
0x5c: {  	[tilespmem:v61+s10+$0x0] =	vst.idx.add.f32.msk $0xffff, v1  }
0x5d: {  	v0 =	vor.u32 $0x2, v0;
	v1 =	vld [tilespmem:s20+$0x8950];
	_ =	sdelay $0x4  }
0x5e: {  	[tilespmem:v0+s10+$0x0] =	vst.idx.add.f32.msk $0xffff, v1  }
0x5f: {  	v0 =	vld [tilespmem:s20+$0x1430];
	_ =	sdelay $0x4  }
0x60: {  	v1 =	vld [tilespmem:s20+$0x6340];
	v0 =	vshll.u32 v0, $0x3;
	_ =	sdelay $0x4  }
0x61: {  	[tilespmem:v0+s10+$0x0] =	vst.idx.add.f32.msk $0xffff, v1  }
0x62: {  	v62 =	vor.u32 $0x1, v0;
	v1 =	vld [tilespmem:s20+$0x7650];
	_ =	sdelay $0x4  }
0x63: {  	[tilespmem:v62+s10+$0x0] =	vst.idx.add.f32.msk $0xffff, v1  }
0x64: {  	v0 =	vor.u32 $0x2, v0;
	v1 =	vld [tilespmem:s20+$0x8960];
	_ =	sdelay $0x4  }
0x65: {  	[tilespmem:v0+s10+$0x0] =	vst.idx.add.f32.msk $0xffff, v1  }
0x66: {  	v0 =	vld [tilespmem:s20+$0x1440];
	_ =	sdelay $0x4  }
0x67: {  	v1 =	vld [tilespmem:s20+$0x6350];
	v0 =	vshll.u32 v0, $0x3;
	_ =	sdelay $0x4  }
0x68: {  	[tilespmem:v0+s10+$0x0] =	vst.idx.add.f32.msk $0xffff, v1  }
0x69: {  	v63 =	vor.u32 $0x1, v0;
	v1 =	vld [tilespmem:s20+$0x7660];
	_ =	sdelay $0x4  }
0x6a: {  	[tilespmem:v63+s10+$0x0] =	vst.idx.add.f32.msk $0xffff, v1  }
0x6b: {  	p0 =	sne.s32 s19, $0x4B00;
	v0 =	vor.u32 $0x2, v0;
	v1 =	vld [tilespmem:s20+$0x8970]  }
.Ltmp1:
0x6c: {  	_ = 	snop;
	(pc) =	sbr.rel @p0 .LBB2_4-.Ltmp1, $2  }
0x6d: {  	_ =	sdelay $0x2  }
0x6e: {  	s19 =	sadd.s32 $0x140, s19;
	[tilespmem:v0+s10+$0x0] =	vst.idx.add.f32.msk $0xffff, v1  }
0x6f: {  	s18 =	sadd.s32 $0x1, s18  }
0x70: {  	p0 =	sne.s32 s18, s8  }
.Ltmp2:
0x71: {  	_ = 	snop;
	(pc) =	sbr.rel @p0 .LBB2_1-.Ltmp2, $4  }
0x72: {  	[hbm4b:s7+s2] =	stream.linear.scatter [tilespmem:s10], [sflag:$0x1], $0x13880, $0x38;
	[tilespmem:$0x1D4C0] =	vst v63  }
0x73: {  	_ =	swait.ge [sflag:s11], $0x13880  }
0x74: {  	[sflag:s11] =	ssyncset.done $0x0  }
0x75: {  	[sflag:s11] =	ssyncadd.s32 $0xFFFEC780  }
0x76: {  	_ =	sfence.sel $0x180000  }
0x77: {  	[bflag:$0x0] =	sbarrier.arrive $0xFFFF  }
0x78: {  	p0 =	sne.s32 s0, $0x0;
	_ =	strace $0x9000004D  }
0x79: {  	s0 =	sadd.s32 @!p0 $0x100000, s1;
	[bflag:$0x2] =	sbarrier.arrive $0xFFFF  }
0x7a: {  	[sflag:s0] =	ssyncadd.tile.s32 @!p0 $0x1;
	_ =	shalt  }
.Lfunc_end2:
_tile_overlayer_lowered:
.L_overlay_start_2:
0x7b: {  	(tag) =	ssettag $0x2  }
0x7c: {  	s0 =	rddreg [dreg:$0x0];
	s2 =	stileid.u32  }
0x7d: {  	s1 =	rddreg [dreg:$0x1];
	p0 =	sne.s32 s2, $0x0  }
0x7e: {  	s3 =	rddreg [dreg:$0x2];
	[bflag:$0x3] =	sbarrier.arrive $0xFFFF;
	s2 =	simm.s32 @!p0 $0x1C01  }
0x7f: {  	[timem:s3], [sflag:s2] =	dma.local @!p0 [hbm:s0], s1  }
0x80: {  	s0 =	simm.s32 @!p0 $0x1  }
0x81: {  	_ =	swait.ge @!p0 [sflag:s0], s1  }
0x82: {  	s1 =	ssub.s32 @!p0 $0x0, s1;
	[sflag:s0] =	ssyncset.done @!p0 $0x0  }
0x83: {  	[sflag:s0] =	ssyncadd.s32 @!p0 s1  }
0x84: {  	[bflag:$0x3] =	sbarrier.arrive $0xFFFF  }
0x85: {  	_ =	shalt  }

// kernel: kernel.9.cloned.1.call-start
scs
__scs_entry_jumppad:
0x0: {  	(pc) =	sbr.rel $0x88, $3  }
0x1: {  	(tag) =	ssettag $0x0;
	lr =	simm.s32 $0x1  }
0x2: {  	[smem:$0x3F93] =	sst lr;
	_ =	strace $0xD0000000  }
0x3: {  	_ = 	snop  }
0x4: {  	_ = 	snop  }
0x5: {  	_ = 	snop  }
0x6: {  	_ = 	snop  }
0x7: {  	_ = 	snop  }
__scs_overlays_trampoline_lowered:
0x8: {  	[smem:$0x3FA2] =	sst s0  }
0x9: {  	[smem:$0x3FA3] =	sst s1  }
0xa: {  	[smem:$0x3FA4] =	sst s2  }
0xb: {  	[smem:$0x3FA5] =	sst s3  }
0xc: {  	[smem:$0x3FA6] =	sst s4  }
0xd: {  	[smem:$0x3FA7] =	sst s5  }
0xe: {  	[smem:$0x3FA8] =	sst s6  }
0xf: {  	[smem:$0x3FA9] =	sst s7  }
0x10: {  	[smem:$0x3FAA] =	sst s8  }
0x11: {  	[smem:$0x3FAB] =	sst s9;
	s0 =	simm.s32 @!p0 $0x0  }
0x12: {  	s1 =	sld [smem:$0x3F91];
	s0 =	simm.s32 @p0 $0x1  }
0x13: {  	[smem:$0x3FAC] =	sst s0;
	s0 =	simm.s32 @!p1 $0x0  }
0x14: {  	s2 =	sld [smem:$0x3F90];
	s0 =	simm.s32 @p1 $0x1  }
0x15: {  	[smem:$0x3FAD] =	sst s0;
	s0 =	simm.s32 @!p2 $0x0  }
0x16: {  	s3 =	sld [smem:$0x3FDB];
	s0 =	simm.s32 @p2 $0x1  }
0x17: {  	s4 =	simm.s32 $0x1BF5;
	[smem:$0x3FAF] =	sst s0  }
0x18: {  	s0 =	sld [smem:$0x3F92];
	_ =	swait.ge [sflag:s4], $0x0  }
0x19: {  	s7 =	sld [smem:$0x3F93]  }
0x1a: {  	s8 =	sadd.s32 $0xFFFFE003, lr  }
0x1b: {  	s9 =	sadd.s32 $0xFFFFFEF7, lr;
	s5 =	simm.s32 $0xFFFFFFFF;
	p2 =	slt.u32 s8, $0xFFFFF086  }
0x1c: {  	p1 =	slt.u32 s9, $0xF7A;
	s5 =	simm.s32 @!p2 $0x0  }
0x1d: {  	s5 =	simm.s32 @p1 $0x1;
	p0 =	seq.s32 s7, s2  }
0x1e: {  	s7 =	smul.u32 @!p0 $0xF7A, s2;
	p2 =	seq.s32 @!p0 s5, $0x0  }
0x1f: {  	s9 =	smul.u32 $0xF7A, s1;
	s8 =	simm.s32 @!p0 $0x1BF5;
	p2 =	por !p2, p0  }
0x20: {  	[sflag:s8] =	ssyncset.s32 @!p0 $0xFFFFF086;
	s6 =	sadd.s32 @!p0 s3, s7;
	s7 =	simm.s32 @!p0 $0x108  }
0x21: {  	s3 =	sadd.s32 s3, s9;
	s6 =	sadd.s32 @!p0 $0x88, s6;
	s7 =	simm.s32 @p2 $0x1082  }
0x22: {  	[simem:s7], [sflag:s8] =	dma.local @!p0 [hbm:s6], $0xF7A  }
0x23: {  	s9 =	sor.u32 $0xD0000000, s2;
	s6 =	simm.s32 $0x108;
	_ =	swait.ge @!p0 [sflag:s8], $0x0  }
0x24: {  	s3 =	sadd.s32 $0x88, s3;
	s6 =	simm.s32 @!p1 $0x1082;
	[sflag:s4] =	ssyncset.s32 $0xFFFFF086  }
0x25: {  	[simem:s6], [sflag:s4] =	dma.local [hbm:s3], $0xF7A  }
0x26: {  	[smem:$0x3F93] =	sst s1;
	(tag) =	ssettag s2;
	_ =	strace s9  }
0x27: {  	s1 =	sld [smem:$0x3FA3]  }
0x28: {  	s2 =	sld [smem:$0x3FA4]  }
0x29: {  	s4 =	sld [smem:$0x3FA6]  }
0x2a: {  	p0 =	seq.s32 s5, $0x0;
	s5 =	sld [smem:$0x3FA7]  }
0x2b: {  	s6 =	sld [smem:$0x3FA8]  }
0x2c: {  	s7 =	sld [smem:$0x3FA9]  }
0x2d: {  	s3 =	simm.s32 $0x108;
	s8 =	sld [smem:$0x3FAA]  }
0x2e: {  	s3 =	simm.s32 @!p0 $0x1082;
	s9 =	sld [smem:$0x3FAB]  }
0x2f: {  	lr =	sadd.s32 s0, s3;
	s0 =	sld [smem:$0x3FA2]  }
0x30: {  	s3 =	sld [smem:$0x3FA5]  }
0x31: {  	[smem:$0x3FAE] =	sst s10  }
0x32: {  	s10 =	sld [smem:$0x3FAC];
	_ =	sdelay $0x3  }
0x33: {  	p0 =	seq.s32 s10, $0x1;
	s10 =	sld [smem:$0x3FAE];
	_ =	sdelay $0x3  }
0x34: {  	[smem:$0x3FAE] =	sst s10  }
0x35: {  	s10 =	sld [smem:$0x3FAD];
	_ =	sdelay $0x3  }
0x36: {  	p1 =	seq.s32 s10, $0x1;
	s10 =	sld [smem:$0x3FAE];
	_ =	sdelay $0x3  }
0x37: {  	[smem:$0x3FAE] =	sst s10  }
0x38: {  	s10 =	sld [smem:$0x3FAF]  }
0x39: {  	_ = 	snop;
	(pc) =	sbr.ind lr, $3  }
0x3a: {  	_ = 	snop  }
0x3b: {  	_ = 	snop  }
0x3c: {  	p2 =	seq.s32 s10, $0x1;
	s10 =	sld [smem:$0x3FAE]  }
0x3d: {  	_ =	shalt  }
0x3e: {  	_ =	shalt  }
0x3f: {  	_ =	shalt  }
0x40: {  	_ =	shalt  }
0x41: {  	_ =	shalt  }
0x42: {  	_ =	shalt  }
0x43: {  	_ =	shalt  }
0x44: {  	_ =	shalt  }
0x45: {  	_ =	shalt  }
0x46: {  	_ =	shalt  }
0x47: {  	_ =	shalt  }
0x48: {  	_ =	shalt  }
0x49: {  	_ =	shalt  }
0x4a: {  	_ =	shalt  }
0x4b: {  	_ =	shalt  }
0x4c: {  	_ =	shalt  }
0x4d: {  	_ =	shalt  }
0x4e: {  	_ =	shalt  }
0x4f: {  	_ =	shalt  }
0x50: {  	_ =	shalt  }
0x51: {  	_ =	shalt  }
0x52: {  	_ =	shalt  }
0x53: {  	_ =	shalt  }
0x54: {  	_ =	shalt  }
0x55: {  	_ =	shalt  }
0x56: {  	_ =	shalt  }
0x57: {  	_ =	shalt  }
0x58: {  	_ =	shalt  }
0x59: {  	_ =	shalt  }
0x5a: {  	_ =	shalt  }
0x5b: {  	_ =	shalt  }
0x5c: {  	_ =	shalt  }
0x5d: {  	_ =	shalt  }
0x5e: {  	_ =	shalt  }
0x5f: {  	_ =	shalt  }
0x60: {  	_ =	shalt  }
0x61: {  	_ =	shalt  }
0x62: {  	_ =	shalt  }
0x63: {  	_ =	shalt  }
0x64: {  	_ =	shalt  }
0x65: {  	_ =	shalt  }
0x66: {  	_ =	shalt  }
0x67: {  	_ =	shalt  }
0x68: {  	_ =	shalt  }
0x69: {  	_ =	shalt  }
0x6a: {  	_ =	shalt  }
0x6b: {  	_ =	shalt  }
0x6c: {  	_ =	shalt  }
0x6d: {  	_ =	shalt  }
0x6e: {  	_ =	shalt  }
0x6f: {  	_ =	shalt  }
0x70: {  	_ =	shalt  }
0x71: {  	_ =	shalt  }
0x72: {  	_ =	shalt  }
0x73: {  	_ =	shalt  }
0x74: {  	_ =	shalt  }
0x75: {  	_ =	shalt  }
0x76: {  	_ =	shalt  }
0x77: {  	_ =	shalt  }
0x78: {  	_ =	shalt  }
0x79: {  	_ =	shalt  }
0x7a: {  	_ =	shalt  }
0x7b: {  	_ =	shalt  }
0x7c: {  	_ =	shalt  }
0x7d: {  	_ =	shalt  }
0x7e: {  	_ =	shalt  }
0x7f: {  	_ =	shalt  }
0x80: {  	_ =	shalt  }
0x81: {  	_ =	shalt  }
0x82: {  	_ =	shalt  }
0x83: {  	_ =	shalt  }
0x84: {  	_ =	shalt  }
0x85: {  	_ =	shalt  }
0x86: {  	_ =	shalt  }
0x87: {  	_ =	shalt  }
.Lfunc_end0:
.L_simem_size_0:
called_computation_lowered:
.L_overlay_start_0:
0x88: {  	s2 =	sld [smem:$0x3FD9]  }
0x89: {  	s3 =	sld [smem:$0x3FFE];
	_ =	sdelay $0x1  }
0x8a: {  	s1 =	srdreg.scid  }
0x8b: {  	s0 =	sand.u32 $0x1, s1  }
0x8c: {  	s16 =	sshll.u32 s0, $0xA;
	s2 =	sadd.s32 s3, s2  }
0x8d: {  	s2 =	sadd.s32 s2, s16  }
0x8e: {  	[smem:$0x3FBA] =	sst s2  }
0x8f: {  	_ = 	snop  }
0x90: {  	(tm) =	ssettm $0x1  }
0x91: {  	s17 =	sld [smem:$0x3FFB];
	_ =	sdelay $0x3  }
0x92: {  	_ =	strace s17  }
0x93: {  	s2 =	sld [smem:$0x3FFC];
	_ =	sdelay $0x3  }
0x94: {  	_ =	strace s2  }
0x95: {  	s2 =	sld [smem:$0x3FFD];
	_ =	sdelay $0x3  }
0x96: {  	_ =	strace s2  }
0x97: {  	_ =	strace $0x8FFFFFFF  }
0x98: {  	s18 =	sld [smem:$0x3FDB];
	_ =	sdelay $0x1  }
0x99: {  	s19 =	simm.s32 $_scs_section_size  }
0x9a: {  	s4 =	simm.s32 $_size__tile_overlayer_lowered;
	s5 =	simm.s32 $_tile_overlayer_lowered  }
0x9b: {  	s22 =	simm.s32 $0x1BFF;
	s21 =	sshll.u32 s5, $0x1;
	s2 =	sadd.s32 s19, s18  }
0x9c: {  	s6 =	simm.s32 $0x0;
	s20 =	sshll.u32 s4, $0x1;
	s4 =	sadd.s32 s21, s2  }
0x9d: {  	[timem:s6], [sflag:s22] =	dma.local [hbm:s4], s20  }
0x9e: {  	_ =	swait.ge [sflag:s22], s20  }
0x9f: {  	s3 =	ssub.s32 $0x0, s20;
	[sflag:s22] =	ssyncset.done $0x0  }
0xa0: {  	[sflag:s22] =	ssyncadd.s32 s3;
	_ =	sdelay $0x1  }
0xa1: {  	s23 =	simm.s32 $0x1B8B  }
0xa2: {  	_ =	swait.ge [sflag:s23], $0x1  }
0xa3: {  	[sflag:s23] =	ssyncset.done $0x0  }
0xa4: {  	s25 =	simm.s32 $0x1B8E;
	s24 =	sld [smem:$0x3FFE];
	[sflag:s23] =	ssyncadd.s32 $0xFFFFFFFF  }
0xa5: {  	s26 =	simm.s32 $execute0_lowered;
	[smem:$0x3FD2] =	sst s25  }
0xa6: {  	s4 =	sshll.u32 s26, $0x1;
	_ =	strace $0x80000046;
	[dreg:$0x1] =	wrdreg $0xFFFFFFFF  }
0xa7: {  	s28 =	simm.s32 $_size_execute0_lowered;
	s2 =	sadd.s32 s2, s4;
	[dreg:$0x0] =	wrdreg $0x0  }
0xa8: {  	s4 =	sshll.u32 s28, $0x1;
	[dreg:$0x2] =	wrdreg s2  }
0xa9: {  	[dreg:$0x3] =	wrdreg s4  }
0xaa: {  	[dreg:$0x4] =	wrdreg $0xC0  }
0xab: {  	_ =	task [dreg:s6], $0x5FFFF  }
0xac: {  	[dreg:$0x1] =	wrdreg $0xFFFFFFFF  }
0xad: {  	[dreg:$0x0] =	wrdreg $0x60  }
0xae: {  	[dreg:$0x2] =	wrdreg s24  }
0xaf: {  	[dreg:$0x3] =	wrdreg $0x9  }
0xb0: {  	_ =	task.clear_ibuf [dreg:s6], $0x4FFFF;
	_ =	strace $0x90000046  }
0xb1: {  	s29 =	simm.s32 $0x9;
	_ =	strace $0x80000048  }
0xb2: {  	_ =	swait.ge [sflag:s29], $0x1  }
0xb3: {  	[sflag:s29] =	ssyncadd.s32 $0xFFFFFFFF  }
0xb4: {  	_ =	strace $0x90000048  }
0xb5: {  	_ =	sfence  }
0xb6: {  	s30 =	sld [smem:$0x0];
	_ =	sdelay $0x2  }
0xb7: {  	s31 =	sshll.u32 s1, $0xD;
	s1 =	sshrl.u32 s1, $0x2  }
0xb8: {  	s3 =	sand.u32 $0x4000, s31;
	s1 =	sadd.s32 s1, s30  }
0xb9: {  	s0 =	sor.u32 s3, s0;
	s1 =	sshll.u32 s1, $0x11  }
0xba: {  	s0 =	sor.u32 s1, s0  }
0xbb: {  	s0 =	sadd.s32 $0x8F2B, s0  }
0xbc: {  	[sflag:s0] =	ssyncadd.remote.s32 $0x1  }
0xbd: {  	_ =	sfence.sel $0xFFFF  }
0xbe: {  	[dreg:$0x0] =	wrdreg $0xFFFFFFFF;
	(pc) =	sbr.abs _section_cstart, $3  }
0xbf: {  	[dreg:$0x1] =	wrdreg $0xFFFFFFFF  }
0xc0: {  	_ =	task.clear_ibuf [dreg:s6], $0x2FFFF;
	_ =	strace $0x9FFFFFFF  }
0xc1: {  	(tm) =	ssettm $0x7FFFFFFF  }
tec
execute0_lowered:
.L_overlay_start_1:
0x0: {  	(tag) =	ssettag $0x1  }
0x1: {  	s5 =	rddreg [dreg:$0x0]  }
0x2: {  	s0 =	rddreg [dreg:$0x1]  }
0x3: {  	s1 =	simm.s32 $0x0;
	s6 =	srdreg.scid;
	s2 =	stileid.u32  }
0x4: {  	s11 =	simm.s32 $0x2000;
	s12 =	simm.s32 $0x50;
	s13 =	simm.s32 $0x4000  }
0x5: {  	s14 =	simm.s32 $0x9000;
	s15 =	simm.s32 $0x3;
	s16 =	simm.s32 $0x4  }
0x6: {  	s17 =	simm.s32 $0x0;
	[smem:$0x7FF] =	sst s1;
	s3 =	sadd.s32 $0x18600, s5  }
0x7: {  	s4 =	sadd.s32 $0x3F800, s5;
	s6 =	sand.u32 $0x1, s6;
	s30 =	smul.u32 $0x14000, s2  }
0x8: {  	s7 =	sshll.u32 s2, $0xA;
	s8 =	sshll.u32 s6, $0xE;
	s9 =	smul.u32 $0x140000, s6  }
.Ltmp0:
0x9: {  	s6 =	ssub.s32 $0x2, s6;
	s7 =	sor.u32 s7, s8;
	(pc) =	sbr.rel .LBB2_1-.Ltmp0, $4  }
0xa: {  	_ =	strace $0x80000047;
	s31 =	sshrl.u32 s6, $0x1;
	s7 =	sadd.s32 s7, s5  }
0xb: {  	s9 =	sadd.s32 s9, s5;
	s10 =	ssub.s32 s6, s31;
	s5 =	sadd.s32 $0x10600, s7  }
0xc: {  	s9 =	sadd.s32 s30, s9;
	s6 =	sadd.s32 $0x8600, s7;
	s7 =	smax.u32 s10, $0x1  }
0xd: {  	s10 =	simm.s32 $0x5;
	s8 =	sadd.s32 $0x66A00, s9;
	s9 =	sadd.s32 $0x2E6A00, s9  }
.LBB2_7:
0xe: {  	_ =	swait.ge [sflag:s15], $0x2800  }
0xf: {  	[sflag:s15] =	ssyncset.done $0x0  }
0x10: {  	[sflag:s15] =	ssyncadd.s32 $0xFFFFD800  }
0x11: {  	_ =	swait.ge [sflag:s15], $0x2800  }
0x12: {  	[sflag:s15] =	ssyncset.done $0x0  }
0x13: {  	s17 =	sadd.s32 $0x1, s17;
	[sflag:s15] =	ssyncadd.s32 $0xFFFFD800  }
0x14: {  	p0 =	sne.s32 s17, s7;
	_ =	swait.ge [sflag:s16], $0x2800  }
.Ltmp1:
0x15: {  	[sflag:s16] =	ssyncset.done $0x0;
	(pc) =	sbr.rel @!p0 .LBB2_8-.Ltmp1, $4  }
0x16: {  	[sflag:s16] =	ssyncadd.s32 $0xFFFFD800  }
0x17: {  	_ =	swait.ge [sflag:s16], $0x2800  }
0x18: {  	[sflag:s16] =	ssyncset.done $0x0  }
0x19: {  	[sflag:s16] =	ssyncadd.s32 $0xFFFFD800  }
.LBB2_1:
0x1a: {  	[tilespmem:s1], [sflag:$0x5] =	stream.linear.gather [hbm4b:s5+s1], $0x2000, $0x38;
	[tilespmem:$0xE000] =	vst v63  }
0x1b: {  	_ =	swait.ge [sflag:s10], $0x2000  }
0x1c: {  	[sflag:s10] =	ssyncset.done $0x0  }
0x1d: {  	[sflag:s10] =	ssyncadd.s32 $0xFFFFE000  }
0x1e: {  	[tilespmem:s11], [sflag:$0x5] =	stream.linear.gather [hbm4b:s6+s1], $0x2000, $0x38;
	[tilespmem:$0xE000] =	vst v63  }
0x1f: {  	_ =	swait.ge [sflag:s10], $0x2000  }
.Ltmp2:
0x20: {  	[sflag:s10] =	ssyncset.done $0x0;
	(pc) =	sbr.rel .LBB2_2-.Ltmp2, $4  }
0x21: {  	s18 =	simm.s32 $0x80;
	s19 =	simm.s32 $0x2080;
	[sflag:s10] =	ssyncadd.s32 $0xFFFFE000  }
0x22: {  	[tilespmem:s13], [sflag:$0x1] =	stream.indirect.gather [hbm4b:s3+s12], $0x80, s1, s12, $0xb8;
	[tilespmem:$0xE000] =	vst v63  }
0x23: {  	s20 =	smov.u32 s9;
	s21 =	smov.u32 s8;
	s22 =	simm.s32 $0x0  }
0x24: {  	[tilespmem:s14], [sflag:$0x1] =	stream.indirect.gather [hbm4b:s4+s12], $0x80, s11, s12, $0xb8;
	[tilespmem:$0xE000] =	vst v63  }
.LBB2_5:
0x25: {  	s25 =	smul.u32 $0x2800, s24;
	_ =	sdelay $0x1  }
0x26: {  	s31 =	sadd.s32 $0x1, s24;
	s26 =	sor.u32 $0x4000, s25  }
0x27: {  	[tilespmem:s26], [sflag:s31] =	stream.indirect.gather [hbm4b:s3+s12], $0x80, s18, s12, $0xb8;
	[tilespmem:$0xE000] =	vst v63  }
0x28: {  	s25 =	sadd.s32 $0x9000, s25  }
0x29: {  	[tilespmem:s25], [sflag:s31] =	stream.indirect.gather [hbm4b:s4+s12], $0x80, s19, s12, $0xb8;
	[tilespmem:$0xE000] =	vst v63  }
.LBB2_6:
0x2a: {  	s24 =	sadd.s32 $0x1, s23  }
0x2b: {  	_ =	swait.ge [sflag:s24], $0x2800  }
0x2c: {  	[sflag:s24] =	ssyncset.done $0x0  }
0x2d: {  	[sflag:s24] =	ssyncadd.s32 $0xFFFFD800  }
0x2e: {  	s25 =	smul.u32 $0x2800, s23;
	s22 =	sadd.s32 $0x1, s22;
	_ =	swait.ge [sflag:s24], $0x2800  }
0x2f: {  	s29 =	sadd.s32 $0x3, s23;
	p0 =	sne.s32 s22, $0x40;
	[sflag:s24] =	ssyncset.done $0x0  }
.Ltmp3:
0x30: {  	s30 =	sor.u32 $0x4000, s25;
	[sflag:s24] =	ssyncadd.s32 $0xFFFFD800;
	(pc) =	sbr.rel @!p0 .LBB2_7-.Ltmp3, $4  }
0x31: {  	[hbm4b:s21+s1] =	stream.linear.scatter [tilespmem:s30], [sflag:s29], $0x2800, $0x38;
	[tilespmem:$0xE000] =	vst v63  }
0x32: {  	s18 =	sadd.s32 $0x80, s18;
	s31 =	sadd.s32 $0x9000, s25  }
0x33: {  	[hbm4b:s20+s1] =	stream.linear.scatter [tilespmem:s31], [sflag:s29], $0x2800, $0x38;
	[tilespmem:$0xE000] =	vst v63  }
0x34: {  	s19 =	sadd.s32 $0x80, s19;
	s21 =	sadd.s32 $0x500, s21;
	s20 =	sadd.s32 $0x500, s20  }
.LBB2_2:
0x35: {  	p0 =	seq.s32 s22, $0x0  }
.Ltmp4:
0x36: {  	_ = 	snop;
	(pc) =	sbr.rel @p0 .LBB2_5-.Ltmp4, $3  }
0x37: {  	_ =	sdelay $0x1  }
0x38: {  	s23 =	sand.u32 $0x1, s22  }
0x39: {  	s24 =	sxor.u32 $0x1, s23  }
0x3a: {  	p0 =	seq.s32 s22, $0x3F  }
.Ltmp5:
0x3b: {  	_ = 	snop;
	(pc) =	sbr.rel @p0 .LBB2_6-.Ltmp5, $1  }
0x3c: {  	_ =	sdelay $0x3  }
0x3d: {  	s25 =	sadd.s32 $0x3, s24  }
0x3e: {  	_ =	swait.ge [sflag:s25], $0x2800  }
.Ltmp6:
0x3f: {  	[sflag:s25] =	ssyncset.done $0x0;
	(pc) =	sbr.rel .LBB2_5-.Ltmp6, $4  }
0x40: {  	[sflag:s25] =	ssyncadd.s32 $0xFFFFD800  }
0x41: {  	_ =	swait.ge [sflag:s25], $0x2800  }
0x42: {  	[sflag:s25] =	ssyncset.done $0x0  }
0x43: {  	[sflag:s25] =	ssyncadd.s32 $0xFFFFD800  }
.LBB2_8:
0x44: {  	_ =	sfence.sel $0x180000  }
0x45: {  	[bflag:$0x0] =	sbarrier.arrive $0xFFFF  }
0x46: {  	p0 =	sne.s32 s2, $0x0;
	_ =	strace $0x90000047  }
0x47: {  	s0 =	sadd.s32 @!p0 $0x100000, s0;
	[bflag:$0x2] =	sbarrier.arrive $0xFFFF  }
0x48: {  	[sflag:s0] =	ssyncadd.tile.s32 @!p0 $0x1;
	_ =	shalt  }
.Lfunc_end2:
_tile_overlayer_lowered:
.L_overlay_start_2:
0x49: {  	(tag) =	ssettag $0x2  }
0x4a: {  	s0 =	rddreg [dreg:$0x0];
	s2 =	stileid.u32  }
0x4b: {  	s1 =	rddreg [dreg:$0x1];
	p0 =	sne.s32 s2, $0x0  }
0x4c: {  	s3 =	rddreg [dreg:$0x2];
	[bflag:$0x3] =	sbarrier.arrive $0xFFFF;
	s2 =	simm.s32 @!p0 $0x1C05  }
0x4d: {  	[timem:s3], [sflag:s2] =	dma.local @!p0 [hbm:s0], s1  }
0x4e: {  	s0 =	simm.s32 @!p0 $0x5  }
0x4f: {  	_ =	swait.ge @!p0 [sflag:s0], s1  }
0x50: {  	s1 =	ssub.s32 @!p0 $0x0, s1;
	[sflag:s0] =	ssyncset.done @!p0 $0x0  }
0x51: {  	[sflag:s0] =	ssyncadd.s32 @!p0 s1  }
0x52: {  	[bflag:$0x3] =	sbarrier.arrive $0xFFFF  }
0x53: {  	_ =	shalt  }

</sc_bundles>
